<compile_context>
chip_gen: v7x
topology: tpu7x:2x2x1
jax: 0.10.2.dev20260603
libtpu: 0.0.44.dev20260713+nightly
codegen_flags: <defaults>
</compile_context>

<pallas_src>
import functools

import jax
import jax.numpy as jnp
from jax import lax
from jax.experimental import pallas as pl
from jax.experimental.pallas import tpu as pltpu
from jax.experimental.pallas import tpu_sc as plsc

N = 10000
E = 320000
D = 128

NC = 2
NS = 16
NT = NC * NS
CH = 32
NB = 8
NCH = 313
PE = NT * NCH * CH
NPAD = 10240
RPT = NPAD // NS
BLK = 1024
SHIFT = 14
MASK = (1 << SHIFT) - 1


def _sc_mesh():
    return plsc.VectorSubcoreMesh(core_axis_name="c", subcore_axis_name="s")



@functools.partial(
    pl.kernel,
    out_type=jax.ShapeDtypeStruct((NC, NPAD), jnp.float32),
    mesh=_sc_mesh(),
    scratch_types=[
        pltpu.VMEM((NCH * CH,), jnp.int32),
        pltpu.VMEM((8, CH), jnp.int32),
        pltpu.VMEM((CH,), jnp.float32),
        pltpu.VMEM_SHARED((NPAD,), jnp.float32),
        pltpu.SemaphoreType.DMA((8,)),
    ],
)
def _sc_degree(pk_hbm, zrow_hbm, ones_hbm, deg_out, pidx, dstage, ones_v, acc,
               dsem):
    cid = lax.axis_index("c")
    sid = lax.axis_index("s")
    wid = cid * NS + sid
    pltpu.sync_copy(zrow_hbm, acc.at[pl.ds(sid * RPT, RPT)])
    pltpu.sync_copy(pk_hbm.at[wid], pidx)
    pltpu.sync_copy(ones_hbm, ones_v)
    plsc.subcore_barrier()

    def body(c, carry):
        b = lax.rem(c, 8)

        @pl.when(c >= 8)
        def _():
            pltpu.make_async_copy(ones_v, acc.at[dstage.at[b]],
                                  dsem.at[b]).wait()

        for j in range(CH // 16):
            p = pidx[pl.ds(c * CH + j * 16, 16)]
            dstage[b, pl.ds(j * 16, 16)] = jnp.right_shift(p, SHIFT)
        pltpu.async_copy(ones_v, acc.at[dstage.at[b]], dsem.at[b],
                         add=True)
        return carry

    lax.fori_loop(0, NCH, body, 0)
    for b in range(8):
        pltpu.make_async_copy(ones_v, acc.at[dstage.at[b]], dsem.at[b]).wait()
    plsc.subcore_barrier()
    pltpu.sync_copy(acc.at[pl.ds(sid * RPT, RPT)],
                    deg_out.at[cid, pl.ds(sid * RPT, RPT)])



@functools.partial(
    pl.kernel,
    out_type=jax.ShapeDtypeStruct((NC, NPAD, D), jnp.float32),
    mesh=_sc_mesh(),
    scratch_types=[
        pltpu.VMEM((NCH * CH,), jnp.int32),
        pltpu.VMEM((NB, CH), jnp.int32),
        pltpu.VMEM((NB, CH), jnp.int32),
        pltpu.VMEM((NB, CH, D), jnp.float32),
        pltpu.VMEM_SHARED((NPAD, D), jnp.float32),
        pltpu.SemaphoreType.DMA((NB,)),
    ],
)
def _sc_scatter(pk_hbm, y_hbm, zmat_hbm, out_hbm,
                pidx, gring, dring, rows, acc, sem):
    cid = lax.axis_index("c")
    sid = lax.axis_index("s")
    wid = cid * NS + sid
    pltpu.sync_copy(zmat_hbm, acc.at[pl.ds(sid * RPT, RPT)])
    pltpu.sync_copy(pk_hbm.at[wid], pidx)
    plsc.subcore_barrier()

    def unpack(c, b):
        for j in range(CH // 16):
            p = pidx[pl.ds(c * CH + j * 16, 16)]
            gring[b, pl.ds(j * 16, 16)] = jnp.bitwise_and(p, MASK)
            dring[b, pl.ds(j * 16, 16)] = jnp.right_shift(p, SHIFT)

    for b in range(NB):
        unpack(b, b)
        pltpu.async_copy(y_hbm.at[gring.at[b]], rows.at[b], sem.at[b])

    def body(c, carry):
        b = lax.rem(c, NB)
        pltpu.make_async_copy(y_hbm.at[gring.at[b]], rows.at[b],
                              sem.at[b]).wait()
        pltpu.sync_copy(rows.at[b], acc.at[dring.at[b]], add=True)

        @pl.when(c + NB < NCH)
        def _():
            unpack(c + NB, b)
            pltpu.async_copy(y_hbm.at[gring.at[b]], rows.at[b], sem.at[b])

        return carry

    lax.fori_loop(0, NCH, body, 0)
    plsc.subcore_barrier()
    pltpu.sync_copy(acc.at[pl.ds(sid * RPT, RPT)],
                    out_hbm.at[cid, pl.ds(sid * RPT, RPT)])



def _tcmm_body(x_ref, w_ref, xw_ref):
    xw_ref[...] = jnp.dot(x_ref[...], w_ref[...],
                          preferred_element_type=jnp.float32)


_tcmm = pl.pallas_call(
    _tcmm_body,
    grid=(NPAD // BLK,),
    in_specs=[
        pl.BlockSpec((BLK, D), lambda i: (i, 0)),
        pl.BlockSpec((D, D), lambda i: (0, 0)),
    ],
    out_specs=pl.BlockSpec((BLK, D), lambda i: (i, 0)),
    out_shape=jax.ShapeDtypeStruct((NPAD, D), jnp.float32),
)


def _tc1_body(xw_ref, deg_ref, y_ref, dinv_ref):
    deg = deg_ref[0, :] + deg_ref[1, :] + 1.0
    dinv = lax.rsqrt(jnp.maximum(deg, 1.0))
    y_ref[...] = xw_ref[...] * dinv[:, None]
    dinv_ref[...] = dinv[:, None]


_tc1 = pl.pallas_call(
    _tc1_body,
    grid=(NPAD // BLK,),
    in_specs=[
        pl.BlockSpec((BLK, D), lambda i: (i, 0)),
        pl.BlockSpec((NC, BLK), lambda i: (0, i)),
    ],
    out_specs=[
        pl.BlockSpec((BLK, D), lambda i: (i, 0)),
        pl.BlockSpec((BLK, 1), lambda i: (i, 0)),
    ],
    out_shape=[
        jax.ShapeDtypeStruct((NPAD, D), jnp.float32),
        jax.ShapeDtypeStruct((NPAD, 1), jnp.float32),
    ],
)


def _tc2_body(p_ref, y1_ref, dinv_ref, b_ref, w_ref, y2_ref):
    i = pl.program_id(0)
    s = p_ref[0] + p_ref[1] + y1_ref[...]
    pre = s * dinv_ref[...] + b_ref[...]
    rows = lax.broadcasted_iota(jnp.int32, (BLK, D), 0) + i * BLK
    h = jnp.where(rows < N, jnp.maximum(pre, 0.0), 0.0)
    y2_ref[...] = (
        jnp.dot(h, w_ref[...], preferred_element_type=jnp.float32)
        * dinv_ref[...]
    )


_tc2 = pl.pallas_call(
    _tc2_body,
    grid=(NPAD // BLK,),
    in_specs=[
        pl.BlockSpec((NC, BLK, D), lambda i: (0, i, 0)),
        pl.BlockSpec((BLK, D), lambda i: (i, 0)),
        pl.BlockSpec((BLK, 1), lambda i: (i, 0)),
        pl.BlockSpec((1, D), lambda i: (0, 0)),
        pl.BlockSpec((D, D), lambda i: (0, 0)),
    ],
    out_specs=pl.BlockSpec((BLK, D), lambda i: (i, 0)),
    out_shape=jax.ShapeDtypeStruct((NPAD, D), jnp.float32),
)


def _tc3_body(p_ref, y2_ref, dinv_ref, b_ref, o_ref):
    o = (p_ref[0] + p_ref[1] + y2_ref[...]) * dinv_ref[...] + b_ref[...]
    m = jnp.max(o, axis=1, keepdims=True)
    z = o - m
    lse = jnp.log(jnp.sum(jnp.exp(z), axis=1, keepdims=True))
    o_ref[...] = z - lse


_tc3 = pl.pallas_call(
    _tc3_body,
    grid=(NPAD // BLK,),
    in_specs=[
        pl.BlockSpec((NC, BLK, D), lambda i: (0, i, 0)),
        pl.BlockSpec((BLK, D), lambda i: (i, 0)),
        pl.BlockSpec((BLK, 1), lambda i: (i, 0)),
        pl.BlockSpec((1, D), lambda i: (0, 0)),
    ],
    out_specs=pl.BlockSpec((BLK, D), lambda i: (i, 0)),
    out_shape=jax.ShapeDtypeStruct((NPAD, D), jnp.float32),
)



def kernel(x, edge_index, W1, b1, W2, b2):
    x = x.astype(jnp.float32)
    xpad = jnp.zeros((NPAD, D), jnp.float32).at[:N].set(x)
    pad = PE - E
    padv = jnp.full((pad,), N | (N << SHIFT), jnp.int32)
    packed = jnp.bitwise_or(edge_index[0],
                            jnp.left_shift(edge_index[1], SHIFT))
    packed = jnp.concatenate([packed, padv]).reshape(NT, NCH * CH)
    zrow = jnp.zeros((RPT,), jnp.float32)
    zmat = jnp.zeros((RPT, D), jnp.float32)
    ones = jnp.ones((CH,), jnp.float32)

    degp = _sc_degree(packed, zrow, ones)
    xw1 = _tcmm(xpad, W1)
    y1, dinv = _tc1(xw1, degp)
    parts1 = _sc_scatter(packed, y1, zmat)
    y2 = _tc2(parts1, y1, dinv, b1.reshape(1, D), W2)
    parts2 = _sc_scatter(packed, y2, zmat)
    out = _tc3(parts2, y2, dinv, b2.reshape(1, D))
    return out[:N]

# --- scband reference (transcript-rebuilt; emitter-appended) ---
"""Pipeline reference for scband-gcn-14070312862077 (READ-ONLY COPY).

The authoritative reference and input builder live on the scoring server;
editing this copy changes nothing except your own understanding.
"""

import jax, jax.numpy as jnp
import numpy as np

N = 10000
E = 320000
D_IN = 128
D_HID = 128
D_OUT = 128


def gcn_conv(x, edge_index, W, b):
    n = x.shape[0]
    loop = jnp.arange(n, dtype=edge_index.dtype)
    src = jnp.concatenate([edge_index[0], loop])
    dst = jnp.concatenate([edge_index[1], loop])
    deg = jnp.zeros((n,), dtype=x.dtype).at[dst].add(1.0)
    dinv = jax.lax.rsqrt(jnp.maximum(deg, 1.0))
    norm = dinv[src] * dinv[dst]
    xw = x @ W
    msg = jnp.take(xw, src, axis=0) * norm[:, None]
    out = jax.ops.segment_sum(msg, dst, num_segments=n)
    return out + b


def setup_inputs(seed: int = 0) -> dict:
    key = jax.random.key(seed)
    ks = jax.random.split(key, 6)
    x = jax.random.normal(ks[0], (N, D_IN), dtype=jnp.float32)
    edge_index = jax.random.randint(ks[1], (2, E), 0, N, dtype=jnp.int32)
    W1 = jax.random.normal(ks[2], (D_IN, D_HID), dtype=jnp.float32) * (1.0 / np.sqrt(D_IN))
    b1 = jnp.zeros((D_HID,), dtype=jnp.float32)
    W2 = jax.random.normal(ks[3], (D_HID, D_OUT), dtype=jnp.float32) * (1.0 / np.sqrt(D_HID))
    b2 = jnp.zeros((D_OUT,), dtype=jnp.float32)
    return {"x": x, "edge_index": edge_index, "W1": W1, "b1": b1, "W2": W2, "b2": b2}


def reference(x, edge_index, W1, b1, W2, b2):
    # GCN with num_layers=2, batch=None path:
    # x = relu(first_conv(x, edge_index)); x = last_conv(x, edge_index); log_softmax
    h = jax.nn.relu(gcn_conv(x, edge_index, W1, b1))
    out = gcn_conv(h, edge_index, W2, b2)
    return jax.nn.log_softmax(out, axis=-1)

if __name__ == "__main__":
    import jax
    _d = setup_inputs()
    print(jax.jit(kernel)(*tuple(_d.values())))

</pallas_src>

<mosaic_0001>
#map = affine_map<(d0, d1) -> (0, 0)>
#map1 = affine_map<(d0, d1) -> (0, 0, 0)>
module attributes {stable_mosaic.version = 14 : i64} {
  func.func @_sc_scatter(%arg0: i32, %arg1: i32, %arg2: memref<32x10016xi32, #tpu.memory_space<hbm>>, %arg3: memref<10240x128xf32, #tpu.memory_space<hbm>>, %arg4: memref<640x128xf32, #tpu.memory_space<hbm>>, %arg5: memref<2x10240x128xf32, #tpu.memory_space<hbm>>, %arg6: memref<10016xi32, #tpu.memory_space<vmem>>, %arg7: memref<8x32xi32, #tpu.memory_space<vmem>>, %arg8: memref<8x32xi32, #tpu.memory_space<vmem>>, %arg9: memref<8x32x128xf32, #tpu.memory_space<vmem>>, %arg10: memref<10240x128xf32, #tpu.memory_space<vmem_shared>>, %arg11: memref<8x!tpu.dma_semaphore, #tpu.memory_space<semaphore_mem>>) attributes {dimension_semantics = [#tpu.dimension_semantics<core_parallel>, #tpu.dimension_semantics<subcore_parallel>], iteration_bounds = array<i64: 2, 16>, scalar_prefetch = 0 : i64, scratch_operands = 6 : i64, tpu.core_type = #tpu.core_type<sc_vector_subcore>, window_params = [{transform_indices = #map}, {transform_indices = #map}, {transform_indices = #map}, {transform_indices = #map1}]} {
    %mul3A = arith.constant 16 : i32
    %mul3A_0 = arith.muli %arg0, %mul3A : i32
    %add3A = arith.addi %mul3A_0, %arg1 : i32
    %mul3A_1 = arith.constant 640 : i32
    %mul3A_2 = arith.muli %arg1, %mul3A_1 : i32
    "tpu.region"() ({
      %run_scoped3A = tpu.sem_alloc : memref<!tpu.dma_semaphore, #tpu.memory_space<semaphore_mem>>
      %dma_start3A_464 = arith.constant 0 : i32
      %dma_start3A_465 = tpu.memref_slice %arg10[%mul3A_2, %dma_start3A_464] : memref<10240x128xf32, #tpu.memory_space<vmem_shared>> -> memref<640x128xf32, #tpu.memory_space<vmem_shared>>
      tpu.enqueue_dma source(%arg4 : memref<640x128xf32, #tpu.memory_space<hbm>>) target(%dma_start3A_465 : memref<640x128xf32, #tpu.memory_space<vmem_shared>>) target_semaphore(%run_scoped3A : memref<!tpu.dma_semaphore, #tpu.memory_space<semaphore_mem>>)
      %dma_wait3A = arith.constant 0 : i32
      %dma_wait3A_466 = tpu.memref_slice %arg10[%mul3A_2, %dma_wait3A] : memref<10240x128xf32, #tpu.memory_space<vmem_shared>> -> memref<640x128xf32, #tpu.memory_space<vmem_shared>>
      tpu.wait_dma2 semaphore(%run_scoped3A : memref<!tpu.dma_semaphore, #tpu.memory_space<semaphore_mem>>) src(%arg4 : memref<640x128xf32, #tpu.memory_space<hbm>>) dst(%dma_wait3A_466 : memref<640x128xf32, #tpu.memory_space<vmem_shared>>)
      tpu.yield
    }) : () -> ()
    "tpu.region"() ({
      %run_scoped3A = tpu.sem_alloc : memref<!tpu.dma_semaphore, #tpu.memory_space<semaphore_mem>>
      %dma_start3A_464 = arith.constant 0 : i32
      %dma_start3A_465 = tpu.memref_slice %arg2[%add3A, %dma_start3A_464] : memref<32x10016xi32, #tpu.memory_space<hbm>> -> memref<1x10016xi32, #tpu.memory_space<hbm>>
      %dma_start3A_466 = tpu.memref_squeeze %dma_start3A_465 : memref<1x10016xi32, #tpu.memory_space<hbm>> -> memref<10016xi32, #tpu.memory_space<hbm>>
      %dma_start3A_467 = arith.constant 0 : i32
      %dma_start3A_468 = tpu.memref_slice %arg2[%add3A, %dma_start3A_467] : memref<32x10016xi32, #tpu.memory_space<hbm>> -> memref<1x10016xi32, #tpu.memory_space<hbm>>
      %dma_start3A_469 = tpu.memref_squeeze %dma_start3A_468 : memref<1x10016xi32, #tpu.memory_space<hbm>> -> memref<10016xi32, #tpu.memory_space<hbm>>
      tpu.enqueue_dma source(%dma_start3A_469 : memref<10016xi32, #tpu.memory_space<hbm>>) target(%arg6 : memref<10016xi32, #tpu.memory_space<vmem>>) target_semaphore(%run_scoped3A : memref<!tpu.dma_semaphore, #tpu.memory_space<semaphore_mem>>)
      %dma_wait3A = arith.constant 0 : i32
      %dma_wait3A_470 = tpu.memref_slice %arg2[%add3A, %dma_wait3A] : memref<32x10016xi32, #tpu.memory_space<hbm>> -> memref<1x10016xi32, #tpu.memory_space<hbm>>
      %dma_wait3A_471 = tpu.memref_squeeze %dma_wait3A_470 : memref<1x10016xi32, #tpu.memory_space<hbm>> -> memref<10016xi32, #tpu.memory_space<hbm>>
      %dma_wait3A_472 = arith.constant 0 : i32
      %dma_wait3A_473 = tpu.memref_slice %arg2[%add3A, %dma_wait3A_472] : memref<32x10016xi32, #tpu.memory_space<hbm>> -> memref<1x10016xi32, #tpu.memory_space<hbm>>
      %dma_wait3A_474 = tpu.memref_squeeze %dma_wait3A_473 : memref<1x10016xi32, #tpu.memory_space<hbm>> -> memref<10016xi32, #tpu.memory_space<hbm>>
      tpu.wait_dma2 semaphore(%run_scoped3A : memref<!tpu.dma_semaphore, #tpu.memory_space<semaphore_mem>>) src(%dma_wait3A_474 : memref<10016xi32, #tpu.memory_space<hbm>>) dst(%arg6 : memref<10016xi32, #tpu.memory_space<vmem>>)
      tpu.yield
    }) : () -> ()
    %barrier3A = arith.constant 0 : index
    tpu.barrier barrier_id(%barrier3A)
    %get3A = arith.constant 0 : index
    %get3A_3 = tpu.vector_load %arg6[%get3A] {strides = array<i32>} : memref<10016xi32, #tpu.memory_space<vmem>>, vector<16xi32>,
    %get3A_4 = vector.shape_cast %get3A_3 : vector<16xi32> to vector<16xi32>
    %and3A = arith.constant 16383 : i32
    %and3A_5 = vector.broadcast %and3A : i32 to vector<16xi32>
    %and3A_6 = arith.andi %get3A_4, %and3A_5 : vector<16xi32>
    %swap3A = arith.constant 0 : i32
    %swap3A_7 = arith.index_cast %swap3A : i32 to index
    %swap3A_8 = arith.constant 0 : index
    %swap3A_9 = tpu.vector_load %arg7[%swap3A_7, %swap3A_8] {strides = array<i32>} : memref<8x32xi32, #tpu.memory_space<vmem>>, vector<1x16xi32>,
    %swap3A_10 = vector.shape_cast %swap3A_9 : vector<1x16xi32> to vector<16xi32>
    %swap3A_11 = vector.shape_cast %and3A_6 : vector<16xi32> to vector<1x16xi32>
    tpu.vector_store %arg7[%swap3A_7, %swap3A_8], %swap3A_11 {strides = array<i32>} : memref<8x32xi32, #tpu.memory_space<vmem>>, vector<1x16xi32>,
    %shift_right_arithmetic3A = arith.constant 14 : i32
    %shift_right_arithmetic3A_12 = vector.broadcast %shift_right_arithmetic3A : i32 to vector<16xi32>
    %shift_right_arithmetic3A_13 = arith.shrsi %get3A_4, %shift_right_arithmetic3A_12 : vector<16xi32>
    %swap3A_14 = arith.constant 0 : i32
    %swap3A_15 = arith.index_cast %swap3A_14 : i32 to index
    %swap3A_16 = arith.constant 0 : index
    %swap3A_17 = tpu.vector_load %arg8[%swap3A_15, %swap3A_16] {strides = array<i32>} : memref<8x32xi32, #tpu.memory_space<vmem>>, vector<1x16xi32>,
    %swap3A_18 = vector.shape_cast %swap3A_17 : vector<1x16xi32> to vector<16xi32>
    %swap3A_19 = vector.shape_cast %shift_right_arithmetic3A_13 : vector<16xi32> to vector<1x16xi32>
    tpu.vector_store %arg8[%swap3A_15, %swap3A_16], %swap3A_19 {strides = array<i32>} : memref<8x32xi32, #tpu.memory_space<vmem>>, vector<1x16xi32>,
    %get3A_20 = arith.constant 16 : index
    %get3A_21 = tpu.vector_load %arg6[%get3A_20] {strides = array<i32>} : memref<10016xi32, #tpu.memory_space<vmem>>, vector<16xi32>,
    %get3A_22 = vector.shape_cast %get3A_21 : vector<16xi32> to vector<16xi32>
    %and3A_23 = arith.constant 16383 : i32
    %and3A_24 = vector.broadcast %and3A_23 : i32 to vector<16xi32>
    %and3A_25 = arith.andi %get3A_22, %and3A_24 : vector<16xi32>
    %swap3A_26 = arith.constant 0 : i32
    %swap3A_27 = arith.index_cast %swap3A_26 : i32 to index
    %swap3A_28 = arith.constant 16 : index
    %swap3A_29 = tpu.vector_load %arg7[%swap3A_27, %swap3A_28] {strides = array<i32>} : memref<8x32xi32, #tpu.memory_space<vmem>>, vector<1x16xi32>,
    %swap3A_30 = vector.shape_cast %swap3A_29 : vector<1x16xi32> to vector<16xi32>
    %swap3A_31 = vector.shape_cast %and3A_25 : vector<16xi32> to vector<1x16xi32>
    tpu.vector_store %arg7[%swap3A_27, %swap3A_28], %swap3A_31 {strides = array<i32>} : memref<8x32xi32, #tpu.memory_space<vmem>>, vector<1x16xi32>,
    %shift_right_arithmetic3A_32 = arith.constant 14 : i32
    %shift_right_arithmetic3A_33 = vector.broadcast %shift_right_arithmetic3A_32 : i32 to vector<16xi32>
    %shift_right_arithmetic3A_34 = arith.shrsi %get3A_22, %shift_right_arithmetic3A_33 : vector<16xi32>
    %swap3A_35 = arith.constant 0 : i32
    %swap3A_36 = arith.index_cast %swap3A_35 : i32 to index
    %swap3A_37 = arith.constant 16 : index
    %swap3A_38 = tpu.vector_load %arg8[%swap3A_36, %swap3A_37] {strides = array<i32>} : memref<8x32xi32, #tpu.memory_space<vmem>>, vector<1x16xi32>,
    %swap3A_39 = vector.shape_cast %swap3A_38 : vector<1x16xi32> to vector<16xi32>
    %swap3A_40 = vector.shape_cast %shift_right_arithmetic3A_34 : vector<16xi32> to vector<1x16xi32>
    tpu.vector_store %arg8[%swap3A_36, %swap3A_37], %swap3A_40 {strides = array<i32>} : memref<8x32xi32, #tpu.memory_space<vmem>>, vector<1x16xi32>,
    %dma_start3A = arith.constant 0 : i32
    %dma_start3A_41 = arith.constant 0 : i32
    %dma_start3A_42 = arith.constant 0 : i32
    %dma_start3A_43 = arith.constant 0 : i32
    %dma_start3A_44 = arith.constant 0 : i32
    %dma_start3A_45 = tpu.memref_slice %arg9[%dma_start3A_41, %dma_start3A_43, %dma_start3A_44] : memref<8x32x128xf32, #tpu.memory_space<vmem>> -> memref<1x32x128xf32, #tpu.memory_space<vmem>>
    %dma_start3A_46 = tpu.memref_squeeze %dma_start3A_45 : memref<1x32x128xf32, #tpu.memory_space<vmem>> -> memref<32x128xf32, #tpu.memory_space<vmem>>
    %dma_start3A_47 = arith.constant 0 : i32
    %dma_start3A_48 = tpu.memref_slice %arg7[%dma_start3A, %dma_start3A_47] : memref<8x32xi32, #tpu.memory_space<vmem>> -> memref<1x32xi32, #tpu.memory_space<vmem>>
    %dma_start3A_49 = tpu.memref_squeeze %dma_start3A_48 : memref<1x32xi32, #tpu.memory_space<vmem>> -> memref<32xi32, #tpu.memory_space<vmem>>
    %dma_start3A_50 = arith.constant 0 : i32
    %dma_start3A_51 = arith.constant 0 : i32
    %dma_start3A_52 = tpu.memref_slice %arg3[%dma_start3A_50, %dma_start3A_51] : memref<10240x128xf32, #tpu.memory_space<hbm>> -> memref<10240x128xf32, #tpu.memory_space<hbm>>
    %dma_start3A_53 = tpu.memref_slice %arg11[%dma_start3A_42] : memref<8x!tpu.dma_semaphore, #tpu.memory_space<semaphore_mem>> -> memref<1x!tpu.dma_semaphore, #tpu.memory_space<semaphore_mem>>
    %dma_start3A_54 = tpu.memref_squeeze %dma_start3A_53 : memref<1x!tpu.dma_semaphore, #tpu.memory_space<semaphore_mem>> -> memref<!tpu.dma_semaphore, #tpu.memory_space<semaphore_mem>>
    tpu.enqueue_indirect_dma source(%dma_start3A_52 : memref<10240x128xf32, #tpu.memory_space<hbm>>) target(%dma_start3A_46 : memref<32x128xf32, #tpu.memory_space<vmem>>) offsets(%dma_start3A_49 : memref<32xi32, #tpu.memory_space<vmem>>) semaphore(%dma_start3A_54 : memref<!tpu.dma_semaphore, #tpu.memory_space<semaphore_mem>>)
    %get3A_55 = arith.constant 32 : index
    %get3A_56 = tpu.vector_load %arg6[%get3A_55] {strides = array<i32>} : memref<10016xi32, #tpu.memory_space<vmem>>, vector<16xi32>,
    %get3A_57 = vector.shape_cast %get3A_56 : vector<16xi32> to vector<16xi32>
    %and3A_58 = arith.constant 16383 : i32
    %and3A_59 = vector.broadcast %and3A_58 : i32 to vector<16xi32>
    %and3A_60 = arith.andi %get3A_57, %and3A_59 : vector<16xi32>
    %swap3A_61 = arith.constant 1 : i32
    %swap3A_62 = arith.index_cast %swap3A_61 : i32 to index
    %swap3A_63 = arith.constant 0 : index
    %swap3A_64 = tpu.vector_load %arg7[%swap3A_62, %swap3A_63] {strides = array<i32>} : memref<8x32xi32, #tpu.memory_space<vmem>>, vector<1x16xi32>,
    %swap3A_65 = vector.shape_cast %swap3A_64 : vector<1x16xi32> to vector<16xi32>
    %swap3A_66 = vector.shape_cast %and3A_60 : vector<16xi32> to vector<1x16xi32>
    tpu.vector_store %arg7[%swap3A_62, %swap3A_63], %swap3A_66 {strides = array<i32>} : memref<8x32xi32, #tpu.memory_space<vmem>>, vector<1x16xi32>,
    %shift_right_arithmetic3A_67 = arith.constant 14 : i32
    %shift_right_arithmetic3A_68 = vector.broadcast %shift_right_arithmetic3A_67 : i32 to vector<16xi32>
    %shift_right_arithmetic3A_69 = arith.shrsi %get3A_57, %shift_right_arithmetic3A_68 : vector<16xi32>
    %swap3A_70 = arith.constant 1 : i32
    %swap3A_71 = arith.index_cast %swap3A_70 : i32 to index
    %swap3A_72 = arith.constant 0 : index
    %swap3A_73 = tpu.vector_load %arg8[%swap3A_71, %swap3A_72] {strides = array<i32>} : memref<8x32xi32, #tpu.memory_space<vmem>>, vector<1x16xi32>,
    %swap3A_74 = vector.shape_cast %swap3A_73 : vector<1x16xi32> to vector<16xi32>
    %swap3A_75 = vector.shape_cast %shift_right_arithmetic3A_69 : vector<16xi32> to vector<1x16xi32>
    tpu.vector_store %arg8[%swap3A_71, %swap3A_72], %swap3A_75 {strides = array<i32>} : memref<8x32xi32, #tpu.memory_space<vmem>>, vector<1x16xi32>,
    %get3A_76 = arith.constant 48 : index
    %get3A_77 = tpu.vector_load %arg6[%get3A_76] {strides = array<i32>} : memref<10016xi32, #tpu.memory_space<vmem>>, vector<16xi32>,
    %get3A_78 = vector.shape_cast %get3A_77 : vector<16xi32> to vector<16xi32>
    %and3A_79 = arith.constant 16383 : i32
    %and3A_80 = vector.broadcast %and3A_79 : i32 to vector<16xi32>
    %and3A_81 = arith.andi %get3A_78, %and3A_80 : vector<16xi32>
    %swap3A_82 = arith.constant 1 : i32
    %swap3A_83 = arith.index_cast %swap3A_82 : i32 to index
    %swap3A_84 = arith.constant 16 : index
    %swap3A_85 = tpu.vector_load %arg7[%swap3A_83, %swap3A_84] {strides = array<i32>} : memref<8x32xi32, #tpu.memory_space<vmem>>, vector<1x16xi32>,
    %swap3A_86 = vector.shape_cast %swap3A_85 : vector<1x16xi32> to vector<16xi32>
    %swap3A_87 = vector.shape_cast %and3A_81 : vector<16xi32> to vector<1x16xi32>
    tpu.vector_store %arg7[%swap3A_83, %swap3A_84], %swap3A_87 {strides = array<i32>} : memref<8x32xi32, #tpu.memory_space<vmem>>, vector<1x16xi32>,
    %shift_right_arithmetic3A_88 = arith.constant 14 : i32
    %shift_right_arithmetic3A_89 = vector.broadcast %shift_right_arithmetic3A_88 : i32 to vector<16xi32>
    %shift_right_arithmetic3A_90 = arith.shrsi %get3A_78, %shift_right_arithmetic3A_89 : vector<16xi32>
    %swap3A_91 = arith.constant 1 : i32
    %swap3A_92 = arith.index_cast %swap3A_91 : i32 to index
    %swap3A_93 = arith.constant 16 : index
    %swap3A_94 = tpu.vector_load %arg8[%swap3A_92, %swap3A_93] {strides = array<i32>} : memref<8x32xi32, #tpu.memory_space<vmem>>, vector<1x16xi32>,
    %swap3A_95 = vector.shape_cast %swap3A_94 : vector<1x16xi32> to vector<16xi32>
    %swap3A_96 = vector.shape_cast %shift_right_arithmetic3A_90 : vector<16xi32> to vector<1x16xi32>
    tpu.vector_store %arg8[%swap3A_92, %swap3A_93], %swap3A_96 {strides = array<i32>} : memref<8x32xi32, #tpu.memory_space<vmem>>, vector<1x16xi32>,
    %dma_start3A_97 = arith.constant 1 : i32
    %dma_start3A_98 = arith.constant 1 : i32
    %dma_start3A_99 = arith.constant 1 : i32
    %dma_start3A_100 = arith.constant 0 : i32
    %dma_start3A_101 = arith.constant 0 : i32
    %dma_start3A_102 = tpu.memref_slice %arg9[%dma_start3A_98, %dma_start3A_100, %dma_start3A_101] : memref<8x32x128xf32, #tpu.memory_space<vmem>> -> memref<1x32x128xf32, #tpu.memory_space<vmem>>
    %dma_start3A_103 = tpu.memref_squeeze %dma_start3A_102 : memref<1x32x128xf32, #tpu.memory_space<vmem>> -> memref<32x128xf32, #tpu.memory_space<vmem>>
    %dma_start3A_104 = arith.constant 0 : i32
    %dma_start3A_105 = tpu.memref_slice %arg7[%dma_start3A_97, %dma_start3A_104] : memref<8x32xi32, #tpu.memory_space<vmem>> -> memref<1x32xi32, #tpu.memory_space<vmem>>
    %dma_start3A_106 = tpu.memref_squeeze %dma_start3A_105 : memref<1x32xi32, #tpu.memory_space<vmem>> -> memref<32xi32, #tpu.memory_space<vmem>>
    %dma_start3A_107 = arith.constant 0 : i32
    %dma_start3A_108 = arith.constant 0 : i32
    %dma_start3A_109 = tpu.memref_slice %arg3[%dma_start3A_107, %dma_start3A_108] : memref<10240x128xf32, #tpu.memory_space<hbm>> -> memref<10240x128xf32, #tpu.memory_space<hbm>>
    %dma_start3A_110 = tpu.memref_slice %arg11[%dma_start3A_99] : memref<8x!tpu.dma_semaphore, #tpu.memory_space<semaphore_mem>> -> memref<1x!tpu.dma_semaphore, #tpu.memory_space<semaphore_mem>>
    %dma_start3A_111 = tpu.memref_squeeze %dma_start3A_110 : memref<1x!tpu.dma_semaphore, #tpu.memory_space<semaphore_mem>> -> memref<!tpu.dma_semaphore, #tpu.memory_space<semaphore_mem>>
    tpu.enqueue_indirect_dma source(%dma_start3A_109 : memref<10240x128xf32, #tpu.memory_space<hbm>>) target(%dma_start3A_103 : memref<32x128xf32, #tpu.memory_space<vmem>>) offsets(%dma_start3A_106 : memref<32xi32, #tpu.memory_space<vmem>>) semaphore(%dma_start3A_111 : memref<!tpu.dma_semaphore, #tpu.memory_space<semaphore_mem>>)
    %get3A_112 = arith.constant 64 : index
    %get3A_113 = tpu.vector_load %arg6[%get3A_112] {strides = array<i32>} : memref<10016xi32, #tpu.memory_space<vmem>>, vector<16xi32>,
    %get3A_114 = vector.shape_cast %get3A_113 : vector<16xi32> to vector<16xi32>
    %and3A_115 = arith.constant 16383 : i32
    %and3A_116 = vector.broadcast %and3A_115 : i32 to vector<16xi32>
    %and3A_117 = arith.andi %get3A_114, %and3A_116 : vector<16xi32>
    %swap3A_118 = arith.constant 2 : i32
    %swap3A_119 = arith.index_cast %swap3A_118 : i32 to index
    %swap3A_120 = arith.constant 0 : index
    %swap3A_121 = tpu.vector_load %arg7[%swap3A_119, %swap3A_120] {strides = array<i32>} : memref<8x32xi32, #tpu.memory_space<vmem>>, vector<1x16xi32>,
    %swap3A_122 = vector.shape_cast %swap3A_121 : vector<1x16xi32> to vector<16xi32>
    %swap3A_123 = vector.shape_cast %and3A_117 : vector<16xi32> to vector<1x16xi32>
    tpu.vector_store %arg7[%swap3A_119, %swap3A_120], %swap3A_123 {strides = array<i32>} : memref<8x32xi32, #tpu.memory_space<vmem>>, vector<1x16xi32>,
    %shift_right_arithmetic3A_124 = arith.constant 14 : i32
    %shift_right_arithmetic3A_125 = vector.broadcast %shift_right_arithmetic3A_124 : i32 to vector<16xi32>
    %shift_right_arithmetic3A_126 = arith.shrsi %get3A_114, %shift_right_arithmetic3A_125 : vector<16xi32>
    %swap3A_127 = arith.constant 2 : i32
    %swap3A_128 = arith.index_cast %swap3A_127 : i32 to index
    %swap3A_129 = arith.constant 0 : index
    %swap3A_130 = tpu.vector_load %arg8[%swap3A_128, %swap3A_129] {strides = array<i32>} : memref<8x32xi32, #tpu.memory_space<vmem>>, vector<1x16xi32>,
    %swap3A_131 = vector.shape_cast %swap3A_130 : vector<1x16xi32> to vector<16xi32>
    %swap3A_132 = vector.shape_cast %shift_right_arithmetic3A_126 : vector<16xi32> to vector<1x16xi32>
    tpu.vector_store %arg8[%swap3A_128, %swap3A_129], %swap3A_132 {strides = array<i32>} : memref<8x32xi32, #tpu.memory_space<vmem>>, vector<1x16xi32>,
    %get3A_133 = arith.constant 80 : index
    %get3A_134 = tpu.vector_load %arg6[%get3A_133] {strides = array<i32>} : memref<10016xi32, #tpu.memory_space<vmem>>, vector<16xi32>,
    %get3A_135 = vector.shape_cast %get3A_134 : vector<16xi32> to vector<16xi32>
    %and3A_136 = arith.constant 16383 : i32
    %and3A_137 = vector.broadcast %and3A_136 : i32 to vector<16xi32>
    %and3A_138 = arith.andi %get3A_135, %and3A_137 : vector<16xi32>
    %swap3A_139 = arith.constant 2 : i32
    %swap3A_140 = arith.index_cast %swap3A_139 : i32 to index
    %swap3A_141 = arith.constant 16 : index
    %swap3A_142 = tpu.vector_load %arg7[%swap3A_140, %swap3A_141] {strides = array<i32>} : memref<8x32xi32, #tpu.memory_space<vmem>>, vector<1x16xi32>,
    %swap3A_143 = vector.shape_cast %swap3A_142 : vector<1x16xi32> to vector<16xi32>
    %swap3A_144 = vector.shape_cast %and3A_138 : vector<16xi32> to vector<1x16xi32>
    tpu.vector_store %arg7[%swap3A_140, %swap3A_141], %swap3A_144 {strides = array<i32>} : memref<8x32xi32, #tpu.memory_space<vmem>>, vector<1x16xi32>,
    %shift_right_arithmetic3A_145 = arith.constant 14 : i32
    %shift_right_arithmetic3A_146 = vector.broadcast %shift_right_arithmetic3A_145 : i32 to vector<16xi32>
    %shift_right_arithmetic3A_147 = arith.shrsi %get3A_135, %shift_right_arithmetic3A_146 : vector<16xi32>
    %swap3A_148 = arith.constant 2 : i32
    %swap3A_149 = arith.index_cast %swap3A_148 : i32 to index
    %swap3A_150 = arith.constant 16 : index
    %swap3A_151 = tpu.vector_load %arg8[%swap3A_149, %swap3A_150] {strides = array<i32>} : memref<8x32xi32, #tpu.memory_space<vmem>>, vector<1x16xi32>,
    %swap3A_152 = vector.shape_cast %swap3A_151 : vector<1x16xi32> to vector<16xi32>
    %swap3A_153 = vector.shape_cast %shift_right_arithmetic3A_147 : vector<16xi32> to vector<1x16xi32>
    tpu.vector_store %arg8[%swap3A_149, %swap3A_150], %swap3A_153 {strides = array<i32>} : memref<8x32xi32, #tpu.memory_space<vmem>>, vector<1x16xi32>,
    %dma_start3A_154 = arith.constant 2 : i32
    %dma_start3A_155 = arith.constant 2 : i32
    %dma_start3A_156 = arith.constant 2 : i32
    %dma_start3A_157 = arith.constant 0 : i32
    %dma_start3A_158 = arith.constant 0 : i32
    %dma_start3A_159 = tpu.memref_slice %arg9[%dma_start3A_155, %dma_start3A_157, %dma_start3A_158] : memref<8x32x128xf32, #tpu.memory_space<vmem>> -> memref<1x32x128xf32, #tpu.memory_space<vmem>>
    %dma_start3A_160 = tpu.memref_squeeze %dma_start3A_159 : memref<1x32x128xf32, #tpu.memory_space<vmem>> -> memref<32x128xf32, #tpu.memory_space<vmem>>
    %dma_start3A_161 = arith.constant 0 : i32
    %dma_start3A_162 = tpu.memref_slice %arg7[%dma_start3A_154, %dma_start3A_161] : memref<8x32xi32, #tpu.memory_space<vmem>> -> memref<1x32xi32, #tpu.memory_space<vmem>>
    %dma_start3A_163 = tpu.memref_squeeze %dma_start3A_162 : memref<1x32xi32, #tpu.memory_space<vmem>> -> memref<32xi32, #tpu.memory_space<vmem>>
    %dma_start3A_164 = arith.constant 0 : i32
    %dma_start3A_165 = arith.constant 0 : i32
    %dma_start3A_166 = tpu.memref_slice %arg3[%dma_start3A_164, %dma_start3A_165] : memref<10240x128xf32, #tpu.memory_space<hbm>> -> memref<10240x128xf32, #tpu.memory_space<hbm>>
    %dma_start3A_167 = tpu.memref_slice %arg11[%dma_start3A_156] : memref<8x!tpu.dma_semaphore, #tpu.memory_space<semaphore_mem>> -> memref<1x!tpu.dma_semaphore, #tpu.memory_space<semaphore_mem>>
    %dma_start3A_168 = tpu.memref_squeeze %dma_start3A_167 : memref<1x!tpu.dma_semaphore, #tpu.memory_space<semaphore_mem>> -> memref<!tpu.dma_semaphore, #tpu.memory_space<semaphore_mem>>
    tpu.enqueue_indirect_dma source(%dma_start3A_166 : memref<10240x128xf32, #tpu.memory_space<hbm>>) target(%dma_start3A_160 : memref<32x128xf32, #tpu.memory_space<vmem>>) offsets(%dma_start3A_163 : memref<32xi32, #tpu.memory_space<vmem>>) semaphore(%dma_start3A_168 : memref<!tpu.dma_semaphore, #tpu.memory_space<semaphore_mem>>)
    %get3A_169 = arith.constant 96 : index
    %get3A_170 = tpu.vector_load %arg6[%get3A_169] {strides = array<i32>} : memref<10016xi32, #tpu.memory_space<vmem>>, vector<16xi32>,
    %get3A_171 = vector.shape_cast %get3A_170 : vector<16xi32> to vector<16xi32>
    %and3A_172 = arith.constant 16383 : i32
    %and3A_173 = vector.broadcast %and3A_172 : i32 to vector<16xi32>
    %and3A_174 = arith.andi %get3A_171, %and3A_173 : vector<16xi32>
    %swap3A_175 = arith.constant 3 : i32
    %swap3A_176 = arith.index_cast %swap3A_175 : i32 to index
    %swap3A_177 = arith.constant 0 : index
    %swap3A_178 = tpu.vector_load %arg7[%swap3A_176, %swap3A_177] {strides = array<i32>} : memref<8x32xi32, #tpu.memory_space<vmem>>, vector<1x16xi32>,
    %swap3A_179 = vector.shape_cast %swap3A_178 : vector<1x16xi32> to vector<16xi32>
    %swap3A_180 = vector.shape_cast %and3A_174 : vector<16xi32> to vector<1x16xi32>
    tpu.vector_store %arg7[%swap3A_176, %swap3A_177], %swap3A_180 {strides = array<i32>} : memref<8x32xi32, #tpu.memory_space<vmem>>, vector<1x16xi32>,
    %shift_right_arithmetic3A_181 = arith.constant 14 : i32
    %shift_right_arithmetic3A_182 = vector.broadcast %shift_right_arithmetic3A_181 : i32 to vector<16xi32>
    %shift_right_arithmetic3A_183 = arith.shrsi %get3A_171, %shift_right_arithmetic3A_182 : vector<16xi32>
    %swap3A_184 = arith.constant 3 : i32
    %swap3A_185 = arith.index_cast %swap3A_184 : i32 to index
    %swap3A_186 = arith.constant 0 : index
    %swap3A_187 = tpu.vector_load %arg8[%swap3A_185, %swap3A_186] {strides = array<i32>} : memref<8x32xi32, #tpu.memory_space<vmem>>, vector<1x16xi32>,
    %swap3A_188 = vector.shape_cast %swap3A_187 : vector<1x16xi32> to vector<16xi32>
    %swap3A_189 = vector.shape_cast %shift_right_arithmetic3A_183 : vector<16xi32> to vector<1x16xi32>
    tpu.vector_store %arg8[%swap3A_185, %swap3A_186], %swap3A_189 {strides = array<i32>} : memref<8x32xi32, #tpu.memory_space<vmem>>, vector<1x16xi32>,
    %get3A_190 = arith.constant 112 : index
    %get3A_191 = tpu.vector_load %arg6[%get3A_190] {strides = array<i32>} : memref<10016xi32, #tpu.memory_space<vmem>>, vector<16xi32>,
    %get3A_192 = vector.shape_cast %get3A_191 : vector<16xi32> to vector<16xi32>
    %and3A_193 = arith.constant 16383 : i32
    %and3A_194 = vector.broadcast %and3A_193 : i32 to vector<16xi32>
    %and3A_195 = arith.andi %get3A_192, %and3A_194 : vector<16xi32>
    %swap3A_196 = arith.constant 3 : i32
    %swap3A_197 = arith.index_cast %swap3A_196 : i32 to index
    %swap3A_198 = arith.constant 16 : index
    %swap3A_199 = tpu.vector_load %arg7[%swap3A_197, %swap3A_198] {strides = array<i32>} : memref<8x32xi32, #tpu.memory_space<vmem>>, vector<1x16xi32>,
    %swap3A_200 = vector.shape_cast %swap3A_199 : vector<1x16xi32> to vector<16xi32>
    %swap3A_201 = vector.shape_cast %and3A_195 : vector<16xi32> to vector<1x16xi32>
    tpu.vector_store %arg7[%swap3A_197, %swap3A_198], %swap3A_201 {strides = array<i32>} : memref<8x32xi32, #tpu.memory_space<vmem>>, vector<1x16xi32>,
    %shift_right_arithmetic3A_202 = arith.constant 14 : i32
    %shift_right_arithmetic3A_203 = vector.broadcast %shift_right_arithmetic3A_202 : i32 to vector<16xi32>
    %shift_right_arithmetic3A_204 = arith.shrsi %get3A_192, %shift_right_arithmetic3A_203 : vector<16xi32>
    %swap3A_205 = arith.constant 3 : i32
    %swap3A_206 = arith.index_cast %swap3A_205 : i32 to index
    %swap3A_207 = arith.constant 16 : index
    %swap3A_208 = tpu.vector_load %arg8[%swap3A_206, %swap3A_207] {strides = array<i32>} : memref<8x32xi32, #tpu.memory_space<vmem>>, vector<1x16xi32>,
    %swap3A_209 = vector.shape_cast %swap3A_208 : vector<1x16xi32> to vector<16xi32>
    %swap3A_210 = vector.shape_cast %shift_right_arithmetic3A_204 : vector<16xi32> to vector<1x16xi32>
    tpu.vector_store %arg8[%swap3A_206, %swap3A_207], %swap3A_210 {strides = array<i32>} : memref<8x32xi32, #tpu.memory_space<vmem>>, vector<1x16xi32>,
    %dma_start3A_211 = arith.constant 3 : i32
    %dma_start3A_212 = arith.constant 3 : i32
    %dma_start3A_213 = arith.constant 3 : i32
    %dma_start3A_214 = arith.constant 0 : i32
    %dma_start3A_215 = arith.constant 0 : i32
    %dma_start3A_216 = tpu.memref_slice %arg9[%dma_start3A_212, %dma_start3A_214, %dma_start3A_215] : memref<8x32x128xf32, #tpu.memory_space<vmem>> -> memref<1x32x128xf32, #tpu.memory_space<vmem>>
    %dma_start3A_217 = tpu.memref_squeeze %dma_start3A_216 : memref<1x32x128xf32, #tpu.memory_space<vmem>> -> memref<32x128xf32, #tpu.memory_space<vmem>>
    %dma_start3A_218 = arith.constant 0 : i32
    %dma_start3A_219 = tpu.memref_slice %arg7[%dma_start3A_211, %dma_start3A_218] : memref<8x32xi32, #tpu.memory_space<vmem>> -> memref<1x32xi32, #tpu.memory_space<vmem>>
    %dma_start3A_220 = tpu.memref_squeeze %dma_start3A_219 : memref<1x32xi32, #tpu.memory_space<vmem>> -> memref<32xi32, #tpu.memory_space<vmem>>
    %dma_start3A_221 = arith.constant 0 : i32
    %dma_start3A_222 = arith.constant 0 : i32
    %dma_start3A_223 = tpu.memref_slice %arg3[%dma_start3A_221, %dma_start3A_222] : memref<10240x128xf32, #tpu.memory_space<hbm>> -> memref<10240x128xf32, #tpu.memory_space<hbm>>
    %dma_start3A_224 = tpu.memref_slice %arg11[%dma_start3A_213] : memref<8x!tpu.dma_semaphore, #tpu.memory_space<semaphore_mem>> -> memref<1x!tpu.dma_semaphore, #tpu.memory_space<semaphore_mem>>
    %dma_start3A_225 = tpu.memref_squeeze %dma_start3A_224 : memref<1x!tpu.dma_semaphore, #tpu.memory_space<semaphore_mem>> -> memref<!tpu.dma_semaphore, #tpu.memory_space<semaphore_mem>>
    tpu.enqueue_indirect_dma source(%dma_start3A_223 : memref<10240x128xf32, #tpu.memory_space<hbm>>) target(%dma_start3A_217 : memref<32x128xf32, #tpu.memory_space<vmem>>) offsets(%dma_start3A_220 : memref<32xi32, #tpu.memory_space<vmem>>) semaphore(%dma_start3A_225 : memref<!tpu.dma_semaphore, #tpu.memory_space<semaphore_mem>>)
    %get3A_226 = arith.constant 128 : index
    %get3A_227 = tpu.vector_load %arg6[%get3A_226] {strides = array<i32>} : memref<10016xi32, #tpu.memory_space<vmem>>, vector<16xi32>,
    %get3A_228 = vector.shape_cast %get3A_227 : vector<16xi32> to vector<16xi32>
    %and3A_229 = arith.constant 16383 : i32
    %and3A_230 = vector.broadcast %and3A_229 : i32 to vector<16xi32>
    %and3A_231 = arith.andi %get3A_228, %and3A_230 : vector<16xi32>
    %swap3A_232 = arith.constant 4 : i32
    %swap3A_233 = arith.index_cast %swap3A_232 : i32 to index
    %swap3A_234 = arith.constant 0 : index
    %swap3A_235 = tpu.vector_load %arg7[%swap3A_233, %swap3A_234] {strides = array<i32>} : memref<8x32xi32, #tpu.memory_space<vmem>>, vector<1x16xi32>,
    %swap3A_236 = vector.shape_cast %swap3A_235 : vector<1x16xi32> to vector<16xi32>
    %swap3A_237 = vector.shape_cast %and3A_231 : vector<16xi32> to vector<1x16xi32>
    tpu.vector_store %arg7[%swap3A_233, %swap3A_234], %swap3A_237 {strides = array<i32>} : memref<8x32xi32, #tpu.memory_space<vmem>>, vector<1x16xi32>,
    %shift_right_arithmetic3A_238 = arith.constant 14 : i32
    %shift_right_arithmetic3A_239 = vector.broadcast %shift_right_arithmetic3A_238 : i32 to vector<16xi32>
    %shift_right_arithmetic3A_240 = arith.shrsi %get3A_228, %shift_right_arithmetic3A_239 : vector<16xi32>
    %swap3A_241 = arith.constant 4 : i32
    %swap3A_242 = arith.index_cast %swap3A_241 : i32 to index
    %swap3A_243 = arith.constant 0 : index
    %swap3A_244 = tpu.vector_load %arg8[%swap3A_242, %swap3A_243] {strides = array<i32>} : memref<8x32xi32, #tpu.memory_space<vmem>>, vector<1x16xi32>,
    %swap3A_245 = vector.shape_cast %swap3A_244 : vector<1x16xi32> to vector<16xi32>
    %swap3A_246 = vector.shape_cast %shift_right_arithmetic3A_240 : vector<16xi32> to vector<1x16xi32>
    tpu.vector_store %arg8[%swap3A_242, %swap3A_243], %swap3A_246 {strides = array<i32>} : memref<8x32xi32, #tpu.memory_space<vmem>>, vector<1x16xi32>,
    %get3A_247 = arith.constant 144 : index
    %get3A_248 = tpu.vector_load %arg6[%get3A_247] {strides = array<i32>} : memref<10016xi32, #tpu.memory_space<vmem>>, vector<16xi32>,
    %get3A_249 = vector.shape_cast %get3A_248 : vector<16xi32> to vector<16xi32>
    %and3A_250 = arith.constant 16383 : i32
    %and3A_251 = vector.broadcast %and3A_250 : i32 to vector<16xi32>
    %and3A_252 = arith.andi %get3A_249, %and3A_251 : vector<16xi32>
    %swap3A_253 = arith.constant 4 : i32
    %swap3A_254 = arith.index_cast %swap3A_253 : i32 to index
    %swap3A_255 = arith.constant 16 : index
    %swap3A_256 = tpu.vector_load %arg7[%swap3A_254, %swap3A_255] {strides = array<i32>} : memref<8x32xi32, #tpu.memory_space<vmem>>, vector<1x16xi32>,
    %swap3A_257 = vector.shape_cast %swap3A_256 : vector<1x16xi32> to vector<16xi32>
    %swap3A_258 = vector.shape_cast %and3A_252 : vector<16xi32> to vector<1x16xi32>
    tpu.vector_store %arg7[%swap3A_254, %swap3A_255], %swap3A_258 {strides = array<i32>} : memref<8x32xi32, #tpu.memory_space<vmem>>, vector<1x16xi32>,
    %shift_right_arithmetic3A_259 = arith.constant 14 : i32
    %shift_right_arithmetic3A_260 = vector.broadcast %shift_right_arithmetic3A_259 : i32 to vector<16xi32>
    %shift_right_arithmetic3A_261 = arith.shrsi %get3A_249, %shift_right_arithmetic3A_260 : vector<16xi32>
    %swap3A_262 = arith.constant 4 : i32
    %swap3A_263 = arith.index_cast %swap3A_262 : i32 to index
    %swap3A_264 = arith.constant 16 : index
    %swap3A_265 = tpu.vector_load %arg8[%swap3A_263, %swap3A_264] {strides = array<i32>} : memref<8x32xi32, #tpu.memory_space<vmem>>, vector<1x16xi32>,
    %swap3A_266 = vector.shape_cast %swap3A_265 : vector<1x16xi32> to vector<16xi32>
    %swap3A_267 = vector.shape_cast %shift_right_arithmetic3A_261 : vector<16xi32> to vector<1x16xi32>
    tpu.vector_store %arg8[%swap3A_263, %swap3A_264], %swap3A_267 {strides = array<i32>} : memref<8x32xi32, #tpu.memory_space<vmem>>, vector<1x16xi32>,
    %dma_start3A_268 = arith.constant 4 : i32
    %dma_start3A_269 = arith.constant 4 : i32
    %dma_start3A_270 = arith.constant 4 : i32
    %dma_start3A_271 = arith.constant 0 : i32
    %dma_start3A_272 = arith.constant 0 : i32
    %dma_start3A_273 = tpu.memref_slice %arg9[%dma_start3A_269, %dma_start3A_271, %dma_start3A_272] : memref<8x32x128xf32, #tpu.memory_space<vmem>> -> memref<1x32x128xf32, #tpu.memory_space<vmem>>
    %dma_start3A_274 = tpu.memref_squeeze %dma_start3A_273 : memref<1x32x128xf32, #tpu.memory_space<vmem>> -> memref<32x128xf32, #tpu.memory_space<vmem>>
    %dma_start3A_275 = arith.constant 0 : i32
    %dma_start3A_276 = tpu.memref_slice %arg7[%dma_start3A_268, %dma_start3A_275] : memref<8x32xi32, #tpu.memory_space<vmem>> -> memref<1x32xi32, #tpu.memory_space<vmem>>
    %dma_start3A_277 = tpu.memref_squeeze %dma_start3A_276 : memref<1x32xi32, #tpu.memory_space<vmem>> -> memref<32xi32, #tpu.memory_space<vmem>>
    %dma_start3A_278 = arith.constant 0 : i32
    %dma_start3A_279 = arith.constant 0 : i32
    %dma_start3A_280 = tpu.memref_slice %arg3[%dma_start3A_278, %dma_start3A_279] : memref<10240x128xf32, #tpu.memory_space<hbm>> -> memref<10240x128xf32, #tpu.memory_space<hbm>>
    %dma_start3A_281 = tpu.memref_slice %arg11[%dma_start3A_270] : memref<8x!tpu.dma_semaphore, #tpu.memory_space<semaphore_mem>> -> memref<1x!tpu.dma_semaphore, #tpu.memory_space<semaphore_mem>>
    %dma_start3A_282 = tpu.memref_squeeze %dma_start3A_281 : memref<1x!tpu.dma_semaphore, #tpu.memory_space<semaphore_mem>> -> memref<!tpu.dma_semaphore, #tpu.memory_space<semaphore_mem>>
    tpu.enqueue_indirect_dma source(%dma_start3A_280 : memref<10240x128xf32, #tpu.memory_space<hbm>>) target(%dma_start3A_274 : memref<32x128xf32, #tpu.memory_space<vmem>>) offsets(%dma_start3A_277 : memref<32xi32, #tpu.memory_space<vmem>>) semaphore(%dma_start3A_282 : memref<!tpu.dma_semaphore, #tpu.memory_space<semaphore_mem>>)
    %get3A_283 = arith.constant 160 : index
    %get3A_284 = tpu.vector_load %arg6[%get3A_283] {strides = array<i32>} : memref<10016xi32, #tpu.memory_space<vmem>>, vector<16xi32>,
    %get3A_285 = vector.shape_cast %get3A_284 : vector<16xi32> to vector<16xi32>
    %and3A_286 = arith.constant 16383 : i32
    %and3A_287 = vector.broadcast %and3A_286 : i32 to vector<16xi32>
    %and3A_288 = arith.andi %get3A_285, %and3A_287 : vector<16xi32>
    %swap3A_289 = arith.constant 5 : i32
    %swap3A_290 = arith.index_cast %swap3A_289 : i32 to index
    %swap3A_291 = arith.constant 0 : index
    %swap3A_292 = tpu.vector_load %arg7[%swap3A_290, %swap3A_291] {strides = array<i32>} : memref<8x32xi32, #tpu.memory_space<vmem>>, vector<1x16xi32>,
    %swap3A_293 = vector.shape_cast %swap3A_292 : vector<1x16xi32> to vector<16xi32>
    %swap3A_294 = vector.shape_cast %and3A_288 : vector<16xi32> to vector<1x16xi32>
    tpu.vector_store %arg7[%swap3A_290, %swap3A_291], %swap3A_294 {strides = array<i32>} : memref<8x32xi32, #tpu.memory_space<vmem>>, vector<1x16xi32>,
    %shift_right_arithmetic3A_295 = arith.constant 14 : i32
    %shift_right_arithmetic3A_296 = vector.broadcast %shift_right_arithmetic3A_295 : i32 to vector<16xi32>
    %shift_right_arithmetic3A_297 = arith.shrsi %get3A_285, %shift_right_arithmetic3A_296 : vector<16xi32>
    %swap3A_298 = arith.constant 5 : i32
    %swap3A_299 = arith.index_cast %swap3A_298 : i32 to index
    %swap3A_300 = arith.constant 0 : index
    %swap3A_301 = tpu.vector_load %arg8[%swap3A_299, %swap3A_300] {strides = array<i32>} : memref<8x32xi32, #tpu.memory_space<vmem>>, vector<1x16xi32>,
    %swap3A_302 = vector.shape_cast %swap3A_301 : vector<1x16xi32> to vector<16xi32>
    %swap3A_303 = vector.shape_cast %shift_right_arithmetic3A_297 : vector<16xi32> to vector<1x16xi32>
    tpu.vector_store %arg8[%swap3A_299, %swap3A_300], %swap3A_303 {strides = array<i32>} : memref<8x32xi32, #tpu.memory_space<vmem>>, vector<1x16xi32>,
    %get3A_304 = arith.constant 176 : index
    %get3A_305 = tpu.vector_load %arg6[%get3A_304] {strides = array<i32>} : memref<10016xi32, #tpu.memory_space<vmem>>, vector<16xi32>,
    %get3A_306 = vector.shape_cast %get3A_305 : vector<16xi32> to vector<16xi32>
    %and3A_307 = arith.constant 16383 : i32
    %and3A_308 = vector.broadcast %and3A_307 : i32 to vector<16xi32>
    %and3A_309 = arith.andi %get3A_306, %and3A_308 : vector<16xi32>
    %swap3A_310 = arith.constant 5 : i32
    %swap3A_311 = arith.index_cast %swap3A_310 : i32 to index
    %swap3A_312 = arith.constant 16 : index
    %swap3A_313 = tpu.vector_load %arg7[%swap3A_311, %swap3A_312] {strides = array<i32>} : memref<8x32xi32, #tpu.memory_space<vmem>>, vector<1x16xi32>,
    %swap3A_314 = vector.shape_cast %swap3A_313 : vector<1x16xi32> to vector<16xi32>
    %swap3A_315 = vector.shape_cast %and3A_309 : vector<16xi32> to vector<1x16xi32>
    tpu.vector_store %arg7[%swap3A_311, %swap3A_312], %swap3A_315 {strides = array<i32>} : memref<8x32xi32, #tpu.memory_space<vmem>>, vector<1x16xi32>,
    %shift_right_arithmetic3A_316 = arith.constant 14 : i32
    %shift_right_arithmetic3A_317 = vector.broadcast %shift_right_arithmetic3A_316 : i32 to vector<16xi32>
    %shift_right_arithmetic3A_318 = arith.shrsi %get3A_306, %shift_right_arithmetic3A_317 : vector<16xi32>
    %swap3A_319 = arith.constant 5 : i32
    %swap3A_320 = arith.index_cast %swap3A_319 : i32 to index
    %swap3A_321 = arith.constant 16 : index
    %swap3A_322 = tpu.vector_load %arg8[%swap3A_320, %swap3A_321] {strides = array<i32>} : memref<8x32xi32, #tpu.memory_space<vmem>>, vector<1x16xi32>,
    %swap3A_323 = vector.shape_cast %swap3A_322 : vector<1x16xi32> to vector<16xi32>
    %swap3A_324 = vector.shape_cast %shift_right_arithmetic3A_318 : vector<16xi32> to vector<1x16xi32>
    tpu.vector_store %arg8[%swap3A_320, %swap3A_321], %swap3A_324 {strides = array<i32>} : memref<8x32xi32, #tpu.memory_space<vmem>>, vector<1x16xi32>,
    %dma_start3A_325 = arith.constant 5 : i32
    %dma_start3A_326 = arith.constant 5 : i32
    %dma_start3A_327 = arith.constant 5 : i32
    %dma_start3A_328 = arith.constant 0 : i32
    %dma_start3A_329 = arith.constant 0 : i32
    %dma_start3A_330 = tpu.memref_slice %arg9[%dma_start3A_326, %dma_start3A_328, %dma_start3A_329] : memref<8x32x128xf32, #tpu.memory_space<vmem>> -> memref<1x32x128xf32, #tpu.memory_space<vmem>>
    %dma_start3A_331 = tpu.memref_squeeze %dma_start3A_330 : memref<1x32x128xf32, #tpu.memory_space<vmem>> -> memref<32x128xf32, #tpu.memory_space<vmem>>
    %dma_start3A_332 = arith.constant 0 : i32
    %dma_start3A_333 = tpu.memref_slice %arg7[%dma_start3A_325, %dma_start3A_332] : memref<8x32xi32, #tpu.memory_space<vmem>> -> memref<1x32xi32, #tpu.memory_space<vmem>>
    %dma_start3A_334 = tpu.memref_squeeze %dma_start3A_333 : memref<1x32xi32, #tpu.memory_space<vmem>> -> memref<32xi32, #tpu.memory_space<vmem>>
    %dma_start3A_335 = arith.constant 0 : i32
    %dma_start3A_336 = arith.constant 0 : i32
    %dma_start3A_337 = tpu.memref_slice %arg3[%dma_start3A_335, %dma_start3A_336] : memref<10240x128xf32, #tpu.memory_space<hbm>> -> memref<10240x128xf32, #tpu.memory_space<hbm>>
    %dma_start3A_338 = tpu.memref_slice %arg11[%dma_start3A_327] : memref<8x!tpu.dma_semaphore, #tpu.memory_space<semaphore_mem>> -> memref<1x!tpu.dma_semaphore, #tpu.memory_space<semaphore_mem>>
    %dma_start3A_339 = tpu.memref_squeeze %dma_start3A_338 : memref<1x!tpu.dma_semaphore, #tpu.memory_space<semaphore_mem>> -> memref<!tpu.dma_semaphore, #tpu.memory_space<semaphore_mem>>
    tpu.enqueue_indirect_dma source(%dma_start3A_337 : memref<10240x128xf32, #tpu.memory_space<hbm>>) target(%dma_start3A_331 : memref<32x128xf32, #tpu.memory_space<vmem>>) offsets(%dma_start3A_334 : memref<32xi32, #tpu.memory_space<vmem>>) semaphore(%dma_start3A_339 : memref<!tpu.dma_semaphore, #tpu.memory_space<semaphore_mem>>)
    %get3A_340 = arith.constant 192 : index
    %get3A_341 = tpu.vector_load %arg6[%get3A_340] {strides = array<i32>} : memref<10016xi32, #tpu.memory_space<vmem>>, vector<16xi32>,
    %get3A_342 = vector.shape_cast %get3A_341 : vector<16xi32> to vector<16xi32>
    %and3A_343 = arith.constant 16383 : i32
    %and3A_344 = vector.broadcast %and3A_343 : i32 to vector<16xi32>
    %and3A_345 = arith.andi %get3A_342, %and3A_344 : vector<16xi32>
    %swap3A_346 = arith.constant 6 : i32
    %swap3A_347 = arith.index_cast %swap3A_346 : i32 to index
    %swap3A_348 = arith.constant 0 : index
    %swap3A_349 = tpu.vector_load %arg7[%swap3A_347, %swap3A_348] {strides = array<i32>} : memref<8x32xi32, #tpu.memory_space<vmem>>, vector<1x16xi32>,
    %swap3A_350 = vector.shape_cast %swap3A_349 : vector<1x16xi32> to vector<16xi32>
    %swap3A_351 = vector.shape_cast %and3A_345 : vector<16xi32> to vector<1x16xi32>
    tpu.vector_store %arg7[%swap3A_347, %swap3A_348], %swap3A_351 {strides = array<i32>} : memref<8x32xi32, #tpu.memory_space<vmem>>, vector<1x16xi32>,
    %shift_right_arithmetic3A_352 = arith.constant 14 : i32
    %shift_right_arithmetic3A_353 = vector.broadcast %shift_right_arithmetic3A_352 : i32 to vector<16xi32>
    %shift_right_arithmetic3A_354 = arith.shrsi %get3A_342, %shift_right_arithmetic3A_353 : vector<16xi32>
    %swap3A_355 = arith.constant 6 : i32
    %swap3A_356 = arith.index_cast %swap3A_355 : i32 to index
    %swap3A_357 = arith.constant 0 : index
    %swap3A_358 = tpu.vector_load %arg8[%swap3A_356, %swap3A_357] {strides = array<i32>} : memref<8x32xi32, #tpu.memory_space<vmem>>, vector<1x16xi32>,
    %swap3A_359 = vector.shape_cast %swap3A_358 : vector<1x16xi32> to vector<16xi32>
    %swap3A_360 = vector.shape_cast %shift_right_arithmetic3A_354 : vector<16xi32> to vector<1x16xi32>
    tpu.vector_store %arg8[%swap3A_356, %swap3A_357], %swap3A_360 {strides = array<i32>} : memref<8x32xi32, #tpu.memory_space<vmem>>, vector<1x16xi32>,
    %get3A_361 = arith.constant 208 : index
    %get3A_362 = tpu.vector_load %arg6[%get3A_361] {strides = array<i32>} : memref<10016xi32, #tpu.memory_space<vmem>>, vector<16xi32>,
    %get3A_363 = vector.shape_cast %get3A_362 : vector<16xi32> to vector<16xi32>
    %and3A_364 = arith.constant 16383 : i32
    %and3A_365 = vector.broadcast %and3A_364 : i32 to vector<16xi32>
    %and3A_366 = arith.andi %get3A_363, %and3A_365 : vector<16xi32>
    %swap3A_367 = arith.constant 6 : i32
    %swap3A_368 = arith.index_cast %swap3A_367 : i32 to index
    %swap3A_369 = arith.constant 16 : index
    %swap3A_370 = tpu.vector_load %arg7[%swap3A_368, %swap3A_369] {strides = array<i32>} : memref<8x32xi32, #tpu.memory_space<vmem>>, vector<1x16xi32>,
    %swap3A_371 = vector.shape_cast %swap3A_370 : vector<1x16xi32> to vector<16xi32>
    %swap3A_372 = vector.shape_cast %and3A_366 : vector<16xi32> to vector<1x16xi32>
    tpu.vector_store %arg7[%swap3A_368, %swap3A_369], %swap3A_372 {strides = array<i32>} : memref<8x32xi32, #tpu.memory_space<vmem>>, vector<1x16xi32>,
    %shift_right_arithmetic3A_373 = arith.constant 14 : i32
    %shift_right_arithmetic3A_374 = vector.broadcast %shift_right_arithmetic3A_373 : i32 to vector<16xi32>
    %shift_right_arithmetic3A_375 = arith.shrsi %get3A_363, %shift_right_arithmetic3A_374 : vector<16xi32>
    %swap3A_376 = arith.constant 6 : i32
    %swap3A_377 = arith.index_cast %swap3A_376 : i32 to index
    %swap3A_378 = arith.constant 16 : index
    %swap3A_379 = tpu.vector_load %arg8[%swap3A_377, %swap3A_378] {strides = array<i32>} : memref<8x32xi32, #tpu.memory_space<vmem>>, vector<1x16xi32>,
    %swap3A_380 = vector.shape_cast %swap3A_379 : vector<1x16xi32> to vector<16xi32>
    %swap3A_381 = vector.shape_cast %shift_right_arithmetic3A_375 : vector<16xi32> to vector<1x16xi32>
    tpu.vector_store %arg8[%swap3A_377, %swap3A_378], %swap3A_381 {strides = array<i32>} : memref<8x32xi32, #tpu.memory_space<vmem>>, vector<1x16xi32>,
    %dma_start3A_382 = arith.constant 6 : i32
    %dma_start3A_383 = arith.constant 6 : i32
    %dma_start3A_384 = arith.constant 6 : i32
    %dma_start3A_385 = arith.constant 0 : i32
    %dma_start3A_386 = arith.constant 0 : i32
    %dma_start3A_387 = tpu.memref_slice %arg9[%dma_start3A_383, %dma_start3A_385, %dma_start3A_386] : memref<8x32x128xf32, #tpu.memory_space<vmem>> -> memref<1x32x128xf32, #tpu.memory_space<vmem>>
    %dma_start3A_388 = tpu.memref_squeeze %dma_start3A_387 : memref<1x32x128xf32, #tpu.memory_space<vmem>> -> memref<32x128xf32, #tpu.memory_space<vmem>>
    %dma_start3A_389 = arith.constant 0 : i32
    %dma_start3A_390 = tpu.memref_slice %arg7[%dma_start3A_382, %dma_start3A_389] : memref<8x32xi32, #tpu.memory_space<vmem>> -> memref<1x32xi32, #tpu.memory_space<vmem>>
    %dma_start3A_391 = tpu.memref_squeeze %dma_start3A_390 : memref<1x32xi32, #tpu.memory_space<vmem>> -> memref<32xi32, #tpu.memory_space<vmem>>
    %dma_start3A_392 = arith.constant 0 : i32
    %dma_start3A_393 = arith.constant 0 : i32
    %dma_start3A_394 = tpu.memref_slice %arg3[%dma_start3A_392, %dma_start3A_393] : memref<10240x128xf32, #tpu.memory_space<hbm>> -> memref<10240x128xf32, #tpu.memory_space<hbm>>
    %dma_start3A_395 = tpu.memref_slice %arg11[%dma_start3A_384] : memref<8x!tpu.dma_semaphore, #tpu.memory_space<semaphore_mem>> -> memref<1x!tpu.dma_semaphore, #tpu.memory_space<semaphore_mem>>
    %dma_start3A_396 = tpu.memref_squeeze %dma_start3A_395 : memref<1x!tpu.dma_semaphore, #tpu.memory_space<semaphore_mem>> -> memref<!tpu.dma_semaphore, #tpu.memory_space<semaphore_mem>>
    tpu.enqueue_indirect_dma source(%dma_start3A_394 : memref<10240x128xf32, #tpu.memory_space<hbm>>) target(%dma_start3A_388 : memref<32x128xf32, #tpu.memory_space<vmem>>) offsets(%dma_start3A_391 : memref<32xi32, #tpu.memory_space<vmem>>) semaphore(%dma_start3A_396 : memref<!tpu.dma_semaphore, #tpu.memory_space<semaphore_mem>>)
    %get3A_397 = arith.constant 224 : index
    %get3A_398 = tpu.vector_load %arg6[%get3A_397] {strides = array<i32>} : memref<10016xi32, #tpu.memory_space<vmem>>, vector<16xi32>,
    %get3A_399 = vector.shape_cast %get3A_398 : vector<16xi32> to vector<16xi32>
    %and3A_400 = arith.constant 16383 : i32
    %and3A_401 = vector.broadcast %and3A_400 : i32 to vector<16xi32>
    %and3A_402 = arith.andi %get3A_399, %and3A_401 : vector<16xi32>
    %swap3A_403 = arith.constant 7 : i32
    %swap3A_404 = arith.index_cast %swap3A_403 : i32 to index
    %swap3A_405 = arith.constant 0 : index
    %swap3A_406 = tpu.vector_load %arg7[%swap3A_404, %swap3A_405] {strides = array<i32>} : memref<8x32xi32, #tpu.memory_space<vmem>>, vector<1x16xi32>,
    %swap3A_407 = vector.shape_cast %swap3A_406 : vector<1x16xi32> to vector<16xi32>
    %swap3A_408 = vector.shape_cast %and3A_402 : vector<16xi32> to vector<1x16xi32>
    tpu.vector_store %arg7[%swap3A_404, %swap3A_405], %swap3A_408 {strides = array<i32>} : memref<8x32xi32, #tpu.memory_space<vmem>>, vector<1x16xi32>,
    %shift_right_arithmetic3A_409 = arith.constant 14 : i32
    %shift_right_arithmetic3A_410 = vector.broadcast %shift_right_arithmetic3A_409 : i32 to vector<16xi32>
    %shift_right_arithmetic3A_411 = arith.shrsi %get3A_399, %shift_right_arithmetic3A_410 : vector<16xi32>
    %swap3A_412 = arith.constant 7 : i32
    %swap3A_413 = arith.index_cast %swap3A_412 : i32 to index
    %swap3A_414 = arith.constant 0 : index
    %swap3A_415 = tpu.vector_load %arg8[%swap3A_413, %swap3A_414] {strides = array<i32>} : memref<8x32xi32, #tpu.memory_space<vmem>>, vector<1x16xi32>,
    %swap3A_416 = vector.shape_cast %swap3A_415 : vector<1x16xi32> to vector<16xi32>
    %swap3A_417 = vector.shape_cast %shift_right_arithmetic3A_411 : vector<16xi32> to vector<1x16xi32>
    tpu.vector_store %arg8[%swap3A_413, %swap3A_414], %swap3A_417 {strides = array<i32>} : memref<8x32xi32, #tpu.memory_space<vmem>>, vector<1x16xi32>,
    %get3A_418 = arith.constant 240 : index
    %get3A_419 = tpu.vector_load %arg6[%get3A_418] {strides = array<i32>} : memref<10016xi32, #tpu.memory_space<vmem>>, vector<16xi32>,
    %get3A_420 = vector.shape_cast %get3A_419 : vector<16xi32> to vector<16xi32>
    %and3A_421 = arith.constant 16383 : i32
    %and3A_422 = vector.broadcast %and3A_421 : i32 to vector<16xi32>
    %and3A_423 = arith.andi %get3A_420, %and3A_422 : vector<16xi32>
    %swap3A_424 = arith.constant 7 : i32
    %swap3A_425 = arith.index_cast %swap3A_424 : i32 to index
    %swap3A_426 = arith.constant 16 : index
    %swap3A_427 = tpu.vector_load %arg7[%swap3A_425, %swap3A_426] {strides = array<i32>} : memref<8x32xi32, #tpu.memory_space<vmem>>, vector<1x16xi32>,
    %swap3A_428 = vector.shape_cast %swap3A_427 : vector<1x16xi32> to vector<16xi32>
    %swap3A_429 = vector.shape_cast %and3A_423 : vector<16xi32> to vector<1x16xi32>
    tpu.vector_store %arg7[%swap3A_425, %swap3A_426], %swap3A_429 {strides = array<i32>} : memref<8x32xi32, #tpu.memory_space<vmem>>, vector<1x16xi32>,
    %shift_right_arithmetic3A_430 = arith.constant 14 : i32
    %shift_right_arithmetic3A_431 = vector.broadcast %shift_right_arithmetic3A_430 : i32 to vector<16xi32>
    %shift_right_arithmetic3A_432 = arith.shrsi %get3A_420, %shift_right_arithmetic3A_431 : vector<16xi32>
    %swap3A_433 = arith.constant 7 : i32
    %swap3A_434 = arith.index_cast %swap3A_433 : i32 to index
    %swap3A_435 = arith.constant 16 : index
    %swap3A_436 = tpu.vector_load %arg8[%swap3A_434, %swap3A_435] {strides = array<i32>} : memref<8x32xi32, #tpu.memory_space<vmem>>, vector<1x16xi32>,
    %swap3A_437 = vector.shape_cast %swap3A_436 : vector<1x16xi32> to vector<16xi32>
    %swap3A_438 = vector.shape_cast %shift_right_arithmetic3A_432 : vector<16xi32> to vector<1x16xi32>
    tpu.vector_store %arg8[%swap3A_434, %swap3A_435], %swap3A_438 {strides = array<i32>} : memref<8x32xi32, #tpu.memory_space<vmem>>, vector<1x16xi32>,
    %dma_start3A_439 = arith.constant 7 : i32
    %dma_start3A_440 = arith.constant 7 : i32
    %dma_start3A_441 = arith.constant 7 : i32
    %dma_start3A_442 = arith.constant 0 : i32
    %dma_start3A_443 = arith.constant 0 : i32
    %dma_start3A_444 = tpu.memref_slice %arg9[%dma_start3A_440, %dma_start3A_442, %dma_start3A_443] : memref<8x32x128xf32, #tpu.memory_space<vmem>> -> memref<1x32x128xf32, #tpu.memory_space<vmem>>
    %dma_start3A_445 = tpu.memref_squeeze %dma_start3A_444 : memref<1x32x128xf32, #tpu.memory_space<vmem>> -> memref<32x128xf32, #tpu.memory_space<vmem>>
    %dma_start3A_446 = arith.constant 0 : i32
    %dma_start3A_447 = tpu.memref_slice %arg7[%dma_start3A_439, %dma_start3A_446] : memref<8x32xi32, #tpu.memory_space<vmem>> -> memref<1x32xi32, #tpu.memory_space<vmem>>
    %dma_start3A_448 = tpu.memref_squeeze %dma_start3A_447 : memref<1x32xi32, #tpu.memory_space<vmem>> -> memref<32xi32, #tpu.memory_space<vmem>>
    %dma_start3A_449 = arith.constant 0 : i32
    %dma_start3A_450 = arith.constant 0 : i32
    %dma_start3A_451 = tpu.memref_slice %arg3[%dma_start3A_449, %dma_start3A_450] : memref<10240x128xf32, #tpu.memory_space<hbm>> -> memref<10240x128xf32, #tpu.memory_space<hbm>>
    %dma_start3A_452 = tpu.memref_slice %arg11[%dma_start3A_441] : memref<8x!tpu.dma_semaphore, #tpu.memory_space<semaphore_mem>> -> memref<1x!tpu.dma_semaphore, #tpu.memory_space<semaphore_mem>>
    %dma_start3A_453 = tpu.memref_squeeze %dma_start3A_452 : memref<1x!tpu.dma_semaphore, #tpu.memory_space<semaphore_mem>> -> memref<!tpu.dma_semaphore, #tpu.memory_space<semaphore_mem>>
    tpu.enqueue_indirect_dma source(%dma_start3A_451 : memref<10240x128xf32, #tpu.memory_space<hbm>>) target(%dma_start3A_445 : memref<32x128xf32, #tpu.memory_space<vmem>>) offsets(%dma_start3A_448 : memref<32xi32, #tpu.memory_space<vmem>>) semaphore(%dma_start3A_453 : memref<!tpu.dma_semaphore, #tpu.memory_space<semaphore_mem>>)
    %scan3A = arith.constant 0 : i32
    %scan3A_454 = arith.constant 0 : i32
    %scan3A_455 = arith.constant 313 : i32
    %scan3A_456 = arith.addi %scan3A_454, %scan3A_455 : i32
    %scan3A_457 = arith.constant 1 : i32
    scf.for %scan3A_464 = %scan3A_454 to %scan3A_456 step %scan3A_457  : i32 {
      %rem3A = arith.constant 8 : i32
      %rem3A_465 = arith.remsi %scan3A_464, %rem3A : i32
      %dma_wait3A = arith.constant 0 : i32
      %dma_wait3A_466 = arith.constant 0 : i32
      %dma_wait3A_467 = tpu.memref_slice %arg9[%rem3A_465, %dma_wait3A, %dma_wait3A_466] : memref<8x32x128xf32, #tpu.memory_space<vmem>> -> memref<1x32x128xf32, #tpu.memory_space<vmem>>
      %dma_wait3A_468 = tpu.memref_squeeze %dma_wait3A_467 : memref<1x32x128xf32, #tpu.memory_space<vmem>> -> memref<32x128xf32, #tpu.memory_space<vmem>>
      %dma_wait3A_469 = arith.constant 0 : i32
      %dma_wait3A_470 = tpu.memref_slice %arg7[%rem3A_465, %dma_wait3A_469] : memref<8x32xi32, #tpu.memory_space<vmem>> -> memref<1x32xi32, #tpu.memory_space<vmem>>
      %dma_wait3A_471 = tpu.memref_squeeze %dma_wait3A_470 : memref<1x32xi32, #tpu.memory_space<vmem>> -> memref<32xi32, #tpu.memory_space<vmem>>
      %dma_wait3A_472 = arith.constant 0 : i32
      %dma_wait3A_473 = arith.constant 0 : i32
      %dma_wait3A_474 = tpu.memref_slice %arg3[%dma_wait3A_472, %dma_wait3A_473] : memref<10240x128xf32, #tpu.memory_space<hbm>> -> memref<10240x128xf32, #tpu.memory_space<hbm>>
      %dma_wait3A_475 = tpu.memref_slice %arg11[%rem3A_465] : memref<8x!tpu.dma_semaphore, #tpu.memory_space<semaphore_mem>> -> memref<1x!tpu.dma_semaphore, #tpu.memory_space<semaphore_mem>>
      %dma_wait3A_476 = tpu.memref_squeeze %dma_wait3A_475 : memref<1x!tpu.dma_semaphore, #tpu.memory_space<semaphore_mem>> -> memref<!tpu.dma_semaphore, #tpu.memory_space<semaphore_mem>>
      tpu.wait_indirect_dma semaphore(%dma_wait3A_476 : memref<!tpu.dma_semaphore, #tpu.memory_space<semaphore_mem>>) src(%dma_wait3A_474 : memref<10240x128xf32, #tpu.memory_space<hbm>>) dst(%dma_wait3A_468 : memref<32x128xf32, #tpu.memory_space<vmem>>)
      "tpu.region"() ({
        %run_scoped3A = tpu.sem_alloc : memref<!tpu.dma_semaphore, #tpu.memory_space<semaphore_mem>>
        %dma_start3A_481 = arith.constant 0 : i32
        %dma_start3A_482 = arith.constant 0 : i32
        %dma_start3A_483 = tpu.memref_slice %arg9[%rem3A_465, %dma_start3A_481, %dma_start3A_482] : memref<8x32x128xf32, #tpu.memory_space<vmem>> -> memref<1x32x128xf32, #tpu.memory_space<vmem>>
        %dma_start3A_484 = tpu.memref_squeeze %dma_start3A_483 : memref<1x32x128xf32, #tpu.memory_space<vmem>> -> memref<32x128xf32, #tpu.memory_space<vmem>>
        %dma_start3A_485 = arith.constant 0 : i32
        %dma_start3A_486 = tpu.memref_slice %arg8[%rem3A_465, %dma_start3A_485] : memref<8x32xi32, #tpu.memory_space<vmem>> -> memref<1x32xi32, #tpu.memory_space<vmem>>
        %dma_start3A_487 = tpu.memref_squeeze %dma_start3A_486 : memref<1x32xi32, #tpu.memory_space<vmem>> -> memref<32xi32, #tpu.memory_space<vmem>>
        %dma_start3A_488 = arith.constant 0 : i32
        %dma_start3A_489 = arith.constant 0 : i32
        %dma_start3A_490 = tpu.memref_slice %arg10[%dma_start3A_488, %dma_start3A_489] : memref<10240x128xf32, #tpu.memory_space<vmem_shared>> -> memref<10240x128xf32, #tpu.memory_space<vmem_shared>>
        tpu.enqueue_indirect_dma source(%dma_start3A_484 : memref<32x128xf32, #tpu.memory_space<vmem>>) target(%dma_start3A_490 : memref<10240x128xf32, #tpu.memory_space<vmem_shared>>) offsets(%dma_start3A_487 : memref<32xi32, #tpu.memory_space<vmem>>) semaphore(%run_scoped3A : memref<!tpu.dma_semaphore, #tpu.memory_space<semaphore_mem>>) {add = true}
        %dma_wait3A_491 = arith.constant 0 : i32
        %dma_wait3A_492 = arith.constant 0 : i32
        %dma_wait3A_493 = tpu.memref_slice %arg9[%rem3A_465, %dma_wait3A_491, %dma_wait3A_492] : memref<8x32x128xf32, #tpu.memory_space<vmem>> -> memref<1x32x128xf32, #tpu.memory_space<vmem>>
        %dma_wait3A_494 = tpu.memref_squeeze %dma_wait3A_493 : memref<1x32x128xf32, #tpu.memory_space<vmem>> -> memref<32x128xf32, #tpu.memory_space<vmem>>
        %dma_wait3A_495 = arith.constant 0 : i32
        %dma_wait3A_496 = tpu.memref_slice %arg8[%rem3A_465, %dma_wait3A_495] : memref<8x32xi32, #tpu.memory_space<vmem>> -> memref<1x32xi32, #tpu.memory_space<vmem>>
        %dma_wait3A_497 = tpu.memref_squeeze %dma_wait3A_496 : memref<1x32xi32, #tpu.memory_space<vmem>> -> memref<32xi32, #tpu.memory_space<vmem>>
        %dma_wait3A_498 = arith.constant 0 : i32
        %dma_wait3A_499 = arith.constant 0 : i32
        %dma_wait3A_500 = tpu.memref_slice %arg10[%dma_wait3A_498, %dma_wait3A_499] : memref<10240x128xf32, #tpu.memory_space<vmem_shared>> -> memref<10240x128xf32, #tpu.memory_space<vmem_shared>>
        tpu.wait_indirect_dma semaphore(%run_scoped3A : memref<!tpu.dma_semaphore, #tpu.memory_space<semaphore_mem>>) src(%dma_wait3A_494 : memref<32x128xf32, #tpu.memory_space<vmem>>) dst(%dma_wait3A_500 : memref<10240x128xf32, #tpu.memory_space<vmem_shared>>)
        tpu.yield
      }) : () -> ()
      %add3A_477 = arith.constant 8 : i32
      %add3A_478 = arith.addi %scan3A_464, %add3A_477 : i32
      %lt3A = arith.constant 313 : i32
      %lt3A_479 = arith.cmpi slt, %add3A_478, %lt3A : i32
      %convert_element_type3A = arith.extui %lt3A_479 : i1 to i32
      %cond3A = arith.constant 0 : i32
      %cond3A_480 = arith.cmpi ne, %convert_element_type3A, %cond3A : i32
      scf.if %cond3A_480 {
        %add3A_481 = arith.constant 8 : i32
        %add3A_482 = arith.addi %scan3A_464, %add3A_481 : i32
        %mul3A_483 = arith.constant 32 : i32
        %mul3A_484 = arith.muli %add3A_482, %mul3A_483 : i32
        %add3A_485 = arith.constant 0 : i32
        %add3A_486 = arith.addi %mul3A_484, %add3A_485 : i32
        %get3A_487 = arith.index_cast %add3A_486 : i32 to index
        %get3A_488 = tpu.vector_load %arg6[%get3A_487] {strides = array<i32>} : memref<10016xi32, #tpu.memory_space<vmem>>, vector<16xi32>,
        %get3A_489 = vector.shape_cast %get3A_488 : vector<16xi32> to vector<16xi32>
        %and3A_490 = arith.constant 16383 : i32
        %and3A_491 = vector.broadcast %and3A_490 : i32 to vector<16xi32>
        %and3A_492 = arith.andi %get3A_489, %and3A_491 : vector<16xi32>
        %swap3A_493 = arith.index_cast %rem3A_465 : i32 to index
        %swap3A_494 = arith.constant 0 : index
        %swap3A_495 = tpu.vector_load %arg7[%swap3A_493, %swap3A_494] {strides = array<i32>} : memref<8x32xi32, #tpu.memory_space<vmem>>, vector<1x16xi32>,
        %swap3A_496 = vector.shape_cast %swap3A_495 : vector<1x16xi32> to vector<16xi32>
        %swap3A_497 = vector.shape_cast %and3A_492 : vector<16xi32> to vector<1x16xi32>
        tpu.vector_store %arg7[%swap3A_493, %swap3A_494], %swap3A_497 {strides = array<i32>} : memref<8x32xi32, #tpu.memory_space<vmem>>, vector<1x16xi32>,
        %shift_right_arithmetic3A_498 = arith.constant 14 : i32
        %shift_right_arithmetic3A_499 = vector.broadcast %shift_right_arithmetic3A_498 : i32 to vector<16xi32>
        %shift_right_arithmetic3A_500 = arith.shrsi %get3A_489, %shift_right_arithmetic3A_499 : vector<16xi32>
        %swap3A_501 = arith.index_cast %rem3A_465 : i32 to index
        %swap3A_502 = arith.constant 0 : index
        %swap3A_503 = tpu.vector_load %arg8[%swap3A_501, %swap3A_502] {strides = array<i32>} : memref<8x32xi32, #tpu.memory_space<vmem>>, vector<1x16xi32>,
        %swap3A_504 = vector.shape_cast %swap3A_503 : vector<1x16xi32> to vector<16xi32>
        %swap3A_505 = vector.shape_cast %shift_right_arithmetic3A_500 : vector<16xi32> to vector<1x16xi32>
        tpu.vector_store %arg8[%swap3A_501, %swap3A_502], %swap3A_505 {strides = array<i32>} : memref<8x32xi32, #tpu.memory_space<vmem>>, vector<1x16xi32>,
        %mul3A_506 = arith.constant 32 : i32
        %mul3A_507 = arith.muli %add3A_482, %mul3A_506 : i32
        %add3A_508 = arith.constant 16 : i32
        %add3A_509 = arith.addi %mul3A_507, %add3A_508 : i32
        %get3A_510 = arith.index_cast %add3A_509 : i32 to index
        %get3A_511 = tpu.vector_load %arg6[%get3A_510] {strides = array<i32>} : memref<10016xi32, #tpu.memory_space<vmem>>, vector<16xi32>,
        %get3A_512 = vector.shape_cast %get3A_511 : vector<16xi32> to vector<16xi32>
        %and3A_513 = arith.constant 16383 : i32
        %and3A_514 = vector.broadcast %and3A_513 : i32 to vector<16xi32>
        %and3A_515 = arith.andi %get3A_512, %and3A_514 : vector<16xi32>
        %swap3A_516 = arith.index_cast %rem3A_465 : i32 to index
        %swap3A_517 = arith.constant 16 : index
        %swap3A_518 = tpu.vector_load %arg7[%swap3A_516, %swap3A_517] {strides = array<i32>} : memref<8x32xi32, #tpu.memory_space<vmem>>, vector<1x16xi32>,
        %swap3A_519 = vector.shape_cast %swap3A_518 : vector<1x16xi32> to vector<16xi32>
        %swap3A_520 = vector.shape_cast %and3A_515 : vector<16xi32> to vector<1x16xi32>
        tpu.vector_store %arg7[%swap3A_516, %swap3A_517], %swap3A_520 {strides = array<i32>} : memref<8x32xi32, #tpu.memory_space<vmem>>, vector<1x16xi32>,
        %shift_right_arithmetic3A_521 = arith.constant 14 : i32
        %shift_right_arithmetic3A_522 = vector.broadcast %shift_right_arithmetic3A_521 : i32 to vector<16xi32>
        %shift_right_arithmetic3A_523 = arith.shrsi %get3A_512, %shift_right_arithmetic3A_522 : vector<16xi32>
        %swap3A_524 = arith.index_cast %rem3A_465 : i32 to index
        %swap3A_525 = arith.constant 16 : index
        %swap3A_526 = tpu.vector_load %arg8[%swap3A_524, %swap3A_525] {strides = array<i32>} : memref<8x32xi32, #tpu.memory_space<vmem>>, vector<1x16xi32>,
        %swap3A_527 = vector.shape_cast %swap3A_526 : vector<1x16xi32> to vector<16xi32>
        %swap3A_528 = vector.shape_cast %shift_right_arithmetic3A_523 : vector<16xi32> to vector<1x16xi32>
        tpu.vector_store %arg8[%swap3A_524, %swap3A_525], %swap3A_528 {strides = array<i32>} : memref<8x32xi32, #tpu.memory_space<vmem>>, vector<1x16xi32>,
        %dma_start3A_529 = arith.constant 0 : i32
        %dma_start3A_530 = arith.constant 0 : i32
        %dma_start3A_531 = tpu.memref_slice %arg9[%rem3A_465, %dma_start3A_529, %dma_start3A_530] : memref<8x32x128xf32, #tpu.memory_space<vmem>> -> memref<1x32x128xf32, #tpu.memory_space<vmem>>
        %dma_start3A_532 = tpu.memref_squeeze %dma_start3A_531 : memref<1x32x128xf32, #tpu.memory_space<vmem>> -> memref<32x128xf32, #tpu.memory_space<vmem>>
        %dma_start3A_533 = arith.constant 0 : i32
        %dma_start3A_534 = tpu.memref_slice %arg7[%rem3A_465, %dma_start3A_533] : memref<8x32xi32, #tpu.memory_space<vmem>> -> memref<1x32xi32, #tpu.memory_space<vmem>>
        %dma_start3A_535 = tpu.memref_squeeze %dma_start3A_534 : memref<1x32xi32, #tpu.memory_space<vmem>> -> memref<32xi32, #tpu.memory_space<vmem>>
        %dma_start3A_536 = arith.constant 0 : i32
        %dma_start3A_537 = arith.constant 0 : i32
        %dma_start3A_538 = tpu.memref_slice %arg3[%dma_start3A_536, %dma_start3A_537] : memref<10240x128xf32, #tpu.memory_space<hbm>> -> memref<10240x128xf32, #tpu.memory_space<hbm>>
        %dma_start3A_539 = tpu.memref_slice %arg11[%rem3A_465] : memref<8x!tpu.dma_semaphore, #tpu.memory_space<semaphore_mem>> -> memref<1x!tpu.dma_semaphore, #tpu.memory_space<semaphore_mem>>
        %dma_start3A_540 = tpu.memref_squeeze %dma_start3A_539 : memref<1x!tpu.dma_semaphore, #tpu.memory_space<semaphore_mem>> -> memref<!tpu.dma_semaphore, #tpu.memory_space<semaphore_mem>>
        tpu.enqueue_indirect_dma source(%dma_start3A_538 : memref<10240x128xf32, #tpu.memory_space<hbm>>) target(%dma_start3A_532 : memref<32x128xf32, #tpu.memory_space<vmem>>) offsets(%dma_start3A_535 : memref<32xi32, #tpu.memory_space<vmem>>) semaphore(%dma_start3A_540 : memref<!tpu.dma_semaphore, #tpu.memory_space<semaphore_mem>>)
      } else {
      }
    }
    %scan3A_458 = arith.constant 313 : i32
    %barrier3A_459 = arith.constant 0 : index
    tpu.barrier barrier_id(%barrier3A_459)
    %mul3A_460 = arith.constant 640 : i32
    %mul3A_461 = arith.muli %arg1, %mul3A_460 : i32
    %mul3A_462 = arith.constant 640 : i32
    %mul3A_463 = arith.muli %arg1, %mul3A_462 : i32
    "tpu.region"() ({
      %run_scoped3A = tpu.sem_alloc : memref<!tpu.dma_semaphore, #tpu.memory_space<semaphore_mem>>
      %dma_start3A_464 = arith.constant 0 : i32
      %dma_start3A_465 = tpu.memref_slice %arg5[%arg0, %mul3A_463, %dma_start3A_464] : memref<2x10240x128xf32, #tpu.memory_space<hbm>> -> memref<1x640x128xf32, #tpu.memory_space<hbm>>
      %dma_start3A_466 = tpu.memref_squeeze %dma_start3A_465 : memref<1x640x128xf32, #tpu.memory_space<hbm>> -> memref<640x128xf32, #tpu.memory_space<hbm>>
      %dma_start3A_467 = arith.constant 0 : i32
      %dma_start3A_468 = tpu.memref_slice %arg10[%mul3A_461, %dma_start3A_467] : memref<10240x128xf32, #tpu.memory_space<vmem_shared>> -> memref<640x128xf32, #tpu.memory_space<vmem_shared>>
      tpu.enqueue_dma source(%dma_start3A_468 : memref<640x128xf32, #tpu.memory_space<vmem_shared>>) target(%dma_start3A_466 : memref<640x128xf32, #tpu.memory_space<hbm>>) target_semaphore(%run_scoped3A : memref<!tpu.dma_semaphore, #tpu.memory_space<semaphore_mem>>)
      %dma_wait3A = arith.constant 0 : i32
      %dma_wait3A_469 = tpu.memref_slice %arg5[%arg0, %mul3A_463, %dma_wait3A] : memref<2x10240x128xf32, #tpu.memory_space<hbm>> -> memref<1x640x128xf32, #tpu.memory_space<hbm>>
      %dma_wait3A_470 = tpu.memref_squeeze %dma_wait3A_469 : memref<1x640x128xf32, #tpu.memory_space<hbm>> -> memref<640x128xf32, #tpu.memory_space<hbm>>
      %dma_wait3A_471 = arith.constant 0 : i32
      %dma_wait3A_472 = tpu.memref_slice %arg10[%mul3A_461, %dma_wait3A_471] : memref<10240x128xf32, #tpu.memory_space<vmem_shared>> -> memref<640x128xf32, #tpu.memory_space<vmem_shared>>
      tpu.wait_dma2 semaphore(%run_scoped3A : memref<!tpu.dma_semaphore, #tpu.memory_space<semaphore_mem>>) src(%dma_wait3A_472 : memref<640x128xf32, #tpu.memory_space<vmem_shared>>) dst(%dma_wait3A_470 : memref<640x128xf32, #tpu.memory_space<hbm>>)
      tpu.yield
    }) : () -> ()
    return
  }
}

#map = affine_map<(d0, d1) -> (0, 0)>
#map1 = affine_map<(d0, d1) -> (0)>
module attributes {stable_mosaic.version = 14 : i64} {
  func.func @_sc_degree(%arg0: i32, %arg1: i32, %arg2: memref<32x10016xi32, #tpu.memory_space<hbm>>, %arg3: memref<640xf32, #tpu.memory_space<hbm>>, %arg4: memref<32xf32, #tpu.memory_space<hbm>>, %arg5: memref<2x10240xf32, #tpu.memory_space<hbm>>, %arg6: memref<10016xi32, #tpu.memory_space<vmem>>, %arg7: memref<8x32xi32, #tpu.memory_space<vmem>>, %arg8: memref<32xf32, #tpu.memory_space<vmem>>, %arg9: memref<10240xf32, #tpu.memory_space<vmem_shared>>, %arg10: memref<8x!tpu.dma_semaphore, #tpu.memory_space<semaphore_mem>>) attributes {dimension_semantics = [#tpu.dimension_semantics<core_parallel>, #tpu.dimension_semantics<subcore_parallel>], iteration_bounds = array<i64: 2, 16>, scalar_prefetch = 0 : i64, scratch_operands = 5 : i64, tpu.core_type = #tpu.core_type<sc_vector_subcore>, window_params = [{transform_indices = #map}, {transform_indices = #map1}, {transform_indices = #map1}, {transform_indices = #map}]} {
    %mul3A = arith.constant 16 : i32
    %mul3A_0 = arith.muli %arg0, %mul3A : i32
    %add3A = arith.addi %mul3A_0, %arg1 : i32
    %mul3A_1 = arith.constant 640 : i32
    %mul3A_2 = arith.muli %arg1, %mul3A_1 : i32
    "tpu.region"() ({
      %run_scoped3A = tpu.sem_alloc : memref<!tpu.dma_semaphore, #tpu.memory_space<semaphore_mem>>
      %dma_start3A = tpu.memref_slice %arg9[%mul3A_2] : memref<10240xf32, #tpu.memory_space<vmem_shared>> -> memref<640xf32, #tpu.memory_space<vmem_shared>>
      tpu.enqueue_dma source(%arg3 : memref<640xf32, #tpu.memory_space<hbm>>) target(%dma_start3A : memref<640xf32, #tpu.memory_space<vmem_shared>>) target_semaphore(%run_scoped3A : memref<!tpu.dma_semaphore, #tpu.memory_space<semaphore_mem>>)
      %dma_wait3A_84 = tpu.memref_slice %arg9[%mul3A_2] : memref<10240xf32, #tpu.memory_space<vmem_shared>> -> memref<640xf32, #tpu.memory_space<vmem_shared>>
      tpu.wait_dma2 semaphore(%run_scoped3A : memref<!tpu.dma_semaphore, #tpu.memory_space<semaphore_mem>>) src(%arg3 : memref<640xf32, #tpu.memory_space<hbm>>) dst(%dma_wait3A_84 : memref<640xf32, #tpu.memory_space<vmem_shared>>)
      tpu.yield
    }) : () -> ()
    "tpu.region"() ({
      %run_scoped3A = tpu.sem_alloc : memref<!tpu.dma_semaphore, #tpu.memory_space<semaphore_mem>>
      %dma_start3A = arith.constant 0 : i32
      %dma_start3A_84 = tpu.memref_slice %arg2[%add3A, %dma_start3A] : memref<32x10016xi32, #tpu.memory_space<hbm>> -> memref<1x10016xi32, #tpu.memory_space<hbm>>
      %dma_start3A_85 = tpu.memref_squeeze %dma_start3A_84 : memref<1x10016xi32, #tpu.memory_space<hbm>> -> memref<10016xi32, #tpu.memory_space<hbm>>
      %dma_start3A_86 = arith.constant 0 : i32
      %dma_start3A_87 = tpu.memref_slice %arg2[%add3A, %dma_start3A_86] : memref<32x10016xi32, #tpu.memory_space<hbm>> -> memref<1x10016xi32, #tpu.memory_space<hbm>>
      %dma_start3A_88 = tpu.memref_squeeze %dma_start3A_87 : memref<1x10016xi32, #tpu.memory_space<hbm>> -> memref<10016xi32, #tpu.memory_space<hbm>>
      tpu.enqueue_dma source(%dma_start3A_88 : memref<10016xi32, #tpu.memory_space<hbm>>) target(%arg6 : memref<10016xi32, #tpu.memory_space<vmem>>) target_semaphore(%run_scoped3A : memref<!tpu.dma_semaphore, #tpu.memory_space<semaphore_mem>>)
      %dma_wait3A_89 = arith.constant 0 : i32
      %dma_wait3A_90 = tpu.memref_slice %arg2[%add3A, %dma_wait3A_89] : memref<32x10016xi32, #tpu.memory_space<hbm>> -> memref<1x10016xi32, #tpu.memory_space<hbm>>
      %dma_wait3A_91 = tpu.memref_squeeze %dma_wait3A_90 : memref<1x10016xi32, #tpu.memory_space<hbm>> -> memref<10016xi32, #tpu.memory_space<hbm>>
      %dma_wait3A_92 = arith.constant 0 : i32
      %dma_wait3A_93 = tpu.memref_slice %arg2[%add3A, %dma_wait3A_92] : memref<32x10016xi32, #tpu.memory_space<hbm>> -> memref<1x10016xi32, #tpu.memory_space<hbm>>
      %dma_wait3A_94 = tpu.memref_squeeze %dma_wait3A_93 : memref<1x10016xi32, #tpu.memory_space<hbm>> -> memref<10016xi32, #tpu.memory_space<hbm>>
      tpu.wait_dma2 semaphore(%run_scoped3A : memref<!tpu.dma_semaphore, #tpu.memory_space<semaphore_mem>>) src(%dma_wait3A_94 : memref<10016xi32, #tpu.memory_space<hbm>>) dst(%arg6 : memref<10016xi32, #tpu.memory_space<vmem>>)
      tpu.yield
    }) : () -> ()
    "tpu.region"() ({
      %run_scoped3A = tpu.sem_alloc : memref<!tpu.dma_semaphore, #tpu.memory_space<semaphore_mem>>
      tpu.enqueue_dma source(%arg4 : memref<32xf32, #tpu.memory_space<hbm>>) target(%arg8 : memref<32xf32, #tpu.memory_space<vmem>>) target_semaphore(%run_scoped3A : memref<!tpu.dma_semaphore, #tpu.memory_space<semaphore_mem>>)
      tpu.wait_dma2 semaphore(%run_scoped3A : memref<!tpu.dma_semaphore, #tpu.memory_space<semaphore_mem>>) src(%arg4 : memref<32xf32, #tpu.memory_space<hbm>>) dst(%arg8 : memref<32xf32, #tpu.memory_space<vmem>>)
      tpu.yield
    }) : () -> ()
    %barrier3A = arith.constant 0 : index
    tpu.barrier barrier_id(%barrier3A)
    %scan3A = arith.constant 0 : i32
    %scan3A_3 = arith.constant 0 : i32
    %scan3A_4 = arith.constant 313 : i32
    %scan3A_5 = arith.addi %scan3A_3, %scan3A_4 : i32
    %scan3A_6 = arith.constant 1 : i32
    scf.for %scan3A_84 = %scan3A_3 to %scan3A_5 step %scan3A_6  : i32 {
      %rem3A = arith.constant 8 : i32
      %rem3A_85 = arith.remsi %scan3A_84, %rem3A : i32
      %ge3A = arith.constant 8 : i32
      %ge3A_86 = arith.cmpi sge, %scan3A_84, %ge3A : i32
      %convert_element_type3A = arith.extui %ge3A_86 : i1 to i32
      %cond3A = arith.constant 0 : i32
      %cond3A_87 = arith.cmpi ne, %convert_element_type3A, %cond3A : i32
      scf.if %cond3A_87 {
        %dma_wait3A_121 = arith.constant 0 : i32
        %dma_wait3A_122 = tpu.memref_slice %arg7[%rem3A_85, %dma_wait3A_121] : memref<8x32xi32, #tpu.memory_space<vmem>> -> memref<1x32xi32, #tpu.memory_space<vmem>>
        %dma_wait3A_123 = tpu.memref_squeeze %dma_wait3A_122 : memref<1x32xi32, #tpu.memory_space<vmem>> -> memref<32xi32, #tpu.memory_space<vmem>>
        %dma_wait3A_124 = arith.constant 0 : i32
        %dma_wait3A_125 = tpu.memref_slice %arg9[%dma_wait3A_124] : memref<10240xf32, #tpu.memory_space<vmem_shared>> -> memref<10240xf32, #tpu.memory_space<vmem_shared>>
        %dma_wait3A_126 = tpu.memref_slice %arg10[%rem3A_85] : memref<8x!tpu.dma_semaphore, #tpu.memory_space<semaphore_mem>> -> memref<1x!tpu.dma_semaphore, #tpu.memory_space<semaphore_mem>>
        %dma_wait3A_127 = tpu.memref_squeeze %dma_wait3A_126 : memref<1x!tpu.dma_semaphore, #tpu.memory_space<semaphore_mem>> -> memref<!tpu.dma_semaphore, #tpu.memory_space<semaphore_mem>>
        tpu.wait_indirect_dma semaphore(%dma_wait3A_127 : memref<!tpu.dma_semaphore, #tpu.memory_space<semaphore_mem>>) src(%arg8 : memref<32xf32, #tpu.memory_space<vmem>>) dst(%dma_wait3A_125 : memref<10240xf32, #tpu.memory_space<vmem_shared>>)
      } else {
      }
      %mul3A_88 = arith.constant 32 : i32
      %mul3A_89 = arith.muli %scan3A_84, %mul3A_88 : i32
      %add3A_90 = arith.constant 0 : i32
      %add3A_91 = arith.addi %mul3A_89, %add3A_90 : i32
      %get3A = arith.index_cast %add3A_91 : i32 to index
      %get3A_92 = tpu.vector_load %arg6[%get3A] {strides = array<i32>} : memref<10016xi32, #tpu.memory_space<vmem>>, vector<16xi32>,
      %get3A_93 = vector.shape_cast %get3A_92 : vector<16xi32> to vector<16xi32>
      %shift_right_arithmetic3A = arith.constant 14 : i32
      %shift_right_arithmetic3A_94 = vector.broadcast %shift_right_arithmetic3A : i32 to vector<16xi32>
      %shift_right_arithmetic3A_95 = arith.shrsi %get3A_93, %shift_right_arithmetic3A_94 : vector<16xi32>
      %swap3A = arith.index_cast %rem3A_85 : i32 to index
      %swap3A_96 = arith.constant 0 : index
      %swap3A_97 = tpu.vector_load %arg7[%swap3A, %swap3A_96] {strides = array<i32>} : memref<8x32xi32, #tpu.memory_space<vmem>>, vector<1x16xi32>,
      %swap3A_98 = vector.shape_cast %swap3A_97 : vector<1x16xi32> to vector<16xi32>
      %swap3A_99 = vector.shape_cast %shift_right_arithmetic3A_95 : vector<16xi32> to vector<1x16xi32>
      tpu.vector_store %arg7[%swap3A, %swap3A_96], %swap3A_99 {strides = array<i32>} : memref<8x32xi32, #tpu.memory_space<vmem>>, vector<1x16xi32>,
      %mul3A_100 = arith.constant 32 : i32
      %mul3A_101 = arith.muli %scan3A_84, %mul3A_100 : i32
      %add3A_102 = arith.constant 16 : i32
      %add3A_103 = arith.addi %mul3A_101, %add3A_102 : i32
      %get3A_104 = arith.index_cast %add3A_103 : i32 to index
      %get3A_105 = tpu.vector_load %arg6[%get3A_104] {strides = array<i32>} : memref<10016xi32, #tpu.memory_space<vmem>>, vector<16xi32>,
      %get3A_106 = vector.shape_cast %get3A_105 : vector<16xi32> to vector<16xi32>
      %shift_right_arithmetic3A_107 = arith.constant 14 : i32
      %shift_right_arithmetic3A_108 = vector.broadcast %shift_right_arithmetic3A_107 : i32 to vector<16xi32>
      %shift_right_arithmetic3A_109 = arith.shrsi %get3A_106, %shift_right_arithmetic3A_108 : vector<16xi32>
      %swap3A_110 = arith.index_cast %rem3A_85 : i32 to index
      %swap3A_111 = arith.constant 16 : index
      %swap3A_112 = tpu.vector_load %arg7[%swap3A_110, %swap3A_111] {strides = array<i32>} : memref<8x32xi32, #tpu.memory_space<vmem>>, vector<1x16xi32>,
      %swap3A_113 = vector.shape_cast %swap3A_112 : vector<1x16xi32> to vector<16xi32>
      %swap3A_114 = vector.shape_cast %shift_right_arithmetic3A_109 : vector<16xi32> to vector<1x16xi32>
      tpu.vector_store %arg7[%swap3A_110, %swap3A_111], %swap3A_114 {strides = array<i32>} : memref<8x32xi32, #tpu.memory_space<vmem>>, vector<1x16xi32>,
      %dma_start3A = arith.constant 0 : i32
      %dma_start3A_115 = tpu.memref_slice %arg7[%rem3A_85, %dma_start3A] : memref<8x32xi32, #tpu.memory_space<vmem>> -> memref<1x32xi32, #tpu.memory_space<vmem>>
      %dma_start3A_116 = tpu.memref_squeeze %dma_start3A_115 : memref<1x32xi32, #tpu.memory_space<vmem>> -> memref<32xi32, #tpu.memory_space<vmem>>
      %dma_start3A_117 = arith.constant 0 : i32
      %dma_start3A_118 = tpu.memref_slice %arg9[%dma_start3A_117] : memref<10240xf32, #tpu.memory_space<vmem_shared>> -> memref<10240xf32, #tpu.memory_space<vmem_shared>>
      %dma_start3A_119 = tpu.memref_slice %arg10[%rem3A_85] : memref<8x!tpu.dma_semaphore, #tpu.memory_space<semaphore_mem>> -> memref<1x!tpu.dma_semaphore, #tpu.memory_space<semaphore_mem>>
      %dma_start3A_120 = tpu.memref_squeeze %dma_start3A_119 : memref<1x!tpu.dma_semaphore, #tpu.memory_space<semaphore_mem>> -> memref<!tpu.dma_semaphore, #tpu.memory_space<semaphore_mem>>
      tpu.enqueue_indirect_dma source(%arg8 : memref<32xf32, #tpu.memory_space<vmem>>) target(%dma_start3A_118 : memref<10240xf32, #tpu.memory_space<vmem_shared>>) offsets(%dma_start3A_116 : memref<32xi32, #tpu.memory_space<vmem>>) semaphore(%dma_start3A_120 : memref<!tpu.dma_semaphore, #tpu.memory_space<semaphore_mem>>) {add = true}
    }
    %scan3A_7 = arith.constant 313 : i32
    %dma_wait3A = arith.constant 0 : i32
    %dma_wait3A_8 = arith.constant 0 : i32
    %dma_wait3A_9 = arith.constant 0 : i32
    %dma_wait3A_10 = tpu.memref_slice %arg7[%dma_wait3A, %dma_wait3A_9] : memref<8x32xi32, #tpu.memory_space<vmem>> -> memref<1x32xi32, #tpu.memory_space<vmem>>
    %dma_wait3A_11 = tpu.memref_squeeze %dma_wait3A_10 : memref<1x32xi32, #tpu.memory_space<vmem>> -> memref<32xi32, #tpu.memory_space<vmem>>
    %dma_wait3A_12 = arith.constant 0 : i32
    %dma_wait3A_13 = tpu.memref_slice %arg9[%dma_wait3A_12] : memref<10240xf32, #tpu.memory_space<vmem_shared>> -> memref<10240xf32, #tpu.memory_space<vmem_shared>>
    %dma_wait3A_14 = tpu.memref_slice %arg10[%dma_wait3A_8] : memref<8x!tpu.dma_semaphore, #tpu.memory_space<semaphore_mem>> -> memref<1x!tpu.dma_semaphore, #tpu.memory_space<semaphore_mem>>
    %dma_wait3A_15 = tpu.memref_squeeze %dma_wait3A_14 : memref<1x!tpu.dma_semaphore, #tpu.memory_space<semaphore_mem>> -> memref<!tpu.dma_semaphore, #tpu.memory_space<semaphore_mem>>
    tpu.wait_indirect_dma semaphore(%dma_wait3A_15 : memref<!tpu.dma_semaphore, #tpu.memory_space<semaphore_mem>>) src(%arg8 : memref<32xf32, #tpu.memory_space<vmem>>) dst(%dma_wait3A_13 : memref<10240xf32, #tpu.memory_space<vmem_shared>>)
    %dma_wait3A_16 = arith.constant 1 : i32
    %dma_wait3A_17 = arith.constant 1 : i32
    %dma_wait3A_18 = arith.constant 0 : i32
    %dma_wait3A_19 = tpu.memref_slice %arg7[%dma_wait3A_16, %dma_wait3A_18] : memref<8x32xi32, #tpu.memory_space<vmem>> -> memref<1x32xi32, #tpu.memory_space<vmem>>
    %dma_wait3A_20 = tpu.memref_squeeze %dma_wait3A_19 : memref<1x32xi32, #tpu.memory_space<vmem>> -> memref<32xi32, #tpu.memory_space<vmem>>
    %dma_wait3A_21 = arith.constant 0 : i32
    %dma_wait3A_22 = tpu.memref_slice %arg9[%dma_wait3A_21] : memref<10240xf32, #tpu.memory_space<vmem_shared>> -> memref<10240xf32, #tpu.memory_space<vmem_shared>>
    %dma_wait3A_23 = tpu.memref_slice %arg10[%dma_wait3A_17] : memref<8x!tpu.dma_semaphore, #tpu.memory_space<semaphore_mem>> -> memref<1x!tpu.dma_semaphore, #tpu.memory_space<semaphore_mem>>
    %dma_wait3A_24 = tpu.memref_squeeze %dma_wait3A_23 : memref<1x!tpu.dma_semaphore, #tpu.memory_space<semaphore_mem>> -> memref<!tpu.dma_semaphore, #tpu.memory_space<semaphore_mem>>
    tpu.wait_indirect_dma semaphore(%dma_wait3A_24 : memref<!tpu.dma_semaphore, #tpu.memory_space<semaphore_mem>>) src(%arg8 : memref<32xf32, #tpu.memory_space<vmem>>) dst(%dma_wait3A_22 : memref<10240xf32, #tpu.memory_space<vmem_shared>>)
    %dma_wait3A_25 = arith.constant 2 : i32
    %dma_wait3A_26 = arith.constant 2 : i32
    %dma_wait3A_27 = arith.constant 0 : i32
    %dma_wait3A_28 = tpu.memref_slice %arg7[%dma_wait3A_25, %dma_wait3A_27] : memref<8x32xi32, #tpu.memory_space<vmem>> -> memref<1x32xi32, #tpu.memory_space<vmem>>
    %dma_wait3A_29 = tpu.memref_squeeze %dma_wait3A_28 : memref<1x32xi32, #tpu.memory_space<vmem>> -> memref<32xi32, #tpu.memory_space<vmem>>
    %dma_wait3A_30 = arith.constant 0 : i32
    %dma_wait3A_31 = tpu.memref_slice %arg9[%dma_wait3A_30] : memref<10240xf32, #tpu.memory_space<vmem_shared>> -> memref<10240xf32, #tpu.memory_space<vmem_shared>>
    %dma_wait3A_32 = tpu.memref_slice %arg10[%dma_wait3A_26] : memref<8x!tpu.dma_semaphore, #tpu.memory_space<semaphore_mem>> -> memref<1x!tpu.dma_semaphore, #tpu.memory_space<semaphore_mem>>
    %dma_wait3A_33 = tpu.memref_squeeze %dma_wait3A_32 : memref<1x!tpu.dma_semaphore, #tpu.memory_space<semaphore_mem>> -> memref<!tpu.dma_semaphore, #tpu.memory_space<semaphore_mem>>
    tpu.wait_indirect_dma semaphore(%dma_wait3A_33 : memref<!tpu.dma_semaphore, #tpu.memory_space<semaphore_mem>>) src(%arg8 : memref<32xf32, #tpu.memory_space<vmem>>) dst(%dma_wait3A_31 : memref<10240xf32, #tpu.memory_space<vmem_shared>>)
    %dma_wait3A_34 = arith.constant 3 : i32
    %dma_wait3A_35 = arith.constant 3 : i32
    %dma_wait3A_36 = arith.constant 0 : i32
    %dma_wait3A_37 = tpu.memref_slice %arg7[%dma_wait3A_34, %dma_wait3A_36] : memref<8x32xi32, #tpu.memory_space<vmem>> -> memref<1x32xi32, #tpu.memory_space<vmem>>
    %dma_wait3A_38 = tpu.memref_squeeze %dma_wait3A_37 : memref<1x32xi32, #tpu.memory_space<vmem>> -> memref<32xi32, #tpu.memory_space<vmem>>
    %dma_wait3A_39 = arith.constant 0 : i32
    %dma_wait3A_40 = tpu.memref_slice %arg9[%dma_wait3A_39] : memref<10240xf32, #tpu.memory_space<vmem_shared>> -> memref<10240xf32, #tpu.memory_space<vmem_shared>>
    %dma_wait3A_41 = tpu.memref_slice %arg10[%dma_wait3A_35] : memref<8x!tpu.dma_semaphore, #tpu.memory_space<semaphore_mem>> -> memref<1x!tpu.dma_semaphore, #tpu.memory_space<semaphore_mem>>
    %dma_wait3A_42 = tpu.memref_squeeze %dma_wait3A_41 : memref<1x!tpu.dma_semaphore, #tpu.memory_space<semaphore_mem>> -> memref<!tpu.dma_semaphore, #tpu.memory_space<semaphore_mem>>
    tpu.wait_indirect_dma semaphore(%dma_wait3A_42 : memref<!tpu.dma_semaphore, #tpu.memory_space<semaphore_mem>>) src(%arg8 : memref<32xf32, #tpu.memory_space<vmem>>) dst(%dma_wait3A_40 : memref<10240xf32, #tpu.memory_space<vmem_shared>>)
    %dma_wait3A_43 = arith.constant 4 : i32
    %dma_wait3A_44 = arith.constant 4 : i32
    %dma_wait3A_45 = arith.constant 0 : i32
    %dma_wait3A_46 = tpu.memref_slice %arg7[%dma_wait3A_43, %dma_wait3A_45] : memref<8x32xi32, #tpu.memory_space<vmem>> -> memref<1x32xi32, #tpu.memory_space<vmem>>
    %dma_wait3A_47 = tpu.memref_squeeze %dma_wait3A_46 : memref<1x32xi32, #tpu.memory_space<vmem>> -> memref<32xi32, #tpu.memory_space<vmem>>
    %dma_wait3A_48 = arith.constant 0 : i32
    %dma_wait3A_49 = tpu.memref_slice %arg9[%dma_wait3A_48] : memref<10240xf32, #tpu.memory_space<vmem_shared>> -> memref<10240xf32, #tpu.memory_space<vmem_shared>>
    %dma_wait3A_50 = tpu.memref_slice %arg10[%dma_wait3A_44] : memref<8x!tpu.dma_semaphore, #tpu.memory_space<semaphore_mem>> -> memref<1x!tpu.dma_semaphore, #tpu.memory_space<semaphore_mem>>
    %dma_wait3A_51 = tpu.memref_squeeze %dma_wait3A_50 : memref<1x!tpu.dma_semaphore, #tpu.memory_space<semaphore_mem>> -> memref<!tpu.dma_semaphore, #tpu.memory_space<semaphore_mem>>
    tpu.wait_indirect_dma semaphore(%dma_wait3A_51 : memref<!tpu.dma_semaphore, #tpu.memory_space<semaphore_mem>>) src(%arg8 : memref<32xf32, #tpu.memory_space<vmem>>) dst(%dma_wait3A_49 : memref<10240xf32, #tpu.memory_space<vmem_shared>>)
    %dma_wait3A_52 = arith.constant 5 : i32
    %dma_wait3A_53 = arith.constant 5 : i32
    %dma_wait3A_54 = arith.constant 0 : i32
    %dma_wait3A_55 = tpu.memref_slice %arg7[%dma_wait3A_52, %dma_wait3A_54] : memref<8x32xi32, #tpu.memory_space<vmem>> -> memref<1x32xi32, #tpu.memory_space<vmem>>
    %dma_wait3A_56 = tpu.memref_squeeze %dma_wait3A_55 : memref<1x32xi32, #tpu.memory_space<vmem>> -> memref<32xi32, #tpu.memory_space<vmem>>
    %dma_wait3A_57 = arith.constant 0 : i32
    %dma_wait3A_58 = tpu.memref_slice %arg9[%dma_wait3A_57] : memref<10240xf32, #tpu.memory_space<vmem_shared>> -> memref<10240xf32, #tpu.memory_space<vmem_shared>>
    %dma_wait3A_59 = tpu.memref_slice %arg10[%dma_wait3A_53] : memref<8x!tpu.dma_semaphore, #tpu.memory_space<semaphore_mem>> -> memref<1x!tpu.dma_semaphore, #tpu.memory_space<semaphore_mem>>
    %dma_wait3A_60 = tpu.memref_squeeze %dma_wait3A_59 : memref<1x!tpu.dma_semaphore, #tpu.memory_space<semaphore_mem>> -> memref<!tpu.dma_semaphore, #tpu.memory_space<semaphore_mem>>
    tpu.wait_indirect_dma semaphore(%dma_wait3A_60 : memref<!tpu.dma_semaphore, #tpu.memory_space<semaphore_mem>>) src(%arg8 : memref<32xf32, #tpu.memory_space<vmem>>) dst(%dma_wait3A_58 : memref<10240xf32, #tpu.memory_space<vmem_shared>>)
    %dma_wait3A_61 = arith.constant 6 : i32
    %dma_wait3A_62 = arith.constant 6 : i32
    %dma_wait3A_63 = arith.constant 0 : i32
    %dma_wait3A_64 = tpu.memref_slice %arg7[%dma_wait3A_61, %dma_wait3A_63] : memref<8x32xi32, #tpu.memory_space<vmem>> -> memref<1x32xi32, #tpu.memory_space<vmem>>
    %dma_wait3A_65 = tpu.memref_squeeze %dma_wait3A_64 : memref<1x32xi32, #tpu.memory_space<vmem>> -> memref<32xi32, #tpu.memory_space<vmem>>
    %dma_wait3A_66 = arith.constant 0 : i32
    %dma_wait3A_67 = tpu.memref_slice %arg9[%dma_wait3A_66] : memref<10240xf32, #tpu.memory_space<vmem_shared>> -> memref<10240xf32, #tpu.memory_space<vmem_shared>>
    %dma_wait3A_68 = tpu.memref_slice %arg10[%dma_wait3A_62] : memref<8x!tpu.dma_semaphore, #tpu.memory_space<semaphore_mem>> -> memref<1x!tpu.dma_semaphore, #tpu.memory_space<semaphore_mem>>
    %dma_wait3A_69 = tpu.memref_squeeze %dma_wait3A_68 : memref<1x!tpu.dma_semaphore, #tpu.memory_space<semaphore_mem>> -> memref<!tpu.dma_semaphore, #tpu.memory_space<semaphore_mem>>
    tpu.wait_indirect_dma semaphore(%dma_wait3A_69 : memref<!tpu.dma_semaphore, #tpu.memory_space<semaphore_mem>>) src(%arg8 : memref<32xf32, #tpu.memory_space<vmem>>) dst(%dma_wait3A_67 : memref<10240xf32, #tpu.memory_space<vmem_shared>>)
    %dma_wait3A_70 = arith.constant 7 : i32
    %dma_wait3A_71 = arith.constant 7 : i32
    %dma_wait3A_72 = arith.constant 0 : i32
    %dma_wait3A_73 = tpu.memref_slice %arg7[%dma_wait3A_70, %dma_wait3A_72] : memref<8x32xi32, #tpu.memory_space<vmem>> -> memref<1x32xi32, #tpu.memory_space<vmem>>
    %dma_wait3A_74 = tpu.memref_squeeze %dma_wait3A_73 : memref<1x32xi32, #tpu.memory_space<vmem>> -> memref<32xi32, #tpu.memory_space<vmem>>
    %dma_wait3A_75 = arith.constant 0 : i32
    %dma_wait3A_76 = tpu.memref_slice %arg9[%dma_wait3A_75] : memref<10240xf32, #tpu.memory_space<vmem_shared>> -> memref<10240xf32, #tpu.memory_space<vmem_shared>>
    %dma_wait3A_77 = tpu.memref_slice %arg10[%dma_wait3A_71] : memref<8x!tpu.dma_semaphore, #tpu.memory_space<semaphore_mem>> -> memref<1x!tpu.dma_semaphore, #tpu.memory_space<semaphore_mem>>
    %dma_wait3A_78 = tpu.memref_squeeze %dma_wait3A_77 : memref<1x!tpu.dma_semaphore, #tpu.memory_space<semaphore_mem>> -> memref<!tpu.dma_semaphore, #tpu.memory_space<semaphore_mem>>
    tpu.wait_indirect_dma semaphore(%dma_wait3A_78 : memref<!tpu.dma_semaphore, #tpu.memory_space<semaphore_mem>>) src(%arg8 : memref<32xf32, #tpu.memory_space<vmem>>) dst(%dma_wait3A_76 : memref<10240xf32, #tpu.memory_space<vmem_shared>>)
    %barrier3A_79 = arith.constant 0 : index
    tpu.barrier barrier_id(%barrier3A_79)
    %mul3A_80 = arith.constant 640 : i32
    %mul3A_81 = arith.muli %arg1, %mul3A_80 : i32
    %mul3A_82 = arith.constant 640 : i32
    %mul3A_83 = arith.muli %arg1, %mul3A_82 : i32
    "tpu.region"() ({
      %run_scoped3A = tpu.sem_alloc : memref<!tpu.dma_semaphore, #tpu.memory_space<semaphore_mem>>
      %dma_start3A = tpu.memref_slice %arg5[%arg0, %mul3A_83] : memref<2x10240xf32, #tpu.memory_space<hbm>> -> memref<1x640xf32, #tpu.memory_space<hbm>>
      %dma_start3A_84 = tpu.memref_squeeze %dma_start3A : memref<1x640xf32, #tpu.memory_space<hbm>> -> memref<640xf32, #tpu.memory_space<hbm>>
      %dma_start3A_85 = tpu.memref_slice %arg9[%mul3A_81] : memref<10240xf32, #tpu.memory_space<vmem_shared>> -> memref<640xf32, #tpu.memory_space<vmem_shared>>
      tpu.enqueue_dma source(%dma_start3A_85 : memref<640xf32, #tpu.memory_space<vmem_shared>>) target(%dma_start3A_84 : memref<640xf32, #tpu.memory_space<hbm>>) target_semaphore(%run_scoped3A : memref<!tpu.dma_semaphore, #tpu.memory_space<semaphore_mem>>)
      %dma_wait3A_86 = tpu.memref_slice %arg5[%arg0, %mul3A_83] : memref<2x10240xf32, #tpu.memory_space<hbm>> -> memref<1x640xf32, #tpu.memory_space<hbm>>
      %dma_wait3A_87 = tpu.memref_squeeze %dma_wait3A_86 : memref<1x640xf32, #tpu.memory_space<hbm>> -> memref<640xf32, #tpu.memory_space<hbm>>
      %dma_wait3A_88 = tpu.memref_slice %arg9[%mul3A_81] : memref<10240xf32, #tpu.memory_space<vmem_shared>> -> memref<640xf32, #tpu.memory_space<vmem_shared>>
      tpu.wait_dma2 semaphore(%run_scoped3A : memref<!tpu.dma_semaphore, #tpu.memory_space<semaphore_mem>>) src(%dma_wait3A_88 : memref<640xf32, #tpu.memory_space<vmem_shared>>) dst(%dma_wait3A_87 : memref<640xf32, #tpu.memory_space<hbm>>)
      tpu.yield
    }) : () -> ()
    return
  }
}

#map = affine_map<(d0, d1) -> (0, 0)>
#map1 = affine_map<(d0, d1) -> (0, 0, 0)>
module attributes {stable_mosaic.version = 14 : i64} {
  func.func @_sc_scatter(%arg0: i32, %arg1: i32, %arg2: memref<32x10016xi32, #tpu.memory_space<hbm>>, %arg3: memref<10240x128xf32, #tpu.memory_space<hbm>>, %arg4: memref<640x128xf32, #tpu.memory_space<hbm>>, %arg5: memref<2x10240x128xf32, #tpu.memory_space<hbm>>, %arg6: memref<10016xi32, #tpu.memory_space<vmem>>, %arg7: memref<8x32xi32, #tpu.memory_space<vmem>>, %arg8: memref<8x32xi32, #tpu.memory_space<vmem>>, %arg9: memref<8x32x128xf32, #tpu.memory_space<vmem>>, %arg10: memref<10240x128xf32, #tpu.memory_space<vmem_shared>>, %arg11: memref<8x!tpu.dma_semaphore, #tpu.memory_space<semaphore_mem>>) attributes {dimension_semantics = [#tpu.dimension_semantics<core_parallel>, #tpu.dimension_semantics<subcore_parallel>], iteration_bounds = array<i64: 2, 16>, scalar_prefetch = 0 : i64, scratch_operands = 6 : i64, tpu.core_type = #tpu.core_type<sc_vector_subcore>, window_params = [{transform_indices = #map}, {transform_indices = #map}, {transform_indices = #map}, {transform_indices = #map1}]} {
    %mul3A = arith.constant 16 : i32
    %mul3A_0 = arith.muli %arg0, %mul3A : i32
    %add3A = arith.addi %mul3A_0, %arg1 : i32
    %mul3A_1 = arith.constant 640 : i32
    %mul3A_2 = arith.muli %arg1, %mul3A_1 : i32
    "tpu.region"() ({
      %run_scoped3A = tpu.sem_alloc : memref<!tpu.dma_semaphore, #tpu.memory_space<semaphore_mem>>
      %dma_start3A_464 = arith.constant 0 : i32
      %dma_start3A_465 = tpu.memref_slice %arg10[%mul3A_2, %dma_start3A_464] : memref<10240x128xf32, #tpu.memory_space<vmem_shared>> -> memref<640x128xf32, #tpu.memory_space<vmem_shared>>
      tpu.enqueue_dma source(%arg4 : memref<640x128xf32, #tpu.memory_space<hbm>>) target(%dma_start3A_465 : memref<640x128xf32, #tpu.memory_space<vmem_shared>>) target_semaphore(%run_scoped3A : memref<!tpu.dma_semaphore, #tpu.memory_space<semaphore_mem>>)
      %dma_wait3A = arith.constant 0 : i32
      %dma_wait3A_466 = tpu.memref_slice %arg10[%mul3A_2, %dma_wait3A] : memref<10240x128xf32, #tpu.memory_space<vmem_shared>> -> memref<640x128xf32, #tpu.memory_space<vmem_shared>>
      tpu.wait_dma2 semaphore(%run_scoped3A : memref<!tpu.dma_semaphore, #tpu.memory_space<semaphore_mem>>) src(%arg4 : memref<640x128xf32, #tpu.memory_space<hbm>>) dst(%dma_wait3A_466 : memref<640x128xf32, #tpu.memory_space<vmem_shared>>)
      tpu.yield
    }) : () -> ()
    "tpu.region"() ({
      %run_scoped3A = tpu.sem_alloc : memref<!tpu.dma_semaphore, #tpu.memory_space<semaphore_mem>>
      %dma_start3A_464 = arith.constant 0 : i32
      %dma_start3A_465 = tpu.memref_slice %arg2[%add3A, %dma_start3A_464] : memref<32x10016xi32, #tpu.memory_space<hbm>> -> memref<1x10016xi32, #tpu.memory_space<hbm>>
      %dma_start3A_466 = tpu.memref_squeeze %dma_start3A_465 : memref<1x10016xi32, #tpu.memory_space<hbm>> -> memref<10016xi32, #tpu.memory_space<hbm>>
      %dma_start3A_467 = arith.constant 0 : i32
      %dma_start3A_468 = tpu.memref_slice %arg2[%add3A, %dma_start3A_467] : memref<32x10016xi32, #tpu.memory_space<hbm>> -> memref<1x10016xi32, #tpu.memory_space<hbm>>
      %dma_start3A_469 = tpu.memref_squeeze %dma_start3A_468 : memref<1x10016xi32, #tpu.memory_space<hbm>> -> memref<10016xi32, #tpu.memory_space<hbm>>
      tpu.enqueue_dma source(%dma_start3A_469 : memref<10016xi32, #tpu.memory_space<hbm>>) target(%arg6 : memref<10016xi32, #tpu.memory_space<vmem>>) target_semaphore(%run_scoped3A : memref<!tpu.dma_semaphore, #tpu.memory_space<semaphore_mem>>)
      %dma_wait3A = arith.constant 0 : i32
      %dma_wait3A_470 = tpu.memref_slice %arg2[%add3A, %dma_wait3A] : memref<32x10016xi32, #tpu.memory_space<hbm>> -> memref<1x10016xi32, #tpu.memory_space<hbm>>
      %dma_wait3A_471 = tpu.memref_squeeze %dma_wait3A_470 : memref<1x10016xi32, #tpu.memory_space<hbm>> -> memref<10016xi32, #tpu.memory_space<hbm>>
      %dma_wait3A_472 = arith.constant 0 : i32
      %dma_wait3A_473 = tpu.memref_slice %arg2[%add3A, %dma_wait3A_472] : memref<32x10016xi32, #tpu.memory_space<hbm>> -> memref<1x10016xi32, #tpu.memory_space<hbm>>
      %dma_wait3A_474 = tpu.memref_squeeze %dma_wait3A_473 : memref<1x10016xi32, #tpu.memory_space<hbm>> -> memref<10016xi32, #tpu.memory_space<hbm>>
      tpu.wait_dma2 semaphore(%run_scoped3A : memref<!tpu.dma_semaphore, #tpu.memory_space<semaphore_mem>>) src(%dma_wait3A_474 : memref<10016xi32, #tpu.memory_space<hbm>>) dst(%arg6 : memref<10016xi32, #tpu.memory_space<vmem>>)
      tpu.yield
    }) : () -> ()
    %barrier3A = arith.constant 0 : index
    tpu.barrier barrier_id(%barrier3A)
    %get3A = arith.constant 0 : index
    %get3A_3 = tpu.vector_load %arg6[%get3A] {strides = array<i32>} : memref<10016xi32, #tpu.memory_space<vmem>>, vector<16xi32>,
    %get3A_4 = vector.shape_cast %get3A_3 : vector<16xi32> to vector<16xi32>
    %and3A = arith.constant 16383 : i32
    %and3A_5 = vector.broadcast %and3A : i32 to vector<16xi32>
    %and3A_6 = arith.andi %get3A_4, %and3A_5 : vector<16xi32>
    %swap3A = arith.constant 0 : i32
    %swap3A_7 = arith.index_cast %swap3A : i32 to index
    %swap3A_8 = arith.constant 0 : index
    %swap3A_9 = tpu.vector_load %arg7[%swap3A_7, %swap3A_8] {strides = array<i32>} : memref<8x32xi32, #tpu.memory_space<vmem>>, vector<1x16xi32>,
    %swap3A_10 = vector.shape_cast %swap3A_9 : vector<1x16xi32> to vector<16xi32>
    %swap3A_11 = vector.shape_cast %and3A_6 : vector<16xi32> to vector<1x16xi32>
    tpu.vector_store %arg7[%swap3A_7, %swap3A_8], %swap3A_11 {strides = array<i32>} : memref<8x32xi32, #tpu.memory_space<vmem>>, vector<1x16xi32>,
    %shift_right_arithmetic3A = arith.constant 14 : i32
    %shift_right_arithmetic3A_12 = vector.broadcast %shift_right_arithmetic3A : i32 to vector<16xi32>
    %shift_right_arithmetic3A_13 = arith.shrsi %get3A_4, %shift_right_arithmetic3A_12 : vector<16xi32>
    %swap3A_14 = arith.constant 0 : i32
    %swap3A_15 = arith.index_cast %swap3A_14 : i32 to index
    %swap3A_16 = arith.constant 0 : index
    %swap3A_17 = tpu.vector_load %arg8[%swap3A_15, %swap3A_16] {strides = array<i32>} : memref<8x32xi32, #tpu.memory_space<vmem>>, vector<1x16xi32>,
    %swap3A_18 = vector.shape_cast %swap3A_17 : vector<1x16xi32> to vector<16xi32>
    %swap3A_19 = vector.shape_cast %shift_right_arithmetic3A_13 : vector<16xi32> to vector<1x16xi32>
    tpu.vector_store %arg8[%swap3A_15, %swap3A_16], %swap3A_19 {strides = array<i32>} : memref<8x32xi32, #tpu.memory_space<vmem>>, vector<1x16xi32>,
    %get3A_20 = arith.constant 16 : index
    %get3A_21 = tpu.vector_load %arg6[%get3A_20] {strides = array<i32>} : memref<10016xi32, #tpu.memory_space<vmem>>, vector<16xi32>,
    %get3A_22 = vector.shape_cast %get3A_21 : vector<16xi32> to vector<16xi32>
    %and3A_23 = arith.constant 16383 : i32
    %and3A_24 = vector.broadcast %and3A_23 : i32 to vector<16xi32>
    %and3A_25 = arith.andi %get3A_22, %and3A_24 : vector<16xi32>
    %swap3A_26 = arith.constant 0 : i32
    %swap3A_27 = arith.index_cast %swap3A_26 : i32 to index
    %swap3A_28 = arith.constant 16 : index
    %swap3A_29 = tpu.vector_load %arg7[%swap3A_27, %swap3A_28] {strides = array<i32>} : memref<8x32xi32, #tpu.memory_space<vmem>>, vector<1x16xi32>,
    %swap3A_30 = vector.shape_cast %swap3A_29 : vector<1x16xi32> to vector<16xi32>
    %swap3A_31 = vector.shape_cast %and3A_25 : vector<16xi32> to vector<1x16xi32>
    tpu.vector_store %arg7[%swap3A_27, %swap3A_28], %swap3A_31 {strides = array<i32>} : memref<8x32xi32, #tpu.memory_space<vmem>>, vector<1x16xi32>,
    %shift_right_arithmetic3A_32 = arith.constant 14 : i32
    %shift_right_arithmetic3A_33 = vector.broadcast %shift_right_arithmetic3A_32 : i32 to vector<16xi32>
    %shift_right_arithmetic3A_34 = arith.shrsi %get3A_22, %shift_right_arithmetic3A_33 : vector<16xi32>
    %swap3A_35 = arith.constant 0 : i32
    %swap3A_36 = arith.index_cast %swap3A_35 : i32 to index
    %swap3A_37 = arith.constant 16 : index
    %swap3A_38 = tpu.vector_load %arg8[%swap3A_36, %swap3A_37] {strides = array<i32>} : memref<8x32xi32, #tpu.memory_space<vmem>>, vector<1x16xi32>,
    %swap3A_39 = vector.shape_cast %swap3A_38 : vector<1x16xi32> to vector<16xi32>
    %swap3A_40 = vector.shape_cast %shift_right_arithmetic3A_34 : vector<16xi32> to vector<1x16xi32>
    tpu.vector_store %arg8[%swap3A_36, %swap3A_37], %swap3A_40 {strides = array<i32>} : memref<8x32xi32, #tpu.memory_space<vmem>>, vector<1x16xi32>,
    %dma_start3A = arith.constant 0 : i32
    %dma_start3A_41 = arith.constant 0 : i32
    %dma_start3A_42 = arith.constant 0 : i32
    %dma_start3A_43 = arith.constant 0 : i32
    %dma_start3A_44 = arith.constant 0 : i32
    %dma_start3A_45 = tpu.memref_slice %arg9[%dma_start3A_41, %dma_start3A_43, %dma_start3A_44] : memref<8x32x128xf32, #tpu.memory_space<vmem>> -> memref<1x32x128xf32, #tpu.memory_space<vmem>>
    %dma_start3A_46 = tpu.memref_squeeze %dma_start3A_45 : memref<1x32x128xf32, #tpu.memory_space<vmem>> -> memref<32x128xf32, #tpu.memory_space<vmem>>
    %dma_start3A_47 = arith.constant 0 : i32
    %dma_start3A_48 = tpu.memref_slice %arg7[%dma_start3A, %dma_start3A_47] : memref<8x32xi32, #tpu.memory_space<vmem>> -> memref<1x32xi32, #tpu.memory_space<vmem>>
    %dma_start3A_49 = tpu.memref_squeeze %dma_start3A_48 : memref<1x32xi32, #tpu.memory_space<vmem>> -> memref<32xi32, #tpu.memory_space<vmem>>
    %dma_start3A_50 = arith.constant 0 : i32
    %dma_start3A_51 = arith.constant 0 : i32
    %dma_start3A_52 = tpu.memref_slice %arg3[%dma_start3A_50, %dma_start3A_51] : memref<10240x128xf32, #tpu.memory_space<hbm>> -> memref<10240x128xf32, #tpu.memory_space<hbm>>
    %dma_start3A_53 = tpu.memref_slice %arg11[%dma_start3A_42] : memref<8x!tpu.dma_semaphore, #tpu.memory_space<semaphore_mem>> -> memref<1x!tpu.dma_semaphore, #tpu.memory_space<semaphore_mem>>
    %dma_start3A_54 = tpu.memref_squeeze %dma_start3A_53 : memref<1x!tpu.dma_semaphore, #tpu.memory_space<semaphore_mem>> -> memref<!tpu.dma_semaphore, #tpu.memory_space<semaphore_mem>>
    tpu.enqueue_indirect_dma source(%dma_start3A_52 : memref<10240x128xf32, #tpu.memory_space<hbm>>) target(%dma_start3A_46 : memref<32x128xf32, #tpu.memory_space<vmem>>) offsets(%dma_start3A_49 : memref<32xi32, #tpu.memory_space<vmem>>) semaphore(%dma_start3A_54 : memref<!tpu.dma_semaphore, #tpu.memory_space<semaphore_mem>>)
    %get3A_55 = arith.constant 32 : index
    %get3A_56 = tpu.vector_load %arg6[%get3A_55] {strides = array<i32>} : memref<10016xi32, #tpu.memory_space<vmem>>, vector<16xi32>,
    %get3A_57 = vector.shape_cast %get3A_56 : vector<16xi32> to vector<16xi32>
    %and3A_58 = arith.constant 16383 : i32
    %and3A_59 = vector.broadcast %and3A_58 : i32 to vector<16xi32>
    %and3A_60 = arith.andi %get3A_57, %and3A_59 : vector<16xi32>
    %swap3A_61 = arith.constant 1 : i32
    %swap3A_62 = arith.index_cast %swap3A_61 : i32 to index
    %swap3A_63 = arith.constant 0 : index
    %swap3A_64 = tpu.vector_load %arg7[%swap3A_62, %swap3A_63] {strides = array<i32>} : memref<8x32xi32, #tpu.memory_space<vmem>>, vector<1x16xi32>,
    %swap3A_65 = vector.shape_cast %swap3A_64 : vector<1x16xi32> to vector<16xi32>
    %swap3A_66 = vector.shape_cast %and3A_60 : vector<16xi32> to vector<1x16xi32>
    tpu.vector_store %arg7[%swap3A_62, %swap3A_63], %swap3A_66 {strides = array<i32>} : memref<8x32xi32, #tpu.memory_space<vmem>>, vector<1x16xi32>,
    %shift_right_arithmetic3A_67 = arith.constant 14 : i32
    %shift_right_arithmetic3A_68 = vector.broadcast %shift_right_arithmetic3A_67 : i32 to vector<16xi32>
    %shift_right_arithmetic3A_69 = arith.shrsi %get3A_57, %shift_right_arithmetic3A_68 : vector<16xi32>
    %swap3A_70 = arith.constant 1 : i32
    %swap3A_71 = arith.index_cast %swap3A_70 : i32 to index
    %swap3A_72 = arith.constant 0 : index
    %swap3A_73 = tpu.vector_load %arg8[%swap3A_71, %swap3A_72] {strides = array<i32>} : memref<8x32xi32, #tpu.memory_space<vmem>>, vector<1x16xi32>,
    %swap3A_74 = vector.shape_cast %swap3A_73 : vector<1x16xi32> to vector<16xi32>
    %swap3A_75 = vector.shape_cast %shift_right_arithmetic3A_69 : vector<16xi32> to vector<1x16xi32>
    tpu.vector_store %arg8[%swap3A_71, %swap3A_72], %swap3A_75 {strides = array<i32>} : memref<8x32xi32, #tpu.memory_space<vmem>>, vector<1x16xi32>,
    %get3A_76 = arith.constant 48 : index
    %get3A_77 = tpu.vector_load %arg6[%get3A_76] {strides = array<i32>} : memref<10016xi32, #tpu.memory_space<vmem>>, vector<16xi32>,
    %get3A_78 = vector.shape_cast %get3A_77 : vector<16xi32> to vector<16xi32>
    %and3A_79 = arith.constant 16383 : i32
    %and3A_80 = vector.broadcast %and3A_79 : i32 to vector<16xi32>
    %and3A_81 = arith.andi %get3A_78, %and3A_80 : vector<16xi32>
    %swap3A_82 = arith.constant 1 : i32
    %swap3A_83 = arith.index_cast %swap3A_82 : i32 to index
    %swap3A_84 = arith.constant 16 : index
    %swap3A_85 = tpu.vector_load %arg7[%swap3A_83, %swap3A_84] {strides = array<i32>} : memref<8x32xi32, #tpu.memory_space<vmem>>, vector<1x16xi32>,
    %swap3A_86 = vector.shape_cast %swap3A_85 : vector<1x16xi32> to vector<16xi32>
    %swap3A_87 = vector.shape_cast %and3A_81 : vector<16xi32> to vector<1x16xi32>
    tpu.vector_store %arg7[%swap3A_83, %swap3A_84], %swap3A_87 {strides = array<i32>} : memref<8x32xi32, #tpu.memory_space<vmem>>, vector<1x16xi32>,
    %shift_right_arithmetic3A_88 = arith.constant 14 : i32
    %shift_right_arithmetic3A_89 = vector.broadcast %shift_right_arithmetic3A_88 : i32 to vector<16xi32>
    %shift_right_arithmetic3A_90 = arith.shrsi %get3A_78, %shift_right_arithmetic3A_89 : vector<16xi32>
    %swap3A_91 = arith.constant 1 : i32
    %swap3A_92 = arith.index_cast %swap3A_91 : i32 to index
    %swap3A_93 = arith.constant 16 : index
    %swap3A_94 = tpu.vector_load %arg8[%swap3A_92, %swap3A_93] {strides = array<i32>} : memref<8x32xi32, #tpu.memory_space<vmem>>, vector<1x16xi32>,
    %swap3A_95 = vector.shape_cast %swap3A_94 : vector<1x16xi32> to vector<16xi32>
    %swap3A_96 = vector.shape_cast %shift_right_arithmetic3A_90 : vector<16xi32> to vector<1x16xi32>
    tpu.vector_store %arg8[%swap3A_92, %swap3A_93], %swap3A_96 {strides = array<i32>} : memref<8x32xi32, #tpu.memory_space<vmem>>, vector<1x16xi32>,
    %dma_start3A_97 = arith.constant 1 : i32
    %dma_start3A_98 = arith.constant 1 : i32
    %dma_start3A_99 = arith.constant 1 : i32
    %dma_start3A_100 = arith.constant 0 : i32
    %dma_start3A_101 = arith.constant 0 : i32
    %dma_start3A_102 = tpu.memref_slice %arg9[%dma_start3A_98, %dma_start3A_100, %dma_start3A_101] : memref<8x32x128xf32, #tpu.memory_space<vmem>> -> memref<1x32x128xf32, #tpu.memory_space<vmem>>
    %dma_start3A_103 = tpu.memref_squeeze %dma_start3A_102 : memref<1x32x128xf32, #tpu.memory_space<vmem>> -> memref<32x128xf32, #tpu.memory_space<vmem>>
    %dma_start3A_104 = arith.constant 0 : i32
    %dma_start3A_105 = tpu.memref_slice %arg7[%dma_start3A_97, %dma_start3A_104] : memref<8x32xi32, #tpu.memory_space<vmem>> -> memref<1x32xi32, #tpu.memory_space<vmem>>
    %dma_start3A_106 = tpu.memref_squeeze %dma_start3A_105 : memref<1x32xi32, #tpu.memory_space<vmem>> -> memref<32xi32, #tpu.memory_space<vmem>>
    %dma_start3A_107 = arith.constant 0 : i32
    %dma_start3A_108 = arith.constant 0 : i32
    %dma_start3A_109 = tpu.memref_slice %arg3[%dma_start3A_107, %dma_start3A_108] : memref<10240x128xf32, #tpu.memory_space<hbm>> -> memref<10240x128xf32, #tpu.memory_space<hbm>>
    %dma_start3A_110 = tpu.memref_slice %arg11[%dma_start3A_99] : memref<8x!tpu.dma_semaphore, #tpu.memory_space<semaphore_mem>> -> memref<1x!tpu.dma_semaphore, #tpu.memory_space<semaphore_mem>>
    %dma_start3A_111 = tpu.memref_squeeze %dma_start3A_110 : memref<1x!tpu.dma_semaphore, #tpu.memory_space<semaphore_mem>> -> memref<!tpu.dma_semaphore, #tpu.memory_space<semaphore_mem>>
    tpu.enqueue_indirect_dma source(%dma_start3A_109 : memref<10240x128xf32, #tpu.memory_space<hbm>>) target(%dma_start3A_103 : memref<32x128xf32, #tpu.memory_space<vmem>>) offsets(%dma_start3A_106 : memref<32xi32, #tpu.memory_space<vmem>>) semaphore(%dma_start3A_111 : memref<!tpu.dma_semaphore, #tpu.memory_space<semaphore_mem>>)
    %get3A_112 = arith.constant 64 : index
    %get3A_113 = tpu.vector_load %arg6[%get3A_112] {strides = array<i32>} : memref<10016xi32, #tpu.memory_space<vmem>>, vector<16xi32>,
    %get3A_114 = vector.shape_cast %get3A_113 : vector<16xi32> to vector<16xi32>
    %and3A_115 = arith.constant 16383 : i32
    %and3A_116 = vector.broadcast %and3A_115 : i32 to vector<16xi32>
    %and3A_117 = arith.andi %get3A_114, %and3A_116 : vector<16xi32>
    %swap3A_118 = arith.constant 2 : i32
    %swap3A_119 = arith.index_cast %swap3A_118 : i32 to index
    %swap3A_120 = arith.constant 0 : index
    %swap3A_121 = tpu.vector_load %arg7[%swap3A_119, %swap3A_120] {strides = array<i32>} : memref<8x32xi32, #tpu.memory_space<vmem>>, vector<1x16xi32>,
    %swap3A_122 = vector.shape_cast %swap3A_121 : vector<1x16xi32> to vector<16xi32>
    %swap3A_123 = vector.shape_cast %and3A_117 : vector<16xi32> to vector<1x16xi32>
    tpu.vector_store %arg7[%swap3A_119, %swap3A_120], %swap3A_123 {strides = array<i32>} : memref<8x32xi32, #tpu.memory_space<vmem>>, vector<1x16xi32>,
    %shift_right_arithmetic3A_124 = arith.constant 14 : i32
    %shift_right_arithmetic3A_125 = vector.broadcast %shift_right_arithmetic3A_124 : i32 to vector<16xi32>
    %shift_right_arithmetic3A_126 = arith.shrsi %get3A_114, %shift_right_arithmetic3A_125 : vector<16xi32>
    %swap3A_127 = arith.constant 2 : i32
    %swap3A_128 = arith.index_cast %swap3A_127 : i32 to index
    %swap3A_129 = arith.constant 0 : index
    %swap3A_130 = tpu.vector_load %arg8[%swap3A_128, %swap3A_129] {strides = array<i32>} : memref<8x32xi32, #tpu.memory_space<vmem>>, vector<1x16xi32>,
    %swap3A_131 = vector.shape_cast %swap3A_130 : vector<1x16xi32> to vector<16xi32>
    %swap3A_132 = vector.shape_cast %shift_right_arithmetic3A_126 : vector<16xi32> to vector<1x16xi32>
    tpu.vector_store %arg8[%swap3A_128, %swap3A_129], %swap3A_132 {strides = array<i32>} : memref<8x32xi32, #tpu.memory_space<vmem>>, vector<1x16xi32>,
    %get3A_133 = arith.constant 80 : index
    %get3A_134 = tpu.vector_load %arg6[%get3A_133] {strides = array<i32>} : memref<10016xi32, #tpu.memory_space<vmem>>, vector<16xi32>,
    %get3A_135 = vector.shape_cast %get3A_134 : vector<16xi32> to vector<16xi32>
    %and3A_136 = arith.constant 16383 : i32
    %and3A_137 = vector.broadcast %and3A_136 : i32 to vector<16xi32>
    %and3A_138 = arith.andi %get3A_135, %and3A_137 : vector<16xi32>
    %swap3A_139 = arith.constant 2 : i32
    %swap3A_140 = arith.index_cast %swap3A_139 : i32 to index
    %swap3A_141 = arith.constant 16 : index
    %swap3A_142 = tpu.vector_load %arg7[%swap3A_140, %swap3A_141] {strides = array<i32>} : memref<8x32xi32, #tpu.memory_space<vmem>>, vector<1x16xi32>,
    %swap3A_143 = vector.shape_cast %swap3A_142 : vector<1x16xi32> to vector<16xi32>
    %swap3A_144 = vector.shape_cast %and3A_138 : vector<16xi32> to vector<1x16xi32>
    tpu.vector_store %arg7[%swap3A_140, %swap3A_141], %swap3A_144 {strides = array<i32>} : memref<8x32xi32, #tpu.memory_space<vmem>>, vector<1x16xi32>,
    %shift_right_arithmetic3A_145 = arith.constant 14 : i32
    %shift_right_arithmetic3A_146 = vector.broadcast %shift_right_arithmetic3A_145 : i32 to vector<16xi32>
    %shift_right_arithmetic3A_147 = arith.shrsi %get3A_135, %shift_right_arithmetic3A_146 : vector<16xi32>
    %swap3A_148 = arith.constant 2 : i32
    %swap3A_149 = arith.index_cast %swap3A_148 : i32 to index
    %swap3A_150 = arith.constant 16 : index
    %swap3A_151 = tpu.vector_load %arg8[%swap3A_149, %swap3A_150] {strides = array<i32>} : memref<8x32xi32, #tpu.memory_space<vmem>>, vector<1x16xi32>,
    %swap3A_152 = vector.shape_cast %swap3A_151 : vector<1x16xi32> to vector<16xi32>
    %swap3A_153 = vector.shape_cast %shift_right_arithmetic3A_147 : vector<16xi32> to vector<1x16xi32>
    tpu.vector_store %arg8[%swap3A_149, %swap3A_150], %swap3A_153 {strides = array<i32>} : memref<8x32xi32, #tpu.memory_space<vmem>>, vector<1x16xi32>,
    %dma_start3A_154 = arith.constant 2 : i32
    %dma_start3A_155 = arith.constant 2 : i32
    %dma_start3A_156 = arith.constant 2 : i32
    %dma_start3A_157 = arith.constant 0 : i32
    %dma_start3A_158 = arith.constant 0 : i32
    %dma_start3A_159 = tpu.memref_slice %arg9[%dma_start3A_155, %dma_start3A_157, %dma_start3A_158] : memref<8x32x128xf32, #tpu.memory_space<vmem>> -> memref<1x32x128xf32, #tpu.memory_space<vmem>>
    %dma_start3A_160 = tpu.memref_squeeze %dma_start3A_159 : memref<1x32x128xf32, #tpu.memory_space<vmem>> -> memref<32x128xf32, #tpu.memory_space<vmem>>
    %dma_start3A_161 = arith.constant 0 : i32
    %dma_start3A_162 = tpu.memref_slice %arg7[%dma_start3A_154, %dma_start3A_161] : memref<8x32xi32, #tpu.memory_space<vmem>> -> memref<1x32xi32, #tpu.memory_space<vmem>>
    %dma_start3A_163 = tpu.memref_squeeze %dma_start3A_162 : memref<1x32xi32, #tpu.memory_space<vmem>> -> memref<32xi32, #tpu.memory_space<vmem>>
    %dma_start3A_164 = arith.constant 0 : i32
    %dma_start3A_165 = arith.constant 0 : i32
    %dma_start3A_166 = tpu.memref_slice %arg3[%dma_start3A_164, %dma_start3A_165] : memref<10240x128xf32, #tpu.memory_space<hbm>> -> memref<10240x128xf32, #tpu.memory_space<hbm>>
    %dma_start3A_167 = tpu.memref_slice %arg11[%dma_start3A_156] : memref<8x!tpu.dma_semaphore, #tpu.memory_space<semaphore_mem>> -> memref<1x!tpu.dma_semaphore, #tpu.memory_space<semaphore_mem>>
    %dma_start3A_168 = tpu.memref_squeeze %dma_start3A_167 : memref<1x!tpu.dma_semaphore, #tpu.memory_space<semaphore_mem>> -> memref<!tpu.dma_semaphore, #tpu.memory_space<semaphore_mem>>
    tpu.enqueue_indirect_dma source(%dma_start3A_166 : memref<10240x128xf32, #tpu.memory_space<hbm>>) target(%dma_start3A_160 : memref<32x128xf32, #tpu.memory_space<vmem>>) offsets(%dma_start3A_163 : memref<32xi32, #tpu.memory_space<vmem>>) semaphore(%dma_start3A_168 : memref<!tpu.dma_semaphore, #tpu.memory_space<semaphore_mem>>)
    %get3A_169 = arith.constant 96 : index
    %get3A_170 = tpu.vector_load %arg6[%get3A_169] {strides = array<i32>} : memref<10016xi32, #tpu.memory_space<vmem>>, vector<16xi32>,
    %get3A_171 = vector.shape_cast %get3A_170 : vector<16xi32> to vector<16xi32>
    %and3A_172 = arith.constant 16383 : i32
    %and3A_173 = vector.broadcast %and3A_172 : i32 to vector<16xi32>
    %and3A_174 = arith.andi %get3A_171, %and3A_173 : vector<16xi32>
    %swap3A_175 = arith.constant 3 : i32
    %swap3A_176 = arith.index_cast %swap3A_175 : i32 to index
    %swap3A_177 = arith.constant 0 : index
    %swap3A_178 = tpu.vector_load %arg7[%swap3A_176, %swap3A_177] {strides = array<i32>} : memref<8x32xi32, #tpu.memory_space<vmem>>, vector<1x16xi32>,
    %swap3A_179 = vector.shape_cast %swap3A_178 : vector<1x16xi32> to vector<16xi32>
    %swap3A_180 = vector.shape_cast %and3A_174 : vector<16xi32> to vector<1x16xi32>
    tpu.vector_store %arg7[%swap3A_176, %swap3A_177], %swap3A_180 {strides = array<i32>} : memref<8x32xi32, #tpu.memory_space<vmem>>, vector<1x16xi32>,
    %shift_right_arithmetic3A_181 = arith.constant 14 : i32
    %shift_right_arithmetic3A_182 = vector.broadcast %shift_right_arithmetic3A_181 : i32 to vector<16xi32>
    %shift_right_arithmetic3A_183 = arith.shrsi %get3A_171, %shift_right_arithmetic3A_182 : vector<16xi32>
    %swap3A_184 = arith.constant 3 : i32
    %swap3A_185 = arith.index_cast %swap3A_184 : i32 to index
    %swap3A_186 = arith.constant 0 : index
    %swap3A_187 = tpu.vector_load %arg8[%swap3A_185, %swap3A_186] {strides = array<i32>} : memref<8x32xi32, #tpu.memory_space<vmem>>, vector<1x16xi32>,
    %swap3A_188 = vector.shape_cast %swap3A_187 : vector<1x16xi32> to vector<16xi32>
    %swap3A_189 = vector.shape_cast %shift_right_arithmetic3A_183 : vector<16xi32> to vector<1x16xi32>
    tpu.vector_store %arg8[%swap3A_185, %swap3A_186], %swap3A_189 {strides = array<i32>} : memref<8x32xi32, #tpu.memory_space<vmem>>, vector<1x16xi32>,
    %get3A_190 = arith.constant 112 : index
    %get3A_191 = tpu.vector_load %arg6[%get3A_190] {strides = array<i32>} : memref<10016xi32, #tpu.memory_space<vmem>>, vector<16xi32>,
    %get3A_192 = vector.shape_cast %get3A_191 : vector<16xi32> to vector<16xi32>
    %and3A_193 = arith.constant 16383 : i32
    %and3A_194 = vector.broadcast %and3A_193 : i32 to vector<16xi32>
    %and3A_195 = arith.andi %get3A_192, %and3A_194 : vector<16xi32>
    %swap3A_196 = arith.constant 3 : i32
    %swap3A_197 = arith.index_cast %swap3A_196 : i32 to index
    %swap3A_198 = arith.constant 16 : index
    %swap3A_199 = tpu.vector_load %arg7[%swap3A_197, %swap3A_198] {strides = array<i32>} : memref<8x32xi32, #tpu.memory_space<vmem>>, vector<1x16xi32>,
    %swap3A_200 = vector.shape_cast %swap3A_199 : vector<1x16xi32> to vector<16xi32>
    %swap3A_201 = vector.shape_cast %and3A_195 : vector<16xi32> to vector<1x16xi32>
    tpu.vector_store %arg7[%swap3A_197, %swap3A_198], %swap3A_201 {strides = array<i32>} : memref<8x32xi32, #tpu.memory_space<vmem>>, vector<1x16xi32>,
    %shift_right_arithmetic3A_202 = arith.constant 14 : i32
    %shift_right_arithmetic3A_203 = vector.broadcast %shift_right_arithmetic3A_202 : i32 to vector<16xi32>
    %shift_right_arithmetic3A_204 = arith.shrsi %get3A_192, %shift_right_arithmetic3A_203 : vector<16xi32>
    %swap3A_205 = arith.constant 3 : i32
    %swap3A_206 = arith.index_cast %swap3A_205 : i32 to index
    %swap3A_207 = arith.constant 16 : index
    %swap3A_208 = tpu.vector_load %arg8[%swap3A_206, %swap3A_207] {strides = array<i32>} : memref<8x32xi32, #tpu.memory_space<vmem>>, vector<1x16xi32>,
    %swap3A_209 = vector.shape_cast %swap3A_208 : vector<1x16xi32> to vector<16xi32>
    %swap3A_210 = vector.shape_cast %shift_right_arithmetic3A_204 : vector<16xi32> to vector<1x16xi32>
    tpu.vector_store %arg8[%swap3A_206, %swap3A_207], %swap3A_210 {strides = array<i32>} : memref<8x32xi32, #tpu.memory_space<vmem>>, vector<1x16xi32>,
    %dma_start3A_211 = arith.constant 3 : i32
    %dma_start3A_212 = arith.constant 3 : i32
    %dma_start3A_213 = arith.constant 3 : i32
    %dma_start3A_214 = arith.constant 0 : i32
    %dma_start3A_215 = arith.constant 0 : i32
    %dma_start3A_216 = tpu.memref_slice %arg9[%dma_start3A_212, %dma_start3A_214, %dma_start3A_215] : memref<8x32x128xf32, #tpu.memory_space<vmem>> -> memref<1x32x128xf32, #tpu.memory_space<vmem>>
    %dma_start3A_217 = tpu.memref_squeeze %dma_start3A_216 : memref<1x32x128xf32, #tpu.memory_space<vmem>> -> memref<32x128xf32, #tpu.memory_space<vmem>>
    %dma_start3A_218 = arith.constant 0 : i32
    %dma_start3A_219 = tpu.memref_slice %arg7[%dma_start3A_211, %dma_start3A_218] : memref<8x32xi32, #tpu.memory_space<vmem>> -> memref<1x32xi32, #tpu.memory_space<vmem>>
    %dma_start3A_220 = tpu.memref_squeeze %dma_start3A_219 : memref<1x32xi32, #tpu.memory_space<vmem>> -> memref<32xi32, #tpu.memory_space<vmem>>
    %dma_start3A_221 = arith.constant 0 : i32
    %dma_start3A_222 = arith.constant 0 : i32
    %dma_start3A_223 = tpu.memref_slice %arg3[%dma_start3A_221, %dma_start3A_222] : memref<10240x128xf32, #tpu.memory_space<hbm>> -> memref<10240x128xf32, #tpu.memory_space<hbm>>
    %dma_start3A_224 = tpu.memref_slice %arg11[%dma_start3A_213] : memref<8x!tpu.dma_semaphore, #tpu.memory_space<semaphore_mem>> -> memref<1x!tpu.dma_semaphore, #tpu.memory_space<semaphore_mem>>
    %dma_start3A_225 = tpu.memref_squeeze %dma_start3A_224 : memref<1x!tpu.dma_semaphore, #tpu.memory_space<semaphore_mem>> -> memref<!tpu.dma_semaphore, #tpu.memory_space<semaphore_mem>>
    tpu.enqueue_indirect_dma source(%dma_start3A_223 : memref<10240x128xf32, #tpu.memory_space<hbm>>) target(%dma_start3A_217 : memref<32x128xf32, #tpu.memory_space<vmem>>) offsets(%dma_start3A_220 : memref<32xi32, #tpu.memory_space<vmem>>) semaphore(%dma_start3A_225 : memref<!tpu.dma_semaphore, #tpu.memory_space<semaphore_mem>>)
    %get3A_226 = arith.constant 128 : index
    %get3A_227 = tpu.vector_load %arg6[%get3A_226] {strides = array<i32>} : memref<10016xi32, #tpu.memory_space<vmem>>, vector<16xi32>,
    %get3A_228 = vector.shape_cast %get3A_227 : vector<16xi32> to vector<16xi32>
    %and3A_229 = arith.constant 16383 : i32
    %and3A_230 = vector.broadcast %and3A_229 : i32 to vector<16xi32>
    %and3A_231 = arith.andi %get3A_228, %and3A_230 : vector<16xi32>
    %swap3A_232 = arith.constant 4 : i32
    %swap3A_233 = arith.index_cast %swap3A_232 : i32 to index
    %swap3A_234 = arith.constant 0 : index
    %swap3A_235 = tpu.vector_load %arg7[%swap3A_233, %swap3A_234] {strides = array<i32>} : memref<8x32xi32, #tpu.memory_space<vmem>>, vector<1x16xi32>,
    %swap3A_236 = vector.shape_cast %swap3A_235 : vector<1x16xi32> to vector<16xi32>
    %swap3A_237 = vector.shape_cast %and3A_231 : vector<16xi32> to vector<1x16xi32>
    tpu.vector_store %arg7[%swap3A_233, %swap3A_234], %swap3A_237 {strides = array<i32>} : memref<8x32xi32, #tpu.memory_space<vmem>>, vector<1x16xi32>,
    %shift_right_arithmetic3A_238 = arith.constant 14 : i32
    %shift_right_arithmetic3A_239 = vector.broadcast %shift_right_arithmetic3A_238 : i32 to vector<16xi32>
    %shift_right_arithmetic3A_240 = arith.shrsi %get3A_228, %shift_right_arithmetic3A_239 : vector<16xi32>
    %swap3A_241 = arith.constant 4 : i32
    %swap3A_242 = arith.index_cast %swap3A_241 : i32 to index
    %swap3A_243 = arith.constant 0 : index
    %swap3A_244 = tpu.vector_load %arg8[%swap3A_242, %swap3A_243] {strides = array<i32>} : memref<8x32xi32, #tpu.memory_space<vmem>>, vector<1x16xi32>,
    %swap3A_245 = vector.shape_cast %swap3A_244 : vector<1x16xi32> to vector<16xi32>
    %swap3A_246 = vector.shape_cast %shift_right_arithmetic3A_240 : vector<16xi32> to vector<1x16xi32>
    tpu.vector_store %arg8[%swap3A_242, %swap3A_243], %swap3A_246 {strides = array<i32>} : memref<8x32xi32, #tpu.memory_space<vmem>>, vector<1x16xi32>,
    %get3A_247 = arith.constant 144 : index
    %get3A_248 = tpu.vector_load %arg6[%get3A_247] {strides = array<i32>} : memref<10016xi32, #tpu.memory_space<vmem>>, vector<16xi32>,
    %get3A_249 = vector.shape_cast %get3A_248 : vector<16xi32> to vector<16xi32>
    %and3A_250 = arith.constant 16383 : i32
    %and3A_251 = vector.broadcast %and3A_250 : i32 to vector<16xi32>
    %and3A_252 = arith.andi %get3A_249, %and3A_251 : vector<16xi32>
    %swap3A_253 = arith.constant 4 : i32
    %swap3A_254 = arith.index_cast %swap3A_253 : i32 to index
    %swap3A_255 = arith.constant 16 : index
    %swap3A_256 = tpu.vector_load %arg7[%swap3A_254, %swap3A_255] {strides = array<i32>} : memref<8x32xi32, #tpu.memory_space<vmem>>, vector<1x16xi32>,
    %swap3A_257 = vector.shape_cast %swap3A_256 : vector<1x16xi32> to vector<16xi32>
    %swap3A_258 = vector.shape_cast %and3A_252 : vector<16xi32> to vector<1x16xi32>
    tpu.vector_store %arg7[%swap3A_254, %swap3A_255], %swap3A_258 {strides = array<i32>} : memref<8x32xi32, #tpu.memory_space<vmem>>, vector<1x16xi32>,
    %shift_right_arithmetic3A_259 = arith.constant 14 : i32
    %shift_right_arithmetic3A_260 = vector.broadcast %shift_right_arithmetic3A_259 : i32 to vector<16xi32>
    %shift_right_arithmetic3A_261 = arith.shrsi %get3A_249, %shift_right_arithmetic3A_260 : vector<16xi32>
    %swap3A_262 = arith.constant 4 : i32
    %swap3A_263 = arith.index_cast %swap3A_262 : i32 to index
    %swap3A_264 = arith.constant 16 : index
    %swap3A_265 = tpu.vector_load %arg8[%swap3A_263, %swap3A_264] {strides = array<i32>} : memref<8x32xi32, #tpu.memory_space<vmem>>, vector<1x16xi32>,
    %swap3A_266 = vector.shape_cast %swap3A_265 : vector<1x16xi32> to vector<16xi32>
    %swap3A_267 = vector.shape_cast %shift_right_arithmetic3A_261 : vector<16xi32> to vector<1x16xi32>
    tpu.vector_store %arg8[%swap3A_263, %swap3A_264], %swap3A_267 {strides = array<i32>} : memref<8x32xi32, #tpu.memory_space<vmem>>, vector<1x16xi32>,
    %dma_start3A_268 = arith.constant 4 : i32
    %dma_start3A_269 = arith.constant 4 : i32
    %dma_start3A_270 = arith.constant 4 : i32
    %dma_start3A_271 = arith.constant 0 : i32
    %dma_start3A_272 = arith.constant 0 : i32
    %dma_start3A_273 = tpu.memref_slice %arg9[%dma_start3A_269, %dma_start3A_271, %dma_start3A_272] : memref<8x32x128xf32, #tpu.memory_space<vmem>> -> memref<1x32x128xf32, #tpu.memory_space<vmem>>
    %dma_start3A_274 = tpu.memref_squeeze %dma_start3A_273 : memref<1x32x128xf32, #tpu.memory_space<vmem>> -> memref<32x128xf32, #tpu.memory_space<vmem>>
    %dma_start3A_275 = arith.constant 0 : i32
    %dma_start3A_276 = tpu.memref_slice %arg7[%dma_start3A_268, %dma_start3A_275] : memref<8x32xi32, #tpu.memory_space<vmem>> -> memref<1x32xi32, #tpu.memory_space<vmem>>
    %dma_start3A_277 = tpu.memref_squeeze %dma_start3A_276 : memref<1x32xi32, #tpu.memory_space<vmem>> -> memref<32xi32, #tpu.memory_space<vmem>>
    %dma_start3A_278 = arith.constant 0 : i32
    %dma_start3A_279 = arith.constant 0 : i32
    %dma_start3A_280 = tpu.memref_slice %arg3[%dma_start3A_278, %dma_start3A_279] : memref<10240x128xf32, #tpu.memory_space<hbm>> -> memref<10240x128xf32, #tpu.memory_space<hbm>>
    %dma_start3A_281 = tpu.memref_slice %arg11[%dma_start3A_270] : memref<8x!tpu.dma_semaphore, #tpu.memory_space<semaphore_mem>> -> memref<1x!tpu.dma_semaphore, #tpu.memory_space<semaphore_mem>>
    %dma_start3A_282 = tpu.memref_squeeze %dma_start3A_281 : memref<1x!tpu.dma_semaphore, #tpu.memory_space<semaphore_mem>> -> memref<!tpu.dma_semaphore, #tpu.memory_space<semaphore_mem>>
    tpu.enqueue_indirect_dma source(%dma_start3A_280 : memref<10240x128xf32, #tpu.memory_space<hbm>>) target(%dma_start3A_274 : memref<32x128xf32, #tpu.memory_space<vmem>>) offsets(%dma_start3A_277 : memref<32xi32, #tpu.memory_space<vmem>>) semaphore(%dma_start3A_282 : memref<!tpu.dma_semaphore, #tpu.memory_space<semaphore_mem>>)
    %get3A_283 = arith.constant 160 : index
    %get3A_284 = tpu.vector_load %arg6[%get3A_283] {strides = array<i32>} : memref<10016xi32, #tpu.memory_space<vmem>>, vector<16xi32>,
    %get3A_285 = vector.shape_cast %get3A_284 : vector<16xi32> to vector<16xi32>
    %and3A_286 = arith.constant 16383 : i32
    %and3A_287 = vector.broadcast %and3A_286 : i32 to vector<16xi32>
    %and3A_288 = arith.andi %get3A_285, %and3A_287 : vector<16xi32>
    %swap3A_289 = arith.constant 5 : i32
    %swap3A_290 = arith.index_cast %swap3A_289 : i32 to index
    %swap3A_291 = arith.constant 0 : index
    %swap3A_292 = tpu.vector_load %arg7[%swap3A_290, %swap3A_291] {strides = array<i32>} : memref<8x32xi32, #tpu.memory_space<vmem>>, vector<1x16xi32>,
    %swap3A_293 = vector.shape_cast %swap3A_292 : vector<1x16xi32> to vector<16xi32>
    %swap3A_294 = vector.shape_cast %and3A_288 : vector<16xi32> to vector<1x16xi32>
    tpu.vector_store %arg7[%swap3A_290, %swap3A_291], %swap3A_294 {strides = array<i32>} : memref<8x32xi32, #tpu.memory_space<vmem>>, vector<1x16xi32>,
    %shift_right_arithmetic3A_295 = arith.constant 14 : i32
    %shift_right_arithmetic3A_296 = vector.broadcast %shift_right_arithmetic3A_295 : i32 to vector<16xi32>
    %shift_right_arithmetic3A_297 = arith.shrsi %get3A_285, %shift_right_arithmetic3A_296 : vector<16xi32>
    %swap3A_298 = arith.constant 5 : i32
    %swap3A_299 = arith.index_cast %swap3A_298 : i32 to index
    %swap3A_300 = arith.constant 0 : index
    %swap3A_301 = tpu.vector_load %arg8[%swap3A_299, %swap3A_300] {strides = array<i32>} : memref<8x32xi32, #tpu.memory_space<vmem>>, vector<1x16xi32>,
    %swap3A_302 = vector.shape_cast %swap3A_301 : vector<1x16xi32> to vector<16xi32>
    %swap3A_303 = vector.shape_cast %shift_right_arithmetic3A_297 : vector<16xi32> to vector<1x16xi32>
    tpu.vector_store %arg8[%swap3A_299, %swap3A_300], %swap3A_303 {strides = array<i32>} : memref<8x32xi32, #tpu.memory_space<vmem>>, vector<1x16xi32>,
    %get3A_304 = arith.constant 176 : index
    %get3A_305 = tpu.vector_load %arg6[%get3A_304] {strides = array<i32>} : memref<10016xi32, #tpu.memory_space<vmem>>, vector<16xi32>,
    %get3A_306 = vector.shape_cast %get3A_305 : vector<16xi32> to vector<16xi32>
    %and3A_307 = arith.constant 16383 : i32
    %and3A_308 = vector.broadcast %and3A_307 : i32 to vector<16xi32>
    %and3A_309 = arith.andi %get3A_306, %and3A_308 : vector<16xi32>
    %swap3A_310 = arith.constant 5 : i32
    %swap3A_311 = arith.index_cast %swap3A_310 : i32 to index
    %swap3A_312 = arith.constant 16 : index
    %swap3A_313 = tpu.vector_load %arg7[%swap3A_311, %swap3A_312] {strides = array<i32>} : memref<8x32xi32, #tpu.memory_space<vmem>>, vector<1x16xi32>,
    %swap3A_314 = vector.shape_cast %swap3A_313 : vector<1x16xi32> to vector<16xi32>
    %swap3A_315 = vector.shape_cast %and3A_309 : vector<16xi32> to vector<1x16xi32>
    tpu.vector_store %arg7[%swap3A_311, %swap3A_312], %swap3A_315 {strides = array<i32>} : memref<8x32xi32, #tpu.memory_space<vmem>>, vector<1x16xi32>,
    %shift_right_arithmetic3A_316 = arith.constant 14 : i32
    %shift_right_arithmetic3A_317 = vector.broadcast %shift_right_arithmetic3A_316 : i32 to vector<16xi32>
    %shift_right_arithmetic3A_318 = arith.shrsi %get3A_306, %shift_right_arithmetic3A_317 : vector<16xi32>
    %swap3A_319 = arith.constant 5 : i32
    %swap3A_320 = arith.index_cast %swap3A_319 : i32 to index
    %swap3A_321 = arith.constant 16 : index
    %swap3A_322 = tpu.vector_load %arg8[%swap3A_320, %swap3A_321] {strides = array<i32>} : memref<8x32xi32, #tpu.memory_space<vmem>>, vector<1x16xi32>,
    %swap3A_323 = vector.shape_cast %swap3A_322 : vector<1x16xi32> to vector<16xi32>
    %swap3A_324 = vector.shape_cast %shift_right_arithmetic3A_318 : vector<16xi32> to vector<1x16xi32>
    tpu.vector_store %arg8[%swap3A_320, %swap3A_321], %swap3A_324 {strides = array<i32>} : memref<8x32xi32, #tpu.memory_space<vmem>>, vector<1x16xi32>,
    %dma_start3A_325 = arith.constant 5 : i32
    %dma_start3A_326 = arith.constant 5 : i32
    %dma_start3A_327 = arith.constant 5 : i32
    %dma_start3A_328 = arith.constant 0 : i32
    %dma_start3A_329 = arith.constant 0 : i32
    %dma_start3A_330 = tpu.memref_slice %arg9[%dma_start3A_326, %dma_start3A_328, %dma_start3A_329] : memref<8x32x128xf32, #tpu.memory_space<vmem>> -> memref<1x32x128xf32, #tpu.memory_space<vmem>>
    %dma_start3A_331 = tpu.memref_squeeze %dma_start3A_330 : memref<1x32x128xf32, #tpu.memory_space<vmem>> -> memref<32x128xf32, #tpu.memory_space<vmem>>
    %dma_start3A_332 = arith.constant 0 : i32
    %dma_start3A_333 = tpu.memref_slice %arg7[%dma_start3A_325, %dma_start3A_332] : memref<8x32xi32, #tpu.memory_space<vmem>> -> memref<1x32xi32, #tpu.memory_space<vmem>>
    %dma_start3A_334 = tpu.memref_squeeze %dma_start3A_333 : memref<1x32xi32, #tpu.memory_space<vmem>> -> memref<32xi32, #tpu.memory_space<vmem>>
    %dma_start3A_335 = arith.constant 0 : i32
    %dma_start3A_336 = arith.constant 0 : i32
    %dma_start3A_337 = tpu.memref_slice %arg3[%dma_start3A_335, %dma_start3A_336] : memref<10240x128xf32, #tpu.memory_space<hbm>> -> memref<10240x128xf32, #tpu.memory_space<hbm>>
    %dma_start3A_338 = tpu.memref_slice %arg11[%dma_start3A_327] : memref<8x!tpu.dma_semaphore, #tpu.memory_space<semaphore_mem>> -> memref<1x!tpu.dma_semaphore, #tpu.memory_space<semaphore_mem>>
    %dma_start3A_339 = tpu.memref_squeeze %dma_start3A_338 : memref<1x!tpu.dma_semaphore, #tpu.memory_space<semaphore_mem>> -> memref<!tpu.dma_semaphore, #tpu.memory_space<semaphore_mem>>
    tpu.enqueue_indirect_dma source(%dma_start3A_337 : memref<10240x128xf32, #tpu.memory_space<hbm>>) target(%dma_start3A_331 : memref<32x128xf32, #tpu.memory_space<vmem>>) offsets(%dma_start3A_334 : memref<32xi32, #tpu.memory_space<vmem>>) semaphore(%dma_start3A_339 : memref<!tpu.dma_semaphore, #tpu.memory_space<semaphore_mem>>)
    %get3A_340 = arith.constant 192 : index
    %get3A_341 = tpu.vector_load %arg6[%get3A_340] {strides = array<i32>} : memref<10016xi32, #tpu.memory_space<vmem>>, vector<16xi32>,
    %get3A_342 = vector.shape_cast %get3A_341 : vector<16xi32> to vector<16xi32>
    %and3A_343 = arith.constant 16383 : i32
    %and3A_344 = vector.broadcast %and3A_343 : i32 to vector<16xi32>
    %and3A_345 = arith.andi %get3A_342, %and3A_344 : vector<16xi32>
    %swap3A_346 = arith.constant 6 : i32
    %swap3A_347 = arith.index_cast %swap3A_346 : i32 to index
    %swap3A_348 = arith.constant 0 : index
    %swap3A_349 = tpu.vector_load %arg7[%swap3A_347, %swap3A_348] {strides = array<i32>} : memref<8x32xi32, #tpu.memory_space<vmem>>, vector<1x16xi32>,
    %swap3A_350 = vector.shape_cast %swap3A_349 : vector<1x16xi32> to vector<16xi32>
    %swap3A_351 = vector.shape_cast %and3A_345 : vector<16xi32> to vector<1x16xi32>
    tpu.vector_store %arg7[%swap3A_347, %swap3A_348], %swap3A_351 {strides = array<i32>} : memref<8x32xi32, #tpu.memory_space<vmem>>, vector<1x16xi32>,
    %shift_right_arithmetic3A_352 = arith.constant 14 : i32
    %shift_right_arithmetic3A_353 = vector.broadcast %shift_right_arithmetic3A_352 : i32 to vector<16xi32>
    %shift_right_arithmetic3A_354 = arith.shrsi %get3A_342, %shift_right_arithmetic3A_353 : vector<16xi32>
    %swap3A_355 = arith.constant 6 : i32
    %swap3A_356 = arith.index_cast %swap3A_355 : i32 to index
    %swap3A_357 = arith.constant 0 : index
    %swap3A_358 = tpu.vector_load %arg8[%swap3A_356, %swap3A_357] {strides = array<i32>} : memref<8x32xi32, #tpu.memory_space<vmem>>, vector<1x16xi32>,
    %swap3A_359 = vector.shape_cast %swap3A_358 : vector<1x16xi32> to vector<16xi32>
    %swap3A_360 = vector.shape_cast %shift_right_arithmetic3A_354 : vector<16xi32> to vector<1x16xi32>
    tpu.vector_store %arg8[%swap3A_356, %swap3A_357], %swap3A_360 {strides = array<i32>} : memref<8x32xi32, #tpu.memory_space<vmem>>, vector<1x16xi32>,
    %get3A_361 = arith.constant 208 : index
    %get3A_362 = tpu.vector_load %arg6[%get3A_361] {strides = array<i32>} : memref<10016xi32, #tpu.memory_space<vmem>>, vector<16xi32>,
    %get3A_363 = vector.shape_cast %get3A_362 : vector<16xi32> to vector<16xi32>
    %and3A_364 = arith.constant 16383 : i32
    %and3A_365 = vector.broadcast %and3A_364 : i32 to vector<16xi32>
    %and3A_366 = arith.andi %get3A_363, %and3A_365 : vector<16xi32>
    %swap3A_367 = arith.constant 6 : i32
    %swap3A_368 = arith.index_cast %swap3A_367 : i32 to index
    %swap3A_369 = arith.constant 16 : index
    %swap3A_370 = tpu.vector_load %arg7[%swap3A_368, %swap3A_369] {strides = array<i32>} : memref<8x32xi32, #tpu.memory_space<vmem>>, vector<1x16xi32>,
    %swap3A_371 = vector.shape_cast %swap3A_370 : vector<1x16xi32> to vector<16xi32>
    %swap3A_372 = vector.shape_cast %and3A_366 : vector<16xi32> to vector<1x16xi32>
    tpu.vector_store %arg7[%swap3A_368, %swap3A_369], %swap3A_372 {strides = array<i32>} : memref<8x32xi32, #tpu.memory_space<vmem>>, vector<1x16xi32>,
    %shift_right_arithmetic3A_373 = arith.constant 14 : i32
    %shift_right_arithmetic3A_374 = vector.broadcast %shift_right_arithmetic3A_373 : i32 to vector<16xi32>
    %shift_right_arithmetic3A_375 = arith.shrsi %get3A_363, %shift_right_arithmetic3A_374 : vector<16xi32>
    %swap3A_376 = arith.constant 6 : i32
    %swap3A_377 = arith.index_cast %swap3A_376 : i32 to index
    %swap3A_378 = arith.constant 16 : index
    %swap3A_379 = tpu.vector_load %arg8[%swap3A_377, %swap3A_378] {strides = array<i32>} : memref<8x32xi32, #tpu.memory_space<vmem>>, vector<1x16xi32>,
    %swap3A_380 = vector.shape_cast %swap3A_379 : vector<1x16xi32> to vector<16xi32>
    %swap3A_381 = vector.shape_cast %shift_right_arithmetic3A_375 : vector<16xi32> to vector<1x16xi32>
    tpu.vector_store %arg8[%swap3A_377, %swap3A_378], %swap3A_381 {strides = array<i32>} : memref<8x32xi32, #tpu.memory_space<vmem>>, vector<1x16xi32>,
    %dma_start3A_382 = arith.constant 6 : i32
    %dma_start3A_383 = arith.constant 6 : i32
    %dma_start3A_384 = arith.constant 6 : i32
    %dma_start3A_385 = arith.constant 0 : i32
    %dma_start3A_386 = arith.constant 0 : i32
    %dma_start3A_387 = tpu.memref_slice %arg9[%dma_start3A_383, %dma_start3A_385, %dma_start3A_386] : memref<8x32x128xf32, #tpu.memory_space<vmem>> -> memref<1x32x128xf32, #tpu.memory_space<vmem>>
    %dma_start3A_388 = tpu.memref_squeeze %dma_start3A_387 : memref<1x32x128xf32, #tpu.memory_space<vmem>> -> memref<32x128xf32, #tpu.memory_space<vmem>>
    %dma_start3A_389 = arith.constant 0 : i32
    %dma_start3A_390 = tpu.memref_slice %arg7[%dma_start3A_382, %dma_start3A_389] : memref<8x32xi32, #tpu.memory_space<vmem>> -> memref<1x32xi32, #tpu.memory_space<vmem>>
    %dma_start3A_391 = tpu.memref_squeeze %dma_start3A_390 : memref<1x32xi32, #tpu.memory_space<vmem>> -> memref<32xi32, #tpu.memory_space<vmem>>
    %dma_start3A_392 = arith.constant 0 : i32
    %dma_start3A_393 = arith.constant 0 : i32
    %dma_start3A_394 = tpu.memref_slice %arg3[%dma_start3A_392, %dma_start3A_393] : memref<10240x128xf32, #tpu.memory_space<hbm>> -> memref<10240x128xf32, #tpu.memory_space<hbm>>
    %dma_start3A_395 = tpu.memref_slice %arg11[%dma_start3A_384] : memref<8x!tpu.dma_semaphore, #tpu.memory_space<semaphore_mem>> -> memref<1x!tpu.dma_semaphore, #tpu.memory_space<semaphore_mem>>
    %dma_start3A_396 = tpu.memref_squeeze %dma_start3A_395 : memref<1x!tpu.dma_semaphore, #tpu.memory_space<semaphore_mem>> -> memref<!tpu.dma_semaphore, #tpu.memory_space<semaphore_mem>>
    tpu.enqueue_indirect_dma source(%dma_start3A_394 : memref<10240x128xf32, #tpu.memory_space<hbm>>) target(%dma_start3A_388 : memref<32x128xf32, #tpu.memory_space<vmem>>) offsets(%dma_start3A_391 : memref<32xi32, #tpu.memory_space<vmem>>) semaphore(%dma_start3A_396 : memref<!tpu.dma_semaphore, #tpu.memory_space<semaphore_mem>>)
    %get3A_397 = arith.constant 224 : index
    %get3A_398 = tpu.vector_load %arg6[%get3A_397] {strides = array<i32>} : memref<10016xi32, #tpu.memory_space<vmem>>, vector<16xi32>,
    %get3A_399 = vector.shape_cast %get3A_398 : vector<16xi32> to vector<16xi32>
    %and3A_400 = arith.constant 16383 : i32
    %and3A_401 = vector.broadcast %and3A_400 : i32 to vector<16xi32>
    %and3A_402 = arith.andi %get3A_399, %and3A_401 : vector<16xi32>
    %swap3A_403 = arith.constant 7 : i32
    %swap3A_404 = arith.index_cast %swap3A_403 : i32 to index
    %swap3A_405 = arith.constant 0 : index
    %swap3A_406 = tpu.vector_load %arg7[%swap3A_404, %swap3A_405] {strides = array<i32>} : memref<8x32xi32, #tpu.memory_space<vmem>>, vector<1x16xi32>,
    %swap3A_407 = vector.shape_cast %swap3A_406 : vector<1x16xi32> to vector<16xi32>
    %swap3A_408 = vector.shape_cast %and3A_402 : vector<16xi32> to vector<1x16xi32>
    tpu.vector_store %arg7[%swap3A_404, %swap3A_405], %swap3A_408 {strides = array<i32>} : memref<8x32xi32, #tpu.memory_space<vmem>>, vector<1x16xi32>,
    %shift_right_arithmetic3A_409 = arith.constant 14 : i32
    %shift_right_arithmetic3A_410 = vector.broadcast %shift_right_arithmetic3A_409 : i32 to vector<16xi32>
    %shift_right_arithmetic3A_411 = arith.shrsi %get3A_399, %shift_right_arithmetic3A_410 : vector<16xi32>
    %swap3A_412 = arith.constant 7 : i32
    %swap3A_413 = arith.index_cast %swap3A_412 : i32 to index
    %swap3A_414 = arith.constant 0 : index
    %swap3A_415 = tpu.vector_load %arg8[%swap3A_413, %swap3A_414] {strides = array<i32>} : memref<8x32xi32, #tpu.memory_space<vmem>>, vector<1x16xi32>,
    %swap3A_416 = vector.shape_cast %swap3A_415 : vector<1x16xi32> to vector<16xi32>
    %swap3A_417 = vector.shape_cast %shift_right_arithmetic3A_411 : vector<16xi32> to vector<1x16xi32>
    tpu.vector_store %arg8[%swap3A_413, %swap3A_414], %swap3A_417 {strides = array<i32>} : memref<8x32xi32, #tpu.memory_space<vmem>>, vector<1x16xi32>,
    %get3A_418 = arith.constant 240 : index
    %get3A_419 = tpu.vector_load %arg6[%get3A_418] {strides = array<i32>} : memref<10016xi32, #tpu.memory_space<vmem>>, vector<16xi32>,
    %get3A_420 = vector.shape_cast %get3A_419 : vector<16xi32> to vector<16xi32>
    %and3A_421 = arith.constant 16383 : i32
    %and3A_422 = vector.broadcast %and3A_421 : i32 to vector<16xi32>
    %and3A_423 = arith.andi %get3A_420, %and3A_422 : vector<16xi32>
    %swap3A_424 = arith.constant 7 : i32
    %swap3A_425 = arith.index_cast %swap3A_424 : i32 to index
    %swap3A_426 = arith.constant 16 : index
    %swap3A_427 = tpu.vector_load %arg7[%swap3A_425, %swap3A_426] {strides = array<i32>} : memref<8x32xi32, #tpu.memory_space<vmem>>, vector<1x16xi32>,
    %swap3A_428 = vector.shape_cast %swap3A_427 : vector<1x16xi32> to vector<16xi32>
    %swap3A_429 = vector.shape_cast %and3A_423 : vector<16xi32> to vector<1x16xi32>
    tpu.vector_store %arg7[%swap3A_425, %swap3A_426], %swap3A_429 {strides = array<i32>} : memref<8x32xi32, #tpu.memory_space<vmem>>, vector<1x16xi32>,
    %shift_right_arithmetic3A_430 = arith.constant 14 : i32
    %shift_right_arithmetic3A_431 = vector.broadcast %shift_right_arithmetic3A_430 : i32 to vector<16xi32>
    %shift_right_arithmetic3A_432 = arith.shrsi %get3A_420, %shift_right_arithmetic3A_431 : vector<16xi32>
    %swap3A_433 = arith.constant 7 : i32
    %swap3A_434 = arith.index_cast %swap3A_433 : i32 to index
    %swap3A_435 = arith.constant 16 : index
    %swap3A_436 = tpu.vector_load %arg8[%swap3A_434, %swap3A_435] {strides = array<i32>} : memref<8x32xi32, #tpu.memory_space<vmem>>, vector<1x16xi32>,
    %swap3A_437 = vector.shape_cast %swap3A_436 : vector<1x16xi32> to vector<16xi32>
    %swap3A_438 = vector.shape_cast %shift_right_arithmetic3A_432 : vector<16xi32> to vector<1x16xi32>
    tpu.vector_store %arg8[%swap3A_434, %swap3A_435], %swap3A_438 {strides = array<i32>} : memref<8x32xi32, #tpu.memory_space<vmem>>, vector<1x16xi32>,
    %dma_start3A_439 = arith.constant 7 : i32
    %dma_start3A_440 = arith.constant 7 : i32
    %dma_start3A_441 = arith.constant 7 : i32
    %dma_start3A_442 = arith.constant 0 : i32
    %dma_start3A_443 = arith.constant 0 : i32
    %dma_start3A_444 = tpu.memref_slice %arg9[%dma_start3A_440, %dma_start3A_442, %dma_start3A_443] : memref<8x32x128xf32, #tpu.memory_space<vmem>> -> memref<1x32x128xf32, #tpu.memory_space<vmem>>
    %dma_start3A_445 = tpu.memref_squeeze %dma_start3A_444 : memref<1x32x128xf32, #tpu.memory_space<vmem>> -> memref<32x128xf32, #tpu.memory_space<vmem>>
    %dma_start3A_446 = arith.constant 0 : i32
    %dma_start3A_447 = tpu.memref_slice %arg7[%dma_start3A_439, %dma_start3A_446] : memref<8x32xi32, #tpu.memory_space<vmem>> -> memref<1x32xi32, #tpu.memory_space<vmem>>
    %dma_start3A_448 = tpu.memref_squeeze %dma_start3A_447 : memref<1x32xi32, #tpu.memory_space<vmem>> -> memref<32xi32, #tpu.memory_space<vmem>>
    %dma_start3A_449 = arith.constant 0 : i32
    %dma_start3A_450 = arith.constant 0 : i32
    %dma_start3A_451 = tpu.memref_slice %arg3[%dma_start3A_449, %dma_start3A_450] : memref<10240x128xf32, #tpu.memory_space<hbm>> -> memref<10240x128xf32, #tpu.memory_space<hbm>>
    %dma_start3A_452 = tpu.memref_slice %arg11[%dma_start3A_441] : memref<8x!tpu.dma_semaphore, #tpu.memory_space<semaphore_mem>> -> memref<1x!tpu.dma_semaphore, #tpu.memory_space<semaphore_mem>>
    %dma_start3A_453 = tpu.memref_squeeze %dma_start3A_452 : memref<1x!tpu.dma_semaphore, #tpu.memory_space<semaphore_mem>> -> memref<!tpu.dma_semaphore, #tpu.memory_space<semaphore_mem>>
    tpu.enqueue_indirect_dma source(%dma_start3A_451 : memref<10240x128xf32, #tpu.memory_space<hbm>>) target(%dma_start3A_445 : memref<32x128xf32, #tpu.memory_space<vmem>>) offsets(%dma_start3A_448 : memref<32xi32, #tpu.memory_space<vmem>>) semaphore(%dma_start3A_453 : memref<!tpu.dma_semaphore, #tpu.memory_space<semaphore_mem>>)
    %scan3A = arith.constant 0 : i32
    %scan3A_454 = arith.constant 0 : i32
    %scan3A_455 = arith.constant 313 : i32
    %scan3A_456 = arith.addi %scan3A_454, %scan3A_455 : i32
    %scan3A_457 = arith.constant 1 : i32
    scf.for %scan3A_464 = %scan3A_454 to %scan3A_456 step %scan3A_457  : i32 {
      %rem3A = arith.constant 8 : i32
      %rem3A_465 = arith.remsi %scan3A_464, %rem3A : i32
      %dma_wait3A = arith.constant 0 : i32
      %dma_wait3A_466 = arith.constant 0 : i32
      %dma_wait3A_467 = tpu.memref_slice %arg9[%rem3A_465, %dma_wait3A, %dma_wait3A_466] : memref<8x32x128xf32, #tpu.memory_space<vmem>> -> memref<1x32x128xf32, #tpu.memory_space<vmem>>
      %dma_wait3A_468 = tpu.memref_squeeze %dma_wait3A_467 : memref<1x32x128xf32, #tpu.memory_space<vmem>> -> memref<32x128xf32, #tpu.memory_space<vmem>>
      %dma_wait3A_469 = arith.constant 0 : i32
      %dma_wait3A_470 = tpu.memref_slice %arg7[%rem3A_465, %dma_wait3A_469] : memref<8x32xi32, #tpu.memory_space<vmem>> -> memref<1x32xi32, #tpu.memory_space<vmem>>
      %dma_wait3A_471 = tpu.memref_squeeze %dma_wait3A_470 : memref<1x32xi32, #tpu.memory_space<vmem>> -> memref<32xi32, #tpu.memory_space<vmem>>
      %dma_wait3A_472 = arith.constant 0 : i32
      %dma_wait3A_473 = arith.constant 0 : i32
      %dma_wait3A_474 = tpu.memref_slice %arg3[%dma_wait3A_472, %dma_wait3A_473] : memref<10240x128xf32, #tpu.memory_space<hbm>> -> memref<10240x128xf32, #tpu.memory_space<hbm>>
      %dma_wait3A_475 = tpu.memref_slice %arg11[%rem3A_465] : memref<8x!tpu.dma_semaphore, #tpu.memory_space<semaphore_mem>> -> memref<1x!tpu.dma_semaphore, #tpu.memory_space<semaphore_mem>>
      %dma_wait3A_476 = tpu.memref_squeeze %dma_wait3A_475 : memref<1x!tpu.dma_semaphore, #tpu.memory_space<semaphore_mem>> -> memref<!tpu.dma_semaphore, #tpu.memory_space<semaphore_mem>>
      tpu.wait_indirect_dma semaphore(%dma_wait3A_476 : memref<!tpu.dma_semaphore, #tpu.memory_space<semaphore_mem>>) src(%dma_wait3A_474 : memref<10240x128xf32, #tpu.memory_space<hbm>>) dst(%dma_wait3A_468 : memref<32x128xf32, #tpu.memory_space<vmem>>)
      "tpu.region"() ({
        %run_scoped3A = tpu.sem_alloc : memref<!tpu.dma_semaphore, #tpu.memory_space<semaphore_mem>>
        %dma_start3A_481 = arith.constant 0 : i32
        %dma_start3A_482 = arith.constant 0 : i32
        %dma_start3A_483 = tpu.memref_slice %arg9[%rem3A_465, %dma_start3A_481, %dma_start3A_482] : memref<8x32x128xf32, #tpu.memory_space<vmem>> -> memref<1x32x128xf32, #tpu.memory_space<vmem>>
        %dma_start3A_484 = tpu.memref_squeeze %dma_start3A_483 : memref<1x32x128xf32, #tpu.memory_space<vmem>> -> memref<32x128xf32, #tpu.memory_space<vmem>>
        %dma_start3A_485 = arith.constant 0 : i32
        %dma_start3A_486 = tpu.memref_slice %arg8[%rem3A_465, %dma_start3A_485] : memref<8x32xi32, #tpu.memory_space<vmem>> -> memref<1x32xi32, #tpu.memory_space<vmem>>
        %dma_start3A_487 = tpu.memref_squeeze %dma_start3A_486 : memref<1x32xi32, #tpu.memory_space<vmem>> -> memref<32xi32, #tpu.memory_space<vmem>>
        %dma_start3A_488 = arith.constant 0 : i32
        %dma_start3A_489 = arith.constant 0 : i32
        %dma_start3A_490 = tpu.memref_slice %arg10[%dma_start3A_488, %dma_start3A_489] : memref<10240x128xf32, #tpu.memory_space<vmem_shared>> -> memref<10240x128xf32, #tpu.memory_space<vmem_shared>>
        tpu.enqueue_indirect_dma source(%dma_start3A_484 : memref<32x128xf32, #tpu.memory_space<vmem>>) target(%dma_start3A_490 : memref<10240x128xf32, #tpu.memory_space<vmem_shared>>) offsets(%dma_start3A_487 : memref<32xi32, #tpu.memory_space<vmem>>) semaphore(%run_scoped3A : memref<!tpu.dma_semaphore, #tpu.memory_space<semaphore_mem>>) {add = true}
        %dma_wait3A_491 = arith.constant 0 : i32
        %dma_wait3A_492 = arith.constant 0 : i32
        %dma_wait3A_493 = tpu.memref_slice %arg9[%rem3A_465, %dma_wait3A_491, %dma_wait3A_492] : memref<8x32x128xf32, #tpu.memory_space<vmem>> -> memref<1x32x128xf32, #tpu.memory_space<vmem>>
        %dma_wait3A_494 = tpu.memref_squeeze %dma_wait3A_493 : memref<1x32x128xf32, #tpu.memory_space<vmem>> -> memref<32x128xf32, #tpu.memory_space<vmem>>
        %dma_wait3A_495 = arith.constant 0 : i32
        %dma_wait3A_496 = tpu.memref_slice %arg8[%rem3A_465, %dma_wait3A_495] : memref<8x32xi32, #tpu.memory_space<vmem>> -> memref<1x32xi32, #tpu.memory_space<vmem>>
        %dma_wait3A_497 = tpu.memref_squeeze %dma_wait3A_496 : memref<1x32xi32, #tpu.memory_space<vmem>> -> memref<32xi32, #tpu.memory_space<vmem>>
        %dma_wait3A_498 = arith.constant 0 : i32
        %dma_wait3A_499 = arith.constant 0 : i32
        %dma_wait3A_500 = tpu.memref_slice %arg10[%dma_wait3A_498, %dma_wait3A_499] : memref<10240x128xf32, #tpu.memory_space<vmem_shared>> -> memref<10240x128xf32, #tpu.memory_space<vmem_shared>>
        tpu.wait_indirect_dma semaphore(%run_scoped3A : memref<!tpu.dma_semaphore, #tpu.memory_space<semaphore_mem>>) src(%dma_wait3A_494 : memref<32x128xf32, #tpu.memory_space<vmem>>) dst(%dma_wait3A_500 : memref<10240x128xf32, #tpu.memory_space<vmem_shared>>)
        tpu.yield
      }) : () -> ()
      %add3A_477 = arith.constant 8 : i32
      %add3A_478 = arith.addi %scan3A_464, %add3A_477 : i32
      %lt3A = arith.constant 313 : i32
      %lt3A_479 = arith.cmpi slt, %add3A_478, %lt3A : i32
      %convert_element_type3A = arith.extui %lt3A_479 : i1 to i32
      %cond3A = arith.constant 0 : i32
      %cond3A_480 = arith.cmpi ne, %convert_element_type3A, %cond3A : i32
      scf.if %cond3A_480 {
        %add3A_481 = arith.constant 8 : i32
        %add3A_482 = arith.addi %scan3A_464, %add3A_481 : i32
        %mul3A_483 = arith.constant 32 : i32
        %mul3A_484 = arith.muli %add3A_482, %mul3A_483 : i32
        %add3A_485 = arith.constant 0 : i32
        %add3A_486 = arith.addi %mul3A_484, %add3A_485 : i32
        %get3A_487 = arith.index_cast %add3A_486 : i32 to index
        %get3A_488 = tpu.vector_load %arg6[%get3A_487] {strides = array<i32>} : memref<10016xi32, #tpu.memory_space<vmem>>, vector<16xi32>,
        %get3A_489 = vector.shape_cast %get3A_488 : vector<16xi32> to vector<16xi32>
        %and3A_490 = arith.constant 16383 : i32
        %and3A_491 = vector.broadcast %and3A_490 : i32 to vector<16xi32>
        %and3A_492 = arith.andi %get3A_489, %and3A_491 : vector<16xi32>
        %swap3A_493 = arith.index_cast %rem3A_465 : i32 to index
        %swap3A_494 = arith.constant 0 : index
        %swap3A_495 = tpu.vector_load %arg7[%swap3A_493, %swap3A_494] {strides = array<i32>} : memref<8x32xi32, #tpu.memory_space<vmem>>, vector<1x16xi32>,
        %swap3A_496 = vector.shape_cast %swap3A_495 : vector<1x16xi32> to vector<16xi32>
        %swap3A_497 = vector.shape_cast %and3A_492 : vector<16xi32> to vector<1x16xi32>
        tpu.vector_store %arg7[%swap3A_493, %swap3A_494], %swap3A_497 {strides = array<i32>} : memref<8x32xi32, #tpu.memory_space<vmem>>, vector<1x16xi32>,
        %shift_right_arithmetic3A_498 = arith.constant 14 : i32
        %shift_right_arithmetic3A_499 = vector.broadcast %shift_right_arithmetic3A_498 : i32 to vector<16xi32>
        %shift_right_arithmetic3A_500 = arith.shrsi %get3A_489, %shift_right_arithmetic3A_499 : vector<16xi32>
        %swap3A_501 = arith.index_cast %rem3A_465 : i32 to index
        %swap3A_502 = arith.constant 0 : index
        %swap3A_503 = tpu.vector_load %arg8[%swap3A_501, %swap3A_502] {strides = array<i32>} : memref<8x32xi32, #tpu.memory_space<vmem>>, vector<1x16xi32>,
        %swap3A_504 = vector.shape_cast %swap3A_503 : vector<1x16xi32> to vector<16xi32>
        %swap3A_505 = vector.shape_cast %shift_right_arithmetic3A_500 : vector<16xi32> to vector<1x16xi32>
        tpu.vector_store %arg8[%swap3A_501, %swap3A_502], %swap3A_505 {strides = array<i32>} : memref<8x32xi32, #tpu.memory_space<vmem>>, vector<1x16xi32>,
        %mul3A_506 = arith.constant 32 : i32
        %mul3A_507 = arith.muli %add3A_482, %mul3A_506 : i32
        %add3A_508 = arith.constant 16 : i32
        %add3A_509 = arith.addi %mul3A_507, %add3A_508 : i32
        %get3A_510 = arith.index_cast %add3A_509 : i32 to index
        %get3A_511 = tpu.vector_load %arg6[%get3A_510] {strides = array<i32>} : memref<10016xi32, #tpu.memory_space<vmem>>, vector<16xi32>,
        %get3A_512 = vector.shape_cast %get3A_511 : vector<16xi32> to vector<16xi32>
        %and3A_513 = arith.constant 16383 : i32
        %and3A_514 = vector.broadcast %and3A_513 : i32 to vector<16xi32>
        %and3A_515 = arith.andi %get3A_512, %and3A_514 : vector<16xi32>
        %swap3A_516 = arith.index_cast %rem3A_465 : i32 to index
        %swap3A_517 = arith.constant 16 : index
        %swap3A_518 = tpu.vector_load %arg7[%swap3A_516, %swap3A_517] {strides = array<i32>} : memref<8x32xi32, #tpu.memory_space<vmem>>, vector<1x16xi32>,
        %swap3A_519 = vector.shape_cast %swap3A_518 : vector<1x16xi32> to vector<16xi32>
        %swap3A_520 = vector.shape_cast %and3A_515 : vector<16xi32> to vector<1x16xi32>
        tpu.vector_store %arg7[%swap3A_516, %swap3A_517], %swap3A_520 {strides = array<i32>} : memref<8x32xi32, #tpu.memory_space<vmem>>, vector<1x16xi32>,
        %shift_right_arithmetic3A_521 = arith.constant 14 : i32
        %shift_right_arithmetic3A_522 = vector.broadcast %shift_right_arithmetic3A_521 : i32 to vector<16xi32>
        %shift_right_arithmetic3A_523 = arith.shrsi %get3A_512, %shift_right_arithmetic3A_522 : vector<16xi32>
        %swap3A_524 = arith.index_cast %rem3A_465 : i32 to index
        %swap3A_525 = arith.constant 16 : index
        %swap3A_526 = tpu.vector_load %arg8[%swap3A_524, %swap3A_525] {strides = array<i32>} : memref<8x32xi32, #tpu.memory_space<vmem>>, vector<1x16xi32>,
        %swap3A_527 = vector.shape_cast %swap3A_526 : vector<1x16xi32> to vector<16xi32>
        %swap3A_528 = vector.shape_cast %shift_right_arithmetic3A_523 : vector<16xi32> to vector<1x16xi32>
        tpu.vector_store %arg8[%swap3A_524, %swap3A_525], %swap3A_528 {strides = array<i32>} : memref<8x32xi32, #tpu.memory_space<vmem>>, vector<1x16xi32>,
        %dma_start3A_529 = arith.constant 0 : i32
        %dma_start3A_530 = arith.constant 0 : i32
        %dma_start3A_531 = tpu.memref_slice %arg9[%rem3A_465, %dma_start3A_529, %dma_start3A_530] : memref<8x32x128xf32, #tpu.memory_space<vmem>> -> memref<1x32x128xf32, #tpu.memory_space<vmem>>
        %dma_start3A_532 = tpu.memref_squeeze %dma_start3A_531 : memref<1x32x128xf32, #tpu.memory_space<vmem>> -> memref<32x128xf32, #tpu.memory_space<vmem>>
        %dma_start3A_533 = arith.constant 0 : i32
        %dma_start3A_534 = tpu.memref_slice %arg7[%rem3A_465, %dma_start3A_533] : memref<8x32xi32, #tpu.memory_space<vmem>> -> memref<1x32xi32, #tpu.memory_space<vmem>>
        %dma_start3A_535 = tpu.memref_squeeze %dma_start3A_534 : memref<1x32xi32, #tpu.memory_space<vmem>> -> memref<32xi32, #tpu.memory_space<vmem>>
        %dma_start3A_536 = arith.constant 0 : i32
        %dma_start3A_537 = arith.constant 0 : i32
        %dma_start3A_538 = tpu.memref_slice %arg3[%dma_start3A_536, %dma_start3A_537] : memref<10240x128xf32, #tpu.memory_space<hbm>> -> memref<10240x128xf32, #tpu.memory_space<hbm>>
        %dma_start3A_539 = tpu.memref_slice %arg11[%rem3A_465] : memref<8x!tpu.dma_semaphore, #tpu.memory_space<semaphore_mem>> -> memref<1x!tpu.dma_semaphore, #tpu.memory_space<semaphore_mem>>
        %dma_start3A_540 = tpu.memref_squeeze %dma_start3A_539 : memref<1x!tpu.dma_semaphore, #tpu.memory_space<semaphore_mem>> -> memref<!tpu.dma_semaphore, #tpu.memory_space<semaphore_mem>>
        tpu.enqueue_indirect_dma source(%dma_start3A_538 : memref<10240x128xf32, #tpu.memory_space<hbm>>) target(%dma_start3A_532 : memref<32x128xf32, #tpu.memory_space<vmem>>) offsets(%dma_start3A_535 : memref<32xi32, #tpu.memory_space<vmem>>) semaphore(%dma_start3A_540 : memref<!tpu.dma_semaphore, #tpu.memory_space<semaphore_mem>>)
      } else {
      }
    }
    %scan3A_458 = arith.constant 313 : i32
    %barrier3A_459 = arith.constant 0 : index
    tpu.barrier barrier_id(%barrier3A_459)
    %mul3A_460 = arith.constant 640 : i32
    %mul3A_461 = arith.muli %arg1, %mul3A_460 : i32
    %mul3A_462 = arith.constant 640 : i32
    %mul3A_463 = arith.muli %arg1, %mul3A_462 : i32
    "tpu.region"() ({
      %run_scoped3A = tpu.sem_alloc : memref<!tpu.dma_semaphore, #tpu.memory_space<semaphore_mem>>
      %dma_start3A_464 = arith.constant 0 : i32
      %dma_start3A_465 = tpu.memref_slice %arg5[%arg0, %mul3A_463, %dma_start3A_464] : memref<2x10240x128xf32, #tpu.memory_space<hbm>> -> memref<1x640x128xf32, #tpu.memory_space<hbm>>
      %dma_start3A_466 = tpu.memref_squeeze %dma_start3A_465 : memref<1x640x128xf32, #tpu.memory_space<hbm>> -> memref<640x128xf32, #tpu.memory_space<hbm>>
      %dma_start3A_467 = arith.constant 0 : i32
      %dma_start3A_468 = tpu.memref_slice %arg10[%mul3A_461, %dma_start3A_467] : memref<10240x128xf32, #tpu.memory_space<vmem_shared>> -> memref<640x128xf32, #tpu.memory_space<vmem_shared>>
      tpu.enqueue_dma source(%dma_start3A_468 : memref<640x128xf32, #tpu.memory_space<vmem_shared>>) target(%dma_start3A_466 : memref<640x128xf32, #tpu.memory_space<hbm>>) target_semaphore(%run_scoped3A : memref<!tpu.dma_semaphore, #tpu.memory_space<semaphore_mem>>)
      %dma_wait3A = arith.constant 0 : i32
      %dma_wait3A_469 = tpu.memref_slice %arg5[%arg0, %mul3A_463, %dma_wait3A] : memref<2x10240x128xf32, #tpu.memory_space<hbm>> -> memref<1x640x128xf32, #tpu.memory_space<hbm>>
      %dma_wait3A_470 = tpu.memref_squeeze %dma_wait3A_469 : memref<1x640x128xf32, #tpu.memory_space<hbm>> -> memref<640x128xf32, #tpu.memory_space<hbm>>
      %dma_wait3A_471 = arith.constant 0 : i32
      %dma_wait3A_472 = tpu.memref_slice %arg10[%mul3A_461, %dma_wait3A_471] : memref<10240x128xf32, #tpu.memory_space<vmem_shared>> -> memref<640x128xf32, #tpu.memory_space<vmem_shared>>
      tpu.wait_dma2 semaphore(%run_scoped3A : memref<!tpu.dma_semaphore, #tpu.memory_space<semaphore_mem>>) src(%dma_wait3A_472 : memref<640x128xf32, #tpu.memory_space<vmem_shared>>) dst(%dma_wait3A_470 : memref<640x128xf32, #tpu.memory_space<hbm>>)
      tpu.yield
    }) : () -> ()
    return
  }
}

module attributes {stable_mosaic.version = 14 : i64} {
  func.func @_tcmm_body(%arg0: i32, %arg1: memref<1024x128xf32, #tpu.memory_space<vmem>>, %arg2: memref<128x128xf32, #tpu.memory_space<vmem>>, %arg3: memref<1024x128xf32, #tpu.memory_space<vmem>>) attributes {dimension_semantics = [#tpu.dimension_semantics<arbitrary>], iteration_bounds = array<i64: 10>, scalar_prefetch = 0 : i64, scratch_operands = 0 : i64, tpu.core_type = #tpu.core_type<tc>, window_params = [{transform_indices = @transform_0, window_bounds = array<i64: 1024, 128>}, {pipeline_mode = #tpu.pipeline_mode<synchronous>, transform_indices = @transform_1, window_bounds = array<i64: 128, 128>}, {transform_indices = @transform_2, window_bounds = array<i64: 1024, 128>}]} {
    %get3A = arith.constant 0 : index
    %get3A_0 = arith.constant 0 : index
    %get3A_1 = vector.load %arg1[%get3A, %get3A_0] : memref<1024x128xf32, #tpu.memory_space<vmem>>, vector<1024x128xf32>
    %get3A_2 = arith.constant 0 : index
    %get3A_3 = arith.constant 0 : index
    %get3A_4 = vector.load %arg2[%get3A_2, %get3A_3] : memref<128x128xf32, #tpu.memory_space<vmem>>, vector<128x128xf32>
    %dot_general3A = arith.constant dense<0.000000e+00> : vector<1024x128xf32>
    %dot_general3A_5 = tpu.matmul %get3A_1, %get3A_4, %dot_general3A {dimension_numbers = #tpu.dot_dimension_numbers<[1], [0], [0], [1], [0, 0, 1, 1], [], []>, transpose_lhs_hint = false} : vector<1024x128xf32>, vector<128x128xf32>, vector<1024x128xf32> -> vector<1024x128xf32>
    %swap3A = arith.constant 0 : index
    %swap3A_6 = arith.constant 0 : index
    %swap3A_7 = vector.load %arg3[%swap3A, %swap3A_6] : memref<1024x128xf32, #tpu.memory_space<vmem>>, vector<1024x128xf32>
    tpu.vector_store %arg3[%swap3A, %swap3A_6], %dot_general3A_5 {strides = array<i32>} : memref<1024x128xf32, #tpu.memory_space<vmem>>, vector<1024x128xf32>,
    return
  }
  func.func @transform_0(%arg0: i32) -> (i32, i32) {
    %c0_i32 = arith.constant 0 : i32
    %c0_i32_0 = arith.constant 0 : i32
    return %arg0, %c0_i32 : i32, i32
  }
  func.func @transform_1(%arg0: i32) -> (i32, i32) {
    %c0_i32 = arith.constant 0 : i32
    %c0_i32_0 = arith.constant 0 : i32
    %c0_i32_1 = arith.constant 0 : i32
    return %c0_i32, %c0_i32_0 : i32, i32
  }
  func.func @transform_2(%arg0: i32) -> (i32, i32) {
    %c0_i32 = arith.constant 0 : i32
    %c0_i32_0 = arith.constant 0 : i32
    return %arg0, %c0_i32 : i32, i32
  }
}

module attributes {stable_mosaic.version = 14 : i64} {
  func.func @_tc1_body(%arg0: i32, %arg1: memref<1024x128xf32, #tpu.memory_space<vmem>>, %arg2: memref<2x1024xf32, #tpu.memory_space<vmem>>, %arg3: memref<1024x128xf32, #tpu.memory_space<vmem>>, %arg4: memref<1024x1xf32, #tpu.memory_space<vmem>>) attributes {dimension_semantics = [#tpu.dimension_semantics<arbitrary>], iteration_bounds = array<i64: 10>, scalar_prefetch = 0 : i64, scratch_operands = 0 : i64, tpu.core_type = #tpu.core_type<tc>, window_params = [{transform_indices = @transform_0, window_bounds = array<i64: 1024, 128>}, {transform_indices = @transform_1, window_bounds = array<i64: 2, 1024>}, {transform_indices = @transform_2, window_bounds = array<i64: 1024, 128>}, {transform_indices = @transform_3, window_bounds = array<i64: 1024, 1>}]} {
    %get3A = arith.constant 0 : index
    %get3A_0 = arith.constant 0 : index
    %get3A_1 = vector.load %arg2[%get3A, %get3A_0] : memref<2x1024xf32, #tpu.memory_space<vmem>>, vector<1x1024xf32>
    %get3A_2 = vector.shape_cast %get3A_1 : vector<1x1024xf32> to vector<1024xf32>
    %get3A_3 = arith.constant 1 : index
    %get3A_4 = arith.constant 0 : index
    %get3A_5 = vector.load %arg2[%get3A_3, %get3A_4] : memref<2x1024xf32, #tpu.memory_space<vmem>>, vector<1x1024xf32>
    %get3A_6 = vector.shape_cast %get3A_5 : vector<1x1024xf32> to vector<1024xf32>
    %add3A = arith.addf %get3A_2, %get3A_6 : vector<1024xf32>
    %add3A_7 = arith.constant 1.000000e+00 : f32
    %add3A_8 = vector.broadcast %add3A_7 : f32 to vector<1024xf32>
    %add3A_9 = arith.addf %add3A, %add3A_8 : vector<1024xf32>
    %max3A = arith.constant 1.000000e+00 : f32
    %max3A_10 = vector.broadcast %max3A : f32 to vector<1024xf32>
    %max3A_11 = arith.maximumf %add3A_9, %max3A_10 : vector<1024xf32>
    %rsqrt3A = math.rsqrt %max3A_11 : vector<1024xf32>
    %get3A_12 = arith.constant 0 : index
    %get3A_13 = arith.constant 0 : index
    %get3A_14 = vector.load %arg1[%get3A_12, %get3A_13] : memref<1024x128xf32, #tpu.memory_space<vmem>>, vector<1024x128xf32>
    %broadcast_in_dim3A = vector.shape_cast %rsqrt3A : vector<1024xf32> to vector<1024x1xf32>
    %mul3A = vector.broadcast %broadcast_in_dim3A : vector<1024x1xf32> to vector<1024x128xf32>
    %mul3A_15 = arith.mulf %get3A_14, %mul3A : vector<1024x128xf32>
    %swap3A = arith.constant 0 : index
    %swap3A_16 = arith.constant 0 : index
    %swap3A_17 = vector.load %arg3[%swap3A, %swap3A_16] : memref<1024x128xf32, #tpu.memory_space<vmem>>, vector<1024x128xf32>
    tpu.vector_store %arg3[%swap3A, %swap3A_16], %mul3A_15 {strides = array<i32>} : memref<1024x128xf32, #tpu.memory_space<vmem>>, vector<1024x128xf32>,
    %broadcast_in_dim3A_18 = vector.shape_cast %rsqrt3A : vector<1024xf32> to vector<1024x1xf32>
    %swap3A_19 = arith.constant 0 : index
    %swap3A_20 = arith.constant 0 : index
    %swap3A_21 = vector.load %arg4[%swap3A_19, %swap3A_20] : memref<1024x1xf32, #tpu.memory_space<vmem>>, vector<1024x1xf32>
    tpu.vector_store %arg4[%swap3A_19, %swap3A_20], %broadcast_in_dim3A_18 {strides = array<i32>} : memref<1024x1xf32, #tpu.memory_space<vmem>>, vector<1024x1xf32>,
    return
  }
  func.func @transform_0(%arg0: i32) -> (i32, i32) {
    %c0_i32 = arith.constant 0 : i32
    %c0_i32_0 = arith.constant 0 : i32
    return %arg0, %c0_i32 : i32, i32
  }
  func.func @transform_1(%arg0: i32) -> (i32, i32) {
    %c0_i32 = arith.constant 0 : i32
    %c0_i32_0 = arith.constant 0 : i32
    return %c0_i32, %arg0 : i32, i32
  }
  func.func @transform_2(%arg0: i32) -> (i32, i32) {
    %c0_i32 = arith.constant 0 : i32
    %c0_i32_0 = arith.constant 0 : i32
    return %arg0, %c0_i32 : i32, i32
  }
  func.func @transform_3(%arg0: i32) -> (i32, i32) {
    %c0_i32 = arith.constant 0 : i32
    %c0_i32_0 = arith.constant 0 : i32
    return %arg0, %c0_i32 : i32, i32
  }
}

module attributes {stable_mosaic.version = 14 : i64} {
  func.func @_tc2_body(%arg0: i32, %arg1: memref<2x1024x128xf32, #tpu.memory_space<vmem>>, %arg2: memref<1024x128xf32, #tpu.memory_space<vmem>>, %arg3: memref<1024x1xf32, #tpu.memory_space<vmem>>, %arg4: memref<1x128xf32, #tpu.memory_space<vmem>>, %arg5: memref<128x128xf32, #tpu.memory_space<vmem>>, %arg6: memref<1024x128xf32, #tpu.memory_space<vmem>>) attributes {dimension_semantics = [#tpu.dimension_semantics<arbitrary>], iteration_bounds = array<i64: 10>, scalar_prefetch = 0 : i64, scratch_operands = 0 : i64, tpu.core_type = #tpu.core_type<tc>, window_params = [{transform_indices = @transform_0, window_bounds = array<i64: 2, 1024, 128>}, {transform_indices = @transform_1, window_bounds = array<i64: 1024, 128>}, {transform_indices = @transform_2, window_bounds = array<i64: 1024, 1>}, {pipeline_mode = #tpu.pipeline_mode<synchronous>, transform_indices = @transform_3, window_bounds = array<i64: 1, 128>}, {pipeline_mode = #tpu.pipeline_mode<synchronous>, transform_indices = @transform_4, window_bounds = array<i64: 128, 128>}, {transform_indices = @transform_5, window_bounds = array<i64: 1024, 128>}]} {
    %get3A = arith.constant 0 : index
    %get3A_0 = arith.constant 0 : index
    %get3A_1 = arith.constant 0 : index
    %get3A_2 = vector.load %arg1[%get3A, %get3A_0, %get3A_1] : memref<2x1024x128xf32, #tpu.memory_space<vmem>>, vector<1x1024x128xf32>
    %get3A_3 = vector.shape_cast %get3A_2 : vector<1x1024x128xf32> to vector<1024x128xf32>
    %get3A_4 = arith.constant 1 : index
    %get3A_5 = arith.constant 0 : index
    %get3A_6 = arith.constant 0 : index
    %get3A_7 = vector.load %arg1[%get3A_4, %get3A_5, %get3A_6] : memref<2x1024x128xf32, #tpu.memory_space<vmem>>, vector<1x1024x128xf32>
    %get3A_8 = vector.shape_cast %get3A_7 : vector<1x1024x128xf32> to vector<1024x128xf32>
    %add3A = arith.addf %get3A_3, %get3A_8 : vector<1024x128xf32>
    %get3A_9 = arith.constant 0 : index
    %get3A_10 = arith.constant 0 : index
    %get3A_11 = vector.load %arg2[%get3A_9, %get3A_10] : memref<1024x128xf32, #tpu.memory_space<vmem>>, vector<1024x128xf32>
    %add3A_12 = arith.addf %add3A, %get3A_11 : vector<1024x128xf32>
    %get3A_13 = arith.constant 0 : index
    %get3A_14 = arith.constant 0 : index
    %get3A_15 = vector.load %arg3[%get3A_13, %get3A_14] : memref<1024x1xf32, #tpu.memory_space<vmem>>, vector<1024x1xf32>
    %mul3A = vector.broadcast %get3A_15 : vector<1024x1xf32> to vector<1024x128xf32>
    %mul3A_16 = arith.mulf %add3A_12, %mul3A : vector<1024x128xf32>
    %get3A_17 = arith.constant 0 : index
    %get3A_18 = arith.constant 0 : index
    %get3A_19 = vector.load %arg4[%get3A_17, %get3A_18] : memref<1x128xf32, #tpu.memory_space<vmem>>, vector<1x128xf32>
    %add3A_20 = vector.broadcast %get3A_19 : vector<1x128xf32> to vector<1024x128xf32>
    %add3A_21 = arith.addf %mul3A_16, %add3A_20 : vector<1024x128xf32>
    %iota3A = tpu.iota {dimensions = array<i32: 0>} : vector<1024x128xi32>
    %mul3A_22 = arith.constant 1024 : i32
    %mul3A_23 = arith.muli %arg0, %mul3A_22 : i32
    %add3A_24 = vector.broadcast %mul3A_23 : i32 to vector<1024x128xi32>
    %add3A_25 = arith.addi %iota3A, %add3A_24 : vector<1024x128xi32>
    %lt3A = arith.constant 10000 : i32
    %lt3A_26 = vector.broadcast %lt3A : i32 to vector<1024x128xi32>
    %lt3A_27 = arith.cmpi slt, %add3A_25, %lt3A_26 : vector<1024x128xi32>
    %max3A = arith.constant 0.000000e+00 : f32
    %max3A_28 = vector.broadcast %max3A : f32 to vector<1024x128xf32>
    %max3A_29 = arith.maximumf %add3A_21, %max3A_28 : vector<1024x128xf32>
    %jit3A = arith.constant 0.000000e+00 : f32
    %broadcast_in_dim3A = vector.broadcast %jit3A : f32 to vector<1024x128xf32>
    %select_n3A = arith.select %lt3A_27, %max3A_29, %broadcast_in_dim3A : vector<1024x128xi1>, vector<1024x128xf32>
    %get3A_30 = arith.constant 0 : index
    %get3A_31 = arith.constant 0 : index
    %get3A_32 = vector.load %arg5[%get3A_30, %get3A_31] : memref<128x128xf32, #tpu.memory_space<vmem>>, vector<128x128xf32>
    %dot_general3A = arith.constant dense<0.000000e+00> : vector<1024x128xf32>
    %dot_general3A_33 = tpu.matmul %select_n3A, %get3A_32, %dot_general3A {dimension_numbers = #tpu.dot_dimension_numbers<[1], [0], [0], [1], [0, 0, 1, 1], [], []>, transpose_lhs_hint = false} : vector<1024x128xf32>, vector<128x128xf32>, vector<1024x128xf32> -> vector<1024x128xf32>
    %get3A_34 = arith.constant 0 : index
    %get3A_35 = arith.constant 0 : index
    %get3A_36 = vector.load %arg3[%get3A_34, %get3A_35] : memref<1024x1xf32, #tpu.memory_space<vmem>>, vector<1024x1xf32>
    %mul3A_37 = vector.broadcast %get3A_36 : vector<1024x1xf32> to vector<1024x128xf32>
    %mul3A_38 = arith.mulf %dot_general3A_33, %mul3A_37 : vector<1024x128xf32>
    %swap3A = arith.constant 0 : index
    %swap3A_39 = arith.constant 0 : index
    %swap3A_40 = vector.load %arg6[%swap3A, %swap3A_39] : memref<1024x128xf32, #tpu.memory_space<vmem>>, vector<1024x128xf32>
    tpu.vector_store %arg6[%swap3A, %swap3A_39], %mul3A_38 {strides = array<i32>} : memref<1024x128xf32, #tpu.memory_space<vmem>>, vector<1024x128xf32>,
    return
  }
  func.func @transform_0(%arg0: i32) -> (i32, i32, i32) {
    %c0_i32 = arith.constant 0 : i32
    %c0_i32_0 = arith.constant 0 : i32
    %c0_i32_1 = arith.constant 0 : i32
    return %c0_i32, %arg0, %c0_i32_0 : i32, i32, i32
  }
  func.func @transform_1(%arg0: i32) -> (i32, i32) {
    %c0_i32 = arith.constant 0 : i32
    %c0_i32_0 = arith.constant 0 : i32
    return %arg0, %c0_i32 : i32, i32
  }
  func.func @transform_2(%arg0: i32) -> (i32, i32) {
    %c0_i32 = arith.constant 0 : i32
    %c0_i32_0 = arith.constant 0 : i32
    return %arg0, %c0_i32 : i32, i32
  }
  func.func @transform_3(%arg0: i32) -> (i32, i32) {
    %c0_i32 = arith.constant 0 : i32
    %c0_i32_0 = arith.constant 0 : i32
    %c0_i32_1 = arith.constant 0 : i32
    return %c0_i32, %c0_i32_0 : i32, i32
  }
  func.func @transform_4(%arg0: i32) -> (i32, i32) {
    %c0_i32 = arith.constant 0 : i32
    %c0_i32_0 = arith.constant 0 : i32
    %c0_i32_1 = arith.constant 0 : i32
    return %c0_i32, %c0_i32_0 : i32, i32
  }
  func.func @transform_5(%arg0: i32) -> (i32, i32) {
    %c0_i32 = arith.constant 0 : i32
    %c0_i32_0 = arith.constant 0 : i32
    return %arg0, %c0_i32 : i32, i32
  }
}

module attributes {stable_mosaic.version = 14 : i64} {
  func.func @_tc3_body(%arg0: i32, %arg1: memref<2x1024x128xf32, #tpu.memory_space<vmem>>, %arg2: memref<1024x128xf32, #tpu.memory_space<vmem>>, %arg3: memref<1024x1xf32, #tpu.memory_space<vmem>>, %arg4: memref<1x128xf32, #tpu.memory_space<vmem>>, %arg5: memref<1024x128xf32, #tpu.memory_space<vmem>>) attributes {dimension_semantics = [#tpu.dimension_semantics<arbitrary>], iteration_bounds = array<i64: 10>, scalar_prefetch = 0 : i64, scratch_operands = 0 : i64, tpu.core_type = #tpu.core_type<tc>, window_params = [{transform_indices = @transform_0, window_bounds = array<i64: 2, 1024, 128>}, {transform_indices = @transform_1, window_bounds = array<i64: 1024, 128>}, {transform_indices = @transform_2, window_bounds = array<i64: 1024, 1>}, {pipeline_mode = #tpu.pipeline_mode<synchronous>, transform_indices = @transform_3, window_bounds = array<i64: 1, 128>}, {transform_indices = @transform_4, window_bounds = array<i64: 1024, 128>}]} {
    %get3A = arith.constant 0 : index
    %get3A_0 = arith.constant 0 : index
    %get3A_1 = arith.constant 0 : index
    %get3A_2 = vector.load %arg1[%get3A, %get3A_0, %get3A_1] : memref<2x1024x128xf32, #tpu.memory_space<vmem>>, vector<1x1024x128xf32>
    %get3A_3 = vector.shape_cast %get3A_2 : vector<1x1024x128xf32> to vector<1024x128xf32>
    %get3A_4 = arith.constant 1 : index
    %get3A_5 = arith.constant 0 : index
    %get3A_6 = arith.constant 0 : index
    %get3A_7 = vector.load %arg1[%get3A_4, %get3A_5, %get3A_6] : memref<2x1024x128xf32, #tpu.memory_space<vmem>>, vector<1x1024x128xf32>
    %get3A_8 = vector.shape_cast %get3A_7 : vector<1x1024x128xf32> to vector<1024x128xf32>
    %add3A = arith.addf %get3A_3, %get3A_8 : vector<1024x128xf32>
    %get3A_9 = arith.constant 0 : index
    %get3A_10 = arith.constant 0 : index
    %get3A_11 = vector.load %arg2[%get3A_9, %get3A_10] : memref<1024x128xf32, #tpu.memory_space<vmem>>, vector<1024x128xf32>
    %add3A_12 = arith.addf %add3A, %get3A_11 : vector<1024x128xf32>
    %get3A_13 = arith.constant 0 : index
    %get3A_14 = arith.constant 0 : index
    %get3A_15 = vector.load %arg3[%get3A_13, %get3A_14] : memref<1024x1xf32, #tpu.memory_space<vmem>>, vector<1024x1xf32>
    %mul3A = vector.broadcast %get3A_15 : vector<1024x1xf32> to vector<1024x128xf32>
    %mul3A_16 = arith.mulf %add3A_12, %mul3A : vector<1024x128xf32>
    %get3A_17 = arith.constant 0 : index
    %get3A_18 = arith.constant 0 : index
    %get3A_19 = vector.load %arg4[%get3A_17, %get3A_18] : memref<1x128xf32, #tpu.memory_space<vmem>>, vector<1x128xf32>
    %add3A_20 = vector.broadcast %get3A_19 : vector<1x128xf32> to vector<1024x128xf32>
    %add3A_21 = arith.addf %mul3A_16, %add3A_20 : vector<1024x128xf32>
    %reduce_max3A = arith.constant dense<0xFF800000> : vector<1024xf32>
    %reduce_max3A_22 = vector.multi_reduction <maximumf>, %add3A_21, %reduce_max3A [1] : vector<1024x128xf32> to vector<1024xf32>
    %broadcast_in_dim3A = vector.shape_cast %reduce_max3A_22 : vector<1024xf32> to vector<1024x1xf32>
    %sub3A = vector.broadcast %broadcast_in_dim3A : vector<1024x1xf32> to vector<1024x128xf32>
    %sub3A_23 = arith.subf %add3A_21, %sub3A : vector<1024x128xf32>
    %exp3A = math.exp %sub3A_23 : vector<1024x128xf32>
    %reduce_sum3A = arith.constant dense<0.000000e+00> : vector<1024xf32>
    %reduce_sum3A_24 = vector.multi_reduction <add>, %exp3A, %reduce_sum3A [1] : vector<1024x128xf32> to vector<1024xf32>
    %broadcast_in_dim3A_25 = vector.shape_cast %reduce_sum3A_24 : vector<1024xf32> to vector<1024x1xf32>
    %log3A = math.log %broadcast_in_dim3A_25 : vector<1024x1xf32>
    %sub3A_26 = vector.broadcast %log3A : vector<1024x1xf32> to vector<1024x128xf32>
    %sub3A_27 = arith.subf %sub3A_23, %sub3A_26 : vector<1024x128xf32>
    %swap3A = arith.constant 0 : index
    %swap3A_28 = arith.constant 0 : index
    %swap3A_29 = vector.load %arg5[%swap3A, %swap3A_28] : memref<1024x128xf32, #tpu.memory_space<vmem>>, vector<1024x128xf32>
    tpu.vector_store %arg5[%swap3A, %swap3A_28], %sub3A_27 {strides = array<i32>} : memref<1024x128xf32, #tpu.memory_space<vmem>>, vector<1024x128xf32>,
    return
  }
  func.func @transform_0(%arg0: i32) -> (i32, i32, i32) {
    %c0_i32 = arith.constant 0 : i32
    %c0_i32_0 = arith.constant 0 : i32
    %c0_i32_1 = arith.constant 0 : i32
    return %c0_i32, %arg0, %c0_i32_0 : i32, i32, i32
  }
  func.func @transform_1(%arg0: i32) -> (i32, i32) {
    %c0_i32 = arith.constant 0 : i32
    %c0_i32_0 = arith.constant 0 : i32
    return %arg0, %c0_i32 : i32, i32
  }
  func.func @transform_2(%arg0: i32) -> (i32, i32) {
    %c0_i32 = arith.constant 0 : i32
    %c0_i32_0 = arith.constant 0 : i32
    return %arg0, %c0_i32 : i32, i32
  }
  func.func @transform_3(%arg0: i32) -> (i32, i32) {
    %c0_i32 = arith.constant 0 : i32
    %c0_i32_0 = arith.constant 0 : i32
    %c0_i32_1 = arith.constant 0 : i32
    return %c0_i32, %c0_i32_0 : i32, i32
  }
  func.func @transform_4(%arg0: i32) -> (i32, i32) {
    %c0_i32 = arith.constant 0 : i32
    %c0_i32_0 = arith.constant 0 : i32
    return %arg0, %c0_i32 : i32, i32
  }
}

</mosaic_0001>

<sc_bundles>
// kernel: kernel.12.cloned.1.call-start
scs
__scs_entry_jumppad:
0x0: {  	(pc) =	sbr.rel $0x88, $3  }
0x1: {  	(tag) =	ssettag $0x0;
	lr =	simm.s32 $0x1  }
0x2: {  	[smem:$0x3F9B] =	sst lr;
	_ =	strace $0xD0000000  }
0x3: {  	_ = 	snop  }
0x4: {  	_ = 	snop  }
0x5: {  	_ = 	snop  }
0x6: {  	_ = 	snop  }
0x7: {  	_ = 	snop  }
__scs_overlays_trampoline_lowered:
0x8: {  	[smem:$0x3FAA] =	sst s0  }
0x9: {  	[smem:$0x3FAB] =	sst s1  }
0xa: {  	[smem:$0x3FAC] =	sst s2  }
0xb: {  	[smem:$0x3FAD] =	sst s3  }
0xc: {  	[smem:$0x3FAE] =	sst s4  }
0xd: {  	[smem:$0x3FAF] =	sst s5  }
0xe: {  	[smem:$0x3FB0] =	sst s6  }
0xf: {  	[smem:$0x3FB1] =	sst s7  }
0x10: {  	[smem:$0x3FB2] =	sst s8  }
0x11: {  	[smem:$0x3FB3] =	sst s9;
	s0 =	simm.s32 @!p0 $0x0  }
0x12: {  	s1 =	sld [smem:$0x3F99];
	s0 =	simm.s32 @p0 $0x1  }
0x13: {  	[smem:$0x3FB4] =	sst s0;
	s0 =	simm.s32 @!p1 $0x0  }
0x14: {  	s2 =	sld [smem:$0x3F98];
	s0 =	simm.s32 @p1 $0x1  }
0x15: {  	[smem:$0x3FB5] =	sst s0;
	s0 =	simm.s32 @!p2 $0x0  }
0x16: {  	s3 =	sld [smem:$0x3FDB];
	s0 =	simm.s32 @p2 $0x1  }
0x17: {  	s4 =	simm.s32 $0x1BF5;
	[smem:$0x3FB7] =	sst s0  }
0x18: {  	s0 =	sld [smem:$0x3F9A];
	_ =	swait.ge [sflag:s4], $0x0  }
0x19: {  	s7 =	sld [smem:$0x3F9B]  }
0x1a: {  	s8 =	sadd.s32 $0xFFFFE003, lr  }
0x1b: {  	s9 =	sadd.s32 $0xFFFFFEF7, lr;
	s5 =	simm.s32 $0xFFFFFFFF;
	p2 =	slt.u32 s8, $0xFFFFF086  }
0x1c: {  	p1 =	slt.u32 s9, $0xF7A;
	s5 =	simm.s32 @!p2 $0x0  }
0x1d: {  	s5 =	simm.s32 @p1 $0x1;
	p0 =	seq.s32 s7, s2  }
0x1e: {  	s7 =	smul.u32 @!p0 $0xF7A, s2;
	p2 =	seq.s32 @!p0 s5, $0x0  }
0x1f: {  	s9 =	smul.u32 $0xF7A, s1;
	s8 =	simm.s32 @!p0 $0x1BF5;
	p2 =	por !p2, p0  }
0x20: {  	[sflag:s8] =	ssyncset.s32 @!p0 $0xFFFFF086;
	s6 =	sadd.s32 @!p0 s3, s7;
	s7 =	simm.s32 @!p0 $0x108  }
0x21: {  	s3 =	sadd.s32 s3, s9;
	s6 =	sadd.s32 @!p0 $0x88, s6;
	s7 =	simm.s32 @p2 $0x1082  }
0x22: {  	[simem:s7], [sflag:s8] =	dma.local @!p0 [hbm:s6], $0xF7A  }
0x23: {  	s9 =	sor.u32 $0xD0000000, s2;
	s6 =	simm.s32 $0x108;
	_ =	swait.ge @!p0 [sflag:s8], $0x0  }
0x24: {  	s3 =	sadd.s32 $0x88, s3;
	s6 =	simm.s32 @!p1 $0x1082;
	[sflag:s4] =	ssyncset.s32 $0xFFFFF086  }
0x25: {  	[simem:s6], [sflag:s4] =	dma.local [hbm:s3], $0xF7A  }
0x26: {  	[smem:$0x3F9B] =	sst s1;
	(tag) =	ssettag s2;
	_ =	strace s9  }
0x27: {  	s1 =	sld [smem:$0x3FAB]  }
0x28: {  	s2 =	sld [smem:$0x3FAC]  }
0x29: {  	s4 =	sld [smem:$0x3FAE]  }
0x2a: {  	p0 =	seq.s32 s5, $0x0;
	s5 =	sld [smem:$0x3FAF]  }
0x2b: {  	s6 =	sld [smem:$0x3FB0]  }
0x2c: {  	s7 =	sld [smem:$0x3FB1]  }
0x2d: {  	s3 =	simm.s32 $0x108;
	s8 =	sld [smem:$0x3FB2]  }
0x2e: {  	s3 =	simm.s32 @!p0 $0x1082;
	s9 =	sld [smem:$0x3FB3]  }
0x2f: {  	lr =	sadd.s32 s0, s3;
	s0 =	sld [smem:$0x3FAA]  }
0x30: {  	s3 =	sld [smem:$0x3FAD]  }
0x31: {  	[smem:$0x3FB6] =	sst s10  }
0x32: {  	s10 =	sld [smem:$0x3FB4];
	_ =	sdelay $0x3  }
0x33: {  	p0 =	seq.s32 s10, $0x1;
	s10 =	sld [smem:$0x3FB6];
	_ =	sdelay $0x3  }
0x34: {  	[smem:$0x3FB6] =	sst s10  }
0x35: {  	s10 =	sld [smem:$0x3FB5];
	_ =	sdelay $0x3  }
0x36: {  	p1 =	seq.s32 s10, $0x1;
	s10 =	sld [smem:$0x3FB6];
	_ =	sdelay $0x3  }
0x37: {  	[smem:$0x3FB6] =	sst s10  }
0x38: {  	s10 =	sld [smem:$0x3FB7]  }
0x39: {  	_ = 	snop;
	(pc) =	sbr.ind lr, $3  }
0x3a: {  	_ = 	snop  }
0x3b: {  	_ = 	snop  }
0x3c: {  	p2 =	seq.s32 s10, $0x1;
	s10 =	sld [smem:$0x3FB6]  }
0x3d: {  	_ =	shalt  }
0x3e: {  	_ =	shalt  }
0x3f: {  	_ =	shalt  }
0x40: {  	_ =	shalt  }
0x41: {  	_ =	shalt  }
0x42: {  	_ =	shalt  }
0x43: {  	_ =	shalt  }
0x44: {  	_ =	shalt  }
0x45: {  	_ =	shalt  }
0x46: {  	_ =	shalt  }
0x47: {  	_ =	shalt  }
0x48: {  	_ =	shalt  }
0x49: {  	_ =	shalt  }
0x4a: {  	_ =	shalt  }
0x4b: {  	_ =	shalt  }
0x4c: {  	_ =	shalt  }
0x4d: {  	_ =	shalt  }
0x4e: {  	_ =	shalt  }
0x4f: {  	_ =	shalt  }
0x50: {  	_ =	shalt  }
0x51: {  	_ =	shalt  }
0x52: {  	_ =	shalt  }
0x53: {  	_ =	shalt  }
0x54: {  	_ =	shalt  }
0x55: {  	_ =	shalt  }
0x56: {  	_ =	shalt  }
0x57: {  	_ =	shalt  }
0x58: {  	_ =	shalt  }
0x59: {  	_ =	shalt  }
0x5a: {  	_ =	shalt  }
0x5b: {  	_ =	shalt  }
0x5c: {  	_ =	shalt  }
0x5d: {  	_ =	shalt  }
0x5e: {  	_ =	shalt  }
0x5f: {  	_ =	shalt  }
0x60: {  	_ =	shalt  }
0x61: {  	_ =	shalt  }
0x62: {  	_ =	shalt  }
0x63: {  	_ =	shalt  }
0x64: {  	_ =	shalt  }
0x65: {  	_ =	shalt  }
0x66: {  	_ =	shalt  }
0x67: {  	_ =	shalt  }
0x68: {  	_ =	shalt  }
0x69: {  	_ =	shalt  }
0x6a: {  	_ =	shalt  }
0x6b: {  	_ =	shalt  }
0x6c: {  	_ =	shalt  }
0x6d: {  	_ =	shalt  }
0x6e: {  	_ =	shalt  }
0x6f: {  	_ =	shalt  }
0x70: {  	_ =	shalt  }
0x71: {  	_ =	shalt  }
0x72: {  	_ =	shalt  }
0x73: {  	_ =	shalt  }
0x74: {  	_ =	shalt  }
0x75: {  	_ =	shalt  }
0x76: {  	_ =	shalt  }
0x77: {  	_ =	shalt  }
0x78: {  	_ =	shalt  }
0x79: {  	_ =	shalt  }
0x7a: {  	_ =	shalt  }
0x7b: {  	_ =	shalt  }
0x7c: {  	_ =	shalt  }
0x7d: {  	_ =	shalt  }
0x7e: {  	_ =	shalt  }
0x7f: {  	_ =	shalt  }
0x80: {  	_ =	shalt  }
0x81: {  	_ =	shalt  }
0x82: {  	_ =	shalt  }
0x83: {  	_ =	shalt  }
0x84: {  	_ =	shalt  }
0x85: {  	_ =	shalt  }
0x86: {  	_ =	shalt  }
0x87: {  	_ =	shalt  }
.Lfunc_end0:
.L_simem_size_0:
called_computation.1_lowered:
.L_overlay_start_0:
0x88: {  	s2 =	sld [smem:$0x3FD9]  }
0x89: {  	s3 =	sld [smem:$0x3FFE];
	_ =	sdelay $0x1  }
0x8a: {  	s1 =	srdreg.scid  }
0x8b: {  	s0 =	sand.u32 $0x1, s1  }
0x8c: {  	s17 =	sshll.u32 s0, $0xA;
	s2 =	sadd.s32 s3, s2  }
0x8d: {  	s2 =	sadd.s32 s2, s17  }
0x8e: {  	[smem:$0x3FC2] =	sst s2  }
0x8f: {  	_ = 	snop  }
0x90: {  	s2 =	sld [smem:$0x3FD0];
	(tm) =	ssettm $0x1  }
0x91: {  	s18 =	sld [smem:$0x3FFB];
	_ =	sdelay $0x3  }
0x92: {  	_ =	strace s18  }
0x93: {  	s3 =	sld [smem:$0x3FFC];
	_ =	sdelay $0x3  }
0x94: {  	_ =	strace s3  }
0x95: {  	s3 =	sld [smem:$0x3FFD];
	_ =	sdelay $0x3  }
0x96: {  	_ =	strace s3  }
0x97: {  	_ =	strace $0x8FFFFFFF  }
0x98: {  	s19 =	sld [smem:$0x3FDB];
	_ =	sdelay $0x1  }
0x99: {  	s4 =	simm.s32 $_scs_section_size  }
0x9a: {  	s5 =	simm.s32 $_size__tile_overlayer_lowered;
	s6 =	simm.s32 $_tile_overlayer_lowered  }
0x9b: {  	s22 =	simm.s32 $0x1BFF;
	s21 =	sshll.u32 s6, $0x1;
	s3 =	sadd.s32 s4, s19  }
0x9c: {  	s7 =	simm.s32 $0x0;
	s20 =	sshll.u32 s5, $0x1;
	s5 =	sadd.s32 s21, s3  }
0x9d: {  	[timem:s7], [sflag:s22] =	dma.local [hbm:s5], s20  }
0x9e: {  	_ =	swait.ge [sflag:s22], s20  }
0x9f: {  	s4 =	ssub.s32 $0x0, s20;
	[sflag:s22] =	ssyncset.done $0x0  }
0xa0: {  	[sflag:s22] =	ssyncadd.s32 s4;
	_ =	sdelay $0x1  }
0xa1: {  	s23 =	simm.s32 $0x1B8B  }
0xa2: {  	_ =	swait.ge [sflag:s23], $0x1  }
0xa3: {  	[sflag:s23] =	ssyncset.done $0x0  }
0xa4: {  	s25 =	simm.s32 $0x1B8E;
	s24 =	sld [smem:$0x3FFE];
	[sflag:s23] =	ssyncadd.s32 $0xFFFFFFFF  }
0xa5: {  	s26 =	simm.s32 $execute0_lowered;
	[smem:$0x3FD2] =	sst s25  }
0xa6: {  	s5 =	sshll.u32 s26, $0x1;
	_ =	strace $0x80000049;
	[dreg:$0x1] =	wrdreg $0xFFFFFFFF  }
0xa7: {  	s28 =	simm.s32 $_size_execute0_lowered;
	s3 =	sadd.s32 s3, s5;
	[dreg:$0x0] =	wrdreg $0x0  }
0xa8: {  	s5 =	sshll.u32 s28, $0x1;
	[dreg:$0x2] =	wrdreg s3  }
0xa9: {  	[dreg:$0x3] =	wrdreg s5  }
0xaa: {  	[dreg:$0x4] =	wrdreg $0xC0  }
0xab: {  	_ =	task [dreg:s7], $0x5FFFF  }
0xac: {  	[dreg:$0x1] =	wrdreg $0xFFFFFFFF  }
0xad: {  	[dreg:$0x0] =	wrdreg $0x60  }
0xae: {  	[dreg:$0x2] =	wrdreg s2  }
0xaf: {  	[dreg:$0x3] =	wrdreg s24  }
0xb0: {  	[dreg:$0x4] =	wrdreg $0xAF800  }
0xb1: {  	[dreg:$0x5] =	wrdreg $0x9  }
0xb2: {  	_ =	task.clear_ibuf [dreg:s7], $0x6FFFF;
	_ =	strace $0x90000049  }
0xb3: {  	s29 =	simm.s32 $0x9;
	_ =	strace $0x8000004B  }
0xb4: {  	_ =	swait.ge [sflag:s29], $0x1  }
0xb5: {  	[sflag:s29] =	ssyncadd.s32 $0xFFFFFFFF  }
0xb6: {  	_ =	strace $0x9000004B  }
0xb7: {  	_ =	sfence  }
0xb8: {  	s30 =	sld [smem:$0x0];
	_ =	sdelay $0x2  }
0xb9: {  	s31 =	sshll.u32 s1, $0xD;
	s1 =	sshrl.u32 s1, $0x2  }
0xba: {  	s3 =	sand.u32 $0x4000, s31;
	s1 =	sadd.s32 s1, s30  }
0xbb: {  	s0 =	sor.u32 s3, s0;
	s1 =	sshll.u32 s1, $0x11  }
0xbc: {  	s0 =	sor.u32 s1, s0  }
0xbd: {  	s0 =	sadd.s32 $0x8F2B, s0  }
0xbe: {  	[sflag:s0] =	ssyncadd.remote.s32 $0x1  }
0xbf: {  	_ =	sfence.sel $0xFFFF  }
0xc0: {  	[dreg:$0x0] =	wrdreg $0xFFFFFFFF;
	(pc) =	sbr.abs _section_cstart, $3  }
0xc1: {  	[dreg:$0x1] =	wrdreg $0xFFFFFFFF  }
0xc2: {  	_ =	task.clear_ibuf [dreg:s7], $0x2FFFF;
	_ =	strace $0x9FFFFFFF  }
0xc3: {  	(tm) =	ssettm $0x7FFFFFFF  }
tec
execute0_lowered:
.L_overlay_start_1:
0x0: {  	(tag) =	ssettag $0x1  }
0x1: {  	s0 =	rddreg [dreg:$0x0]  }
0x2: {  	s2 =	rddreg [dreg:$0x1]  }
0x3: {  	s1 =	rddreg [dreg:$0x2]  }
0x4: {  	s3 =	srdreg.scid;
	s12 =	stileid.u32  }
0x5: {  	s14 =	simm.s32 $0x20;
	s23 =	simm.s32 $0x2980;
	s28 =	simm.s32 $0x2A80  }
0x6: {  	s29 =	simm.s32 $0x8F80;
	s30 =	simm.s32 $0x2B00;
	s31 =	simm.s32 $0x9F80  }
0x7: {  	s6 =	sand.u32 $0x1, s3;
	s3 =	simm.s32 $0x0;
	s7 =	smul.u32 $0x14000, s12  }
0x8: {  	s4 =	sadd.s32 $0x2400, s2;
	s9 =	sshll.u32 s12, $0x7;
	s11 =	smul.u32 $0x50000, s12  }
0x9: {  	s26 =	sshll.u32 s12, $0x6;
	s5 =	smul.u32 $0x140000, s6;
	[smem:$0x7FF] =	sst s3  }
0xa: {  	s8 =	sshll.u32 s6, $0x4;
	s6 =	ssub.s32 $0x2, s6;
	s9 =	sand.u32 $0x380, s9  }
0xb: {  	_ =	strace $0x8000004A;
	s8 =	sor.u32 s12, s8;
	s10 =	sshrl.u32 s6, $0x1  }
0xc: {  	s25 =	sshrl.u32 s11, $0x2;
	s7 =	sadd.s32 s7, s5;
	s8 =	sshrl.u32 s8, $0x3  }
0xd: {  	s5 =	sadd.s32 $0x2A400, s2;
	s10 =	ssub.s32 s6, s10;
	s8 =	smul.u32 $0x13C00, s8  }
0xe: {  	s11 =	sadd.s32 s25, s1;
	s6 =	sor.u32 $0x1C09, s26;
	s7 =	sshrl.u32 s7, $0x3  }
0xf: {  	s25 =	simm.s32 $0x2A00;
	s2 =	sadd.s32 s7, s2;
	s24 =	sor.u32 s9, s8  }
0x10: {  	s26 =	simm.s32 $0x7F80;
	s8 =	sadd.s32 $0x2CC00, s2;
	s9 =	sshrl.u32 s24, $0x3  }
0x11: {  	s24 =	simm.s32 $0x6F80;
	s7 =	sadd.s32 s0, s9;
	s9 =	smax.u32 s10, $0x1  }
0x12: {  	s10 =	sshrl.u32 s11, $0x3;
	s11 =	simm.s32 $0x9;
	s0 =	simm.s32 $0x0  }
.LBB2_1:
0x13: {  	[spmem:s10], [sflag:s6] =	dma.local [hbm:s5], $0x2800  }
0x14: {  	_ =	swait.ge [sflag:s11], $0x2800  }
0x15: {  	[sflag:s11] =	ssyncset.done $0x0  }
0x16: {  	s2 =	simm.s32 $0x80;
	s12 =	simm.s32 $0x400;
	[sflag:s11] =	ssyncadd.s32 $0xFFFFD800  }
0x17: {  	[tilespmem:s3], [sflag:$0x9] =	stream.strided.gather [hbm4b:s7+s2], $0x2780, s12, s2, $0x38;
	[tilespmem:$0x1EF80] =	vst v63  }
0x18: {  	_ =	swait.ge [sflag:s11], $0x2780  }
0x19: {  	[sflag:s11] =	ssyncset.done $0x0  }
0x1a: {  	[sflag:s11] =	ssyncadd.s32 $0xFFFFD880  }
0x1b: {  	[bflag:$0x0] =	sbarrier.arrive $0xFFFF  }
0x1c: {  	v0 =	vld [tilespmem:$0x0];
	_ =	sdelay $0x1  }
0x1d: {  	v1 =	vld [tilespmem:$0x10];
	_ =	sdelay $0x2  }
0x1e: {  	v2 =	vand.u32 $0x3FFF, v0  }
0x1f: {  	v0 =	vshra.s32 v0, $0xE;
	[tilespmem:$0x2780] =	vst v2  }
0x20: {  	[tilespmem:$0x2B80] =	vst v0;
	v0 =	vand.u32 $0x3FFF, v1  }
0x21: {  	[tilespmem:$0x2790] =	vst v0;
	v0 =	vshra.s32 v1, $0xE  }
0x22: {  	s13 =	simm.s32 $0x2780;
	s15 =	simm.s32 $0x2F80;
	[tilespmem:$0x2B90] =	vst v0  }
0x23: {  	[tilespmem:s15], [sflag:$0x1] =	stream.indirect.gather [hbm4b:s4+s14], $0x80, s13, s14, $0xb8;
	[tilespmem:$0x1EF80] =	vst v63  }
0x24: {  	v0 =	vld [tilespmem:$0x20];
	_ =	sdelay $0x1  }
0x25: {  	v1 =	vld [tilespmem:$0x30];
	_ =	sdelay $0x2  }
0x26: {  	v2 =	vand.u32 $0x3FFF, v0  }
0x27: {  	v0 =	vshra.s32 v0, $0xE;
	[tilespmem:$0x2800] =	vst v2  }
0x28: {  	[tilespmem:$0x2C00] =	vst v0;
	v0 =	vand.u32 $0x3FFF, v1  }
0x29: {  	[tilespmem:$0x2810] =	vst v0;
	v0 =	vshra.s32 v1, $0xE  }
0x2a: {  	s16 =	simm.s32 $0x2800;
	s17 =	simm.s32 $0x3F80;
	[tilespmem:$0x2C10] =	vst v0  }
0x2b: {  	[tilespmem:s17], [sflag:$0x2] =	stream.indirect.gather [hbm4b:s4+s14], $0x80, s16, s14, $0xb8;
	[tilespmem:$0x1EF80] =	vst v63  }
0x2c: {  	v0 =	vld [tilespmem:$0x40];
	_ =	sdelay $0x1  }
0x2d: {  	v1 =	vld [tilespmem:$0x50];
	_ =	sdelay $0x2  }
0x2e: {  	v2 =	vand.u32 $0x3FFF, v0  }
0x2f: {  	v0 =	vshra.s32 v0, $0xE;
	[tilespmem:$0x2880] =	vst v2  }
0x30: {  	[tilespmem:$0x2C80] =	vst v0;
	v0 =	vand.u32 $0x3FFF, v1  }
0x31: {  	[tilespmem:$0x2890] =	vst v0;
	v0 =	vshra.s32 v1, $0xE  }
0x32: {  	s18 =	simm.s32 $0x2880;
	s19 =	simm.s32 $0x4F80;
	[tilespmem:$0x2C90] =	vst v0  }
0x33: {  	[tilespmem:s19], [sflag:$0x3] =	stream.indirect.gather [hbm4b:s4+s14], $0x80, s18, s14, $0xb8;
	[tilespmem:$0x1EF80] =	vst v63  }
0x34: {  	v0 =	vld [tilespmem:$0x60];
	_ =	sdelay $0x1  }
0x35: {  	v1 =	vld [tilespmem:$0x70];
	_ =	sdelay $0x2  }
0x36: {  	v2 =	vand.u32 $0x3FFF, v0  }
0x37: {  	v0 =	vshra.s32 v0, $0xE;
	[tilespmem:$0x2900] =	vst v2  }
0x38: {  	[tilespmem:$0x2D00] =	vst v0;
	v0 =	vand.u32 $0x3FFF, v1  }
0x39: {  	[tilespmem:$0x2910] =	vst v0;
	v0 =	vshra.s32 v1, $0xE  }
0x3a: {  	s20 =	simm.s32 $0x2900;
	s21 =	simm.s32 $0x5F80;
	[tilespmem:$0x2D10] =	vst v0  }
0x3b: {  	[tilespmem:s21], [sflag:$0x4] =	stream.indirect.gather [hbm4b:s4+s14], $0x80, s20, s14, $0xb8;
	[tilespmem:$0x1EF80] =	vst v63  }
0x3c: {  	v0 =	vld [tilespmem:$0x80];
	_ =	sdelay $0x1  }
0x3d: {  	v1 =	vld [tilespmem:$0x90];
	_ =	sdelay $0x2  }
0x3e: {  	v2 =	vand.u32 $0x3FFF, v0  }
0x3f: {  	v0 =	vshra.s32 v0, $0xE;
	[tilespmem:$0x2980] =	vst v2  }
0x40: {  	[tilespmem:$0x2D80] =	vst v0;
	v0 =	vand.u32 $0x3FFF, v1  }
0x41: {  	[tilespmem:$0x2990] =	vst v0;
	v0 =	vshra.s32 v1, $0xE  }
0x42: {  	[tilespmem:$0x2D90] =	vst v0  }
0x43: {  	[tilespmem:s24], [sflag:$0x5] =	stream.indirect.gather [hbm4b:s4+s14], $0x80, s23, s14, $0xb8;
	[tilespmem:$0x1EF80] =	vst v63  }
0x44: {  	v0 =	vld [tilespmem:$0xA0];
	_ =	sdelay $0x1  }
0x45: {  	v1 =	vld [tilespmem:$0xB0];
	_ =	sdelay $0x2  }
0x46: {  	v2 =	vand.u32 $0x3FFF, v0  }
0x47: {  	v0 =	vshra.s32 v0, $0xE;
	[tilespmem:$0x2A00] =	vst v2  }
0x48: {  	[tilespmem:$0x2E00] =	vst v0;
	v0 =	vand.u32 $0x3FFF, v1  }
0x49: {  	[tilespmem:$0x2A10] =	vst v0;
	v0 =	vshra.s32 v1, $0xE  }
0x4a: {  	[tilespmem:$0x2E10] =	vst v0  }
0x4b: {  	[tilespmem:s26], [sflag:$0x6] =	stream.indirect.gather [hbm4b:s4+s14], $0x80, s25, s14, $0xb8;
	[tilespmem:$0x1EF80] =	vst v63  }
0x4c: {  	v0 =	vld [tilespmem:$0xC0];
	_ =	sdelay $0x1  }
0x4d: {  	v1 =	vld [tilespmem:$0xD0];
	_ =	sdelay $0x2  }
0x4e: {  	v2 =	vand.u32 $0x3FFF, v0  }
0x4f: {  	v0 =	vshra.s32 v0, $0xE;
	[tilespmem:$0x2A80] =	vst v2  }
0x50: {  	[tilespmem:$0x2E80] =	vst v0;
	v0 =	vand.u32 $0x3FFF, v1  }
0x51: {  	[tilespmem:$0x2A90] =	vst v0;
	v0 =	vshra.s32 v1, $0xE  }
0x52: {  	[tilespmem:$0x2E90] =	vst v0  }
0x53: {  	[tilespmem:s29], [sflag:$0x7] =	stream.indirect.gather [hbm4b:s4+s14], $0x80, s28, s14, $0xb8;
	[tilespmem:$0x1EF80] =	vst v63  }
0x54: {  	v0 =	vld [tilespmem:$0xE0];
	_ =	sdelay $0x1  }
0x55: {  	v1 =	vld [tilespmem:$0xF0];
	_ =	sdelay $0x2  }
0x56: {  	v2 =	vand.u32 $0x3FFF, v0  }
0x57: {  	v0 =	vshra.s32 v0, $0xE;
	[tilespmem:$0x2B00] =	vst v2  }
0x58: {  	[tilespmem:$0x2F00] =	vst v0;
	v0 =	vand.u32 $0x3FFF, v1  }
0x59: {  	s22 =	sand.u32 $0x7, s3;
	[tilespmem:$0x2B10] =	vst v0;
	v0 =	vshra.s32 v1, $0xE  }
0x5a: {  	s2 =	sadd.s32 $0x1, s22;
	[tilespmem:$0x2F10] =	vst v0  }
0x5b: {  	[tilespmem:s31], [sflag:$0x8] =	stream.indirect.gather [hbm4b:s4+s14], $0x80, s30, s14, $0xb8;
	[tilespmem:$0x1EF80] =	vst v63  }
0x5c: {  	_ =	swait.ge [sflag:s2], $0x1000  }
0x5d: {  	s12 =	sshll.u32 s22, $0x7;
	s13 =	sshll.u32 s22, $0xC;
	[sflag:s2] =	ssyncset.done $0x0  }
0x5e: {  	s15 =	sadd.s32 $0x2B80, s12;
	s13 =	sadd.s32 $0x2F80, s13;
	[sflag:s2] =	ssyncadd.s32 $0xFFFFF000  }
0x5f: {  	[spmem:s1] =	stream.indirect.scatter.add.f32 [tilespmem:s13], [sflag:$0x9], $0x80, s15, s14, $0xb8;
	[tilespmem:$0x1EF80] =	vst v63  }
0x60: {  	_ =	swait.ge [sflag:s11], $0x1000  }
0x61: {  	[sflag:s11] =	ssyncset.done $0x0  }
0x62: {  	p0 =	por $0x0, $0x0;
	s15 =	simm.s32 $0x110;
	[sflag:s11] =	ssyncadd.s32 $0xFFFFF000  }
0x63: {  	v0 =	vld @!p0 [tilespmem:s15+$0xFFFFFFF0];
	_ =	sdelay $0x4  }
0x64: {  	v1 =	vand.u32 @!p0 $0x3FFF, v0  }
0x65: {  	v0 =	vshra.s32 @!p0 v0, $0xE;
	[tilespmem:s12+$0x2780] =	vst @!p0 v1  }
0x66: {  	[tilespmem:s12+$0x2B80] =	vst @!p0 v0  }
0x67: {  	s16 =	simm.s32 $0x1;
	s17 =	sadd.s32 @!p0 $0x2780, s12;
	v0 =	vld @!p0 [tilespmem:s15+$0x0]  }
.LBB2_2:
0x68: {  	_ =	sdelay $0x2  }
0x69: {  	s15 =	sadd.s32 $0x20, s15;
	s18 =	smov.u32 s16;
	s16 =	sadd.s32 $0x1, s16  }
0x6a: {  	s19 =	sand.u32 $0x7, s18;
	p1 =	sne.s32 s16, $0x139;
	v1 =	vand.u32 @!p0 $0x3FFF, v0;
	v0 =	vshra.s32 @!p0 v0, $0xE  }
0x6b: {  	s22 =	simm.s32 @!p0 $0x20;
	s20 =	sshll.u32 s19, $0xC;
	s21 =	sadd.s32 $0x1, s19;
	[tilespmem:s12+$0x2790] =	vst @!p0 v1  }
0x6c: {  	[tilespmem:s12+$0x2B90] =	vst @!p0 v0  }
0x6d: {  	[tilespmem:s13], [sflag:s2] =	stream.indirect.gather @!p0 [hbm4b:s4+s22], $0x80, s17, s22, $0xb8;
	[tilespmem:$0x1EF80] =	vst v63  }
0x6e: {  	s2 =	smov.u32 s21;
	_ =	swait.ge [sflag:s21], $0x1000  }
0x6f: {  	s12 =	sshll.u32 s19, $0x7;
	[sflag:s2] =	ssyncset.done $0x0  }
0x70: {  	s13 =	sadd.s32 $0x2F80, s20;
	s17 =	sadd.s32 $0x2B80, s12;
	[sflag:s2] =	ssyncadd.s32 $0xFFFFF000  }
0x71: {  	[spmem:s1] =	stream.indirect.scatter.add.f32 [tilespmem:s13], [sflag:$0x9], $0x80, s17, s14, $0xb8;
	[tilespmem:$0x1EF80] =	vst v63  }
0x72: {  	_ =	swait.ge [sflag:s11], $0x1000  }
0x73: {  	[sflag:s11] =	ssyncset.done $0x0  }
0x74: {  	p0 =	sgt.u32 s18, $0x130;
	[sflag:s11] =	ssyncadd.s32 $0xFFFFF000  }
0x75: {  	s17 =	sadd.s32 @!p0 $0x2780, s12;
	v0 =	vld @!p0 [tilespmem:s15+$0xFFFFFFF0];
	_ =	sdelay $0x3  }
.Ltmp0:
0x76: {  	(pc) =	sbr.rel @p1 .LBB2_2-.Ltmp0, $4  }
0x77: {  	v1 =	vand.u32 @!p0 $0x3FFF, v0;
	v0 =	vshra.s32 @!p0 v0, $0xE  }
0x78: {  	[tilespmem:s12+$0x2780] =	vst @!p0 v1  }
0x79: {  	[tilespmem:s12+$0x2B80] =	vst @!p0 v0  }
0x7a: {  	v0 =	vld @!p0 [tilespmem:s15+$0x0]  }
0x7b: {  	_ =	sdelay $0x3  }
0x7c: {  	v1 =	vand.u32 @!p0 $0x3FFF, v0  }
0x7d: {  	v0 =	vshra.s32 @!p0 v0, $0xE;
	[tilespmem:s12+$0x2790] =	vst @!p0 v1  }
0x7e: {  	s15 =	simm.s32 @!p0 $0x20;
	s0 =	sadd.s32 $0x1, s0;
	[tilespmem:s12+$0x2B90] =	vst @!p0 v0  }
0x7f: {  	[tilespmem:s13], [sflag:s2] =	stream.indirect.gather @!p0 [hbm4b:s4+s15], $0x80, s17, s15, $0xb8;
	[tilespmem:$0x1EF80] =	vst v63  }
0x80: {  	p0 =	sne.s32 s0, s9  }
.Ltmp1:
0x81: {  	[bflag:$0x0] =	sbarrier.arrive $0xFFFF;
	(pc) =	sbr.rel @p0 .LBB2_1-.Ltmp1, $4  }
0x82: {  	[hbm:s8], [sflag:s6] =	dma.local [spmem:s10], $0x2800  }
0x83: {  	_ =	swait.ge [sflag:s11], $0x2800  }
0x84: {  	[sflag:s11] =	ssyncset.done $0x0  }
0x85: {  	[sflag:s11] =	ssyncadd.s32 $0xFFFFD800  }
0x86: {  	_ =	sfence.sel $0x180000  }
0x87: {  	[bflag:$0x0] =	sbarrier.arrive $0xFFFF  }
0x88: {  	_ =	strace $0x9000004A  }
0x89: {  	s0 =	stileid.u32;
	[bflag:$0x2] =	sbarrier.arrive $0xFFFF  }
0x8a: {  	p0 =	sne.s32 s0, $0x0;
	s0 =	rddreg [dreg:$0x3]  }
0x8b: {  	s0 =	sadd.s32 @!p0 $0x100000, s0  }
0x8c: {  	[sflag:s0] =	ssyncadd.tile.s32 @!p0 $0x1;
	_ =	shalt  }
.Lfunc_end2:
_tile_overlayer_lowered:
.L_overlay_start_2:
0x8d: {  	(tag) =	ssettag $0x2  }
0x8e: {  	s0 =	rddreg [dreg:$0x0];
	s2 =	stileid.u32  }
0x8f: {  	s1 =	rddreg [dreg:$0x1];
	p0 =	sne.s32 s2, $0x0  }
0x90: {  	s3 =	rddreg [dreg:$0x2];
	[bflag:$0x3] =	sbarrier.arrive $0xFFFF;
	s2 =	simm.s32 @!p0 $0x1C09  }
0x91: {  	[timem:s3], [sflag:s2] =	dma.local @!p0 [hbm:s0], s1  }
0x92: {  	s0 =	simm.s32 @!p0 $0x9  }
0x93: {  	_ =	swait.ge @!p0 [sflag:s0], s1  }
0x94: {  	s1 =	ssub.s32 @!p0 $0x0, s1;
	[sflag:s0] =	ssyncset.done @!p0 $0x0  }
0x95: {  	[sflag:s0] =	ssyncadd.s32 @!p0 s1  }
0x96: {  	[bflag:$0x3] =	sbarrier.arrive $0xFFFF  }
0x97: {  	_ =	shalt  }

// kernel: kernel.15.cloned.1.call-start
scs
__scs_entry_jumppad:
0x0: {  	(pc) =	sbr.rel $0x88, $3  }
0x1: {  	(tag) =	ssettag $0x0;
	lr =	simm.s32 $0x1  }
0x2: {  	[smem:$0x3F9B] =	sst lr;
	_ =	strace $0xD0000000  }
0x3: {  	_ = 	snop  }
0x4: {  	_ = 	snop  }
0x5: {  	_ = 	snop  }
0x6: {  	_ = 	snop  }
0x7: {  	_ = 	snop  }
__scs_overlays_trampoline_lowered:
0x8: {  	[smem:$0x3FAA] =	sst s0  }
0x9: {  	[smem:$0x3FAB] =	sst s1  }
0xa: {  	[smem:$0x3FAC] =	sst s2  }
0xb: {  	[smem:$0x3FAD] =	sst s3  }
0xc: {  	[smem:$0x3FAE] =	sst s4  }
0xd: {  	[smem:$0x3FAF] =	sst s5  }
0xe: {  	[smem:$0x3FB0] =	sst s6  }
0xf: {  	[smem:$0x3FB1] =	sst s7  }
0x10: {  	[smem:$0x3FB2] =	sst s8  }
0x11: {  	[smem:$0x3FB3] =	sst s9;
	s0 =	simm.s32 @!p0 $0x0  }
0x12: {  	s1 =	sld [smem:$0x3F99];
	s0 =	simm.s32 @p0 $0x1  }
0x13: {  	[smem:$0x3FB4] =	sst s0;
	s0 =	simm.s32 @!p1 $0x0  }
0x14: {  	s2 =	sld [smem:$0x3F98];
	s0 =	simm.s32 @p1 $0x1  }
0x15: {  	[smem:$0x3FB5] =	sst s0;
	s0 =	simm.s32 @!p2 $0x0  }
0x16: {  	s3 =	sld [smem:$0x3FDB];
	s0 =	simm.s32 @p2 $0x1  }
0x17: {  	s4 =	simm.s32 $0x1BF5;
	[smem:$0x3FB7] =	sst s0  }
0x18: {  	s0 =	sld [smem:$0x3F9A];
	_ =	swait.ge [sflag:s4], $0x0  }
0x19: {  	s7 =	sld [smem:$0x3F9B]  }
0x1a: {  	s8 =	sadd.s32 $0xFFFFE003, lr  }
0x1b: {  	s9 =	sadd.s32 $0xFFFFFEF7, lr;
	s5 =	simm.s32 $0xFFFFFFFF;
	p2 =	slt.u32 s8, $0xFFFFF086  }
0x1c: {  	p1 =	slt.u32 s9, $0xF7A;
	s5 =	simm.s32 @!p2 $0x0  }
0x1d: {  	s5 =	simm.s32 @p1 $0x1;
	p0 =	seq.s32 s7, s2  }
0x1e: {  	s7 =	smul.u32 @!p0 $0xF7A, s2;
	p2 =	seq.s32 @!p0 s5, $0x0  }
0x1f: {  	s9 =	smul.u32 $0xF7A, s1;
	s8 =	simm.s32 @!p0 $0x1BF5;
	p2 =	por !p2, p0  }
0x20: {  	[sflag:s8] =	ssyncset.s32 @!p0 $0xFFFFF086;
	s6 =	sadd.s32 @!p0 s3, s7;
	s7 =	simm.s32 @!p0 $0x108  }
0x21: {  	s3 =	sadd.s32 s3, s9;
	s6 =	sadd.s32 @!p0 $0x88, s6;
	s7 =	simm.s32 @p2 $0x1082  }
0x22: {  	[simem:s7], [sflag:s8] =	dma.local @!p0 [hbm:s6], $0xF7A  }
0x23: {  	s9 =	sor.u32 $0xD0000000, s2;
	s6 =	simm.s32 $0x108;
	_ =	swait.ge @!p0 [sflag:s8], $0x0  }
0x24: {  	s3 =	sadd.s32 $0x88, s3;
	s6 =	simm.s32 @!p1 $0x1082;
	[sflag:s4] =	ssyncset.s32 $0xFFFFF086  }
0x25: {  	[simem:s6], [sflag:s4] =	dma.local [hbm:s3], $0xF7A  }
0x26: {  	[smem:$0x3F9B] =	sst s1;
	(tag) =	ssettag s2;
	_ =	strace s9  }
0x27: {  	s1 =	sld [smem:$0x3FAB]  }
0x28: {  	s2 =	sld [smem:$0x3FAC]  }
0x29: {  	s4 =	sld [smem:$0x3FAE]  }
0x2a: {  	p0 =	seq.s32 s5, $0x0;
	s5 =	sld [smem:$0x3FAF]  }
0x2b: {  	s6 =	sld [smem:$0x3FB0]  }
0x2c: {  	s7 =	sld [smem:$0x3FB1]  }
0x2d: {  	s3 =	simm.s32 $0x108;
	s8 =	sld [smem:$0x3FB2]  }
0x2e: {  	s3 =	simm.s32 @!p0 $0x1082;
	s9 =	sld [smem:$0x3FB3]  }
0x2f: {  	lr =	sadd.s32 s0, s3;
	s0 =	sld [smem:$0x3FAA]  }
0x30: {  	s3 =	sld [smem:$0x3FAD]  }
0x31: {  	[smem:$0x3FB6] =	sst s10  }
0x32: {  	s10 =	sld [smem:$0x3FB4];
	_ =	sdelay $0x3  }
0x33: {  	p0 =	seq.s32 s10, $0x1;
	s10 =	sld [smem:$0x3FB6];
	_ =	sdelay $0x3  }
0x34: {  	[smem:$0x3FB6] =	sst s10  }
0x35: {  	s10 =	sld [smem:$0x3FB5];
	_ =	sdelay $0x3  }
0x36: {  	p1 =	seq.s32 s10, $0x1;
	s10 =	sld [smem:$0x3FB6];
	_ =	sdelay $0x3  }
0x37: {  	[smem:$0x3FB6] =	sst s10  }
0x38: {  	s10 =	sld [smem:$0x3FB7]  }
0x39: {  	_ = 	snop;
	(pc) =	sbr.ind lr, $3  }
0x3a: {  	_ = 	snop  }
0x3b: {  	_ = 	snop  }
0x3c: {  	p2 =	seq.s32 s10, $0x1;
	s10 =	sld [smem:$0x3FB6]  }
0x3d: {  	_ =	shalt  }
0x3e: {  	_ =	shalt  }
0x3f: {  	_ =	shalt  }
0x40: {  	_ =	shalt  }
0x41: {  	_ =	shalt  }
0x42: {  	_ =	shalt  }
0x43: {  	_ =	shalt  }
0x44: {  	_ =	shalt  }
0x45: {  	_ =	shalt  }
0x46: {  	_ =	shalt  }
0x47: {  	_ =	shalt  }
0x48: {  	_ =	shalt  }
0x49: {  	_ =	shalt  }
0x4a: {  	_ =	shalt  }
0x4b: {  	_ =	shalt  }
0x4c: {  	_ =	shalt  }
0x4d: {  	_ =	shalt  }
0x4e: {  	_ =	shalt  }
0x4f: {  	_ =	shalt  }
0x50: {  	_ =	shalt  }
0x51: {  	_ =	shalt  }
0x52: {  	_ =	shalt  }
0x53: {  	_ =	shalt  }
0x54: {  	_ =	shalt  }
0x55: {  	_ =	shalt  }
0x56: {  	_ =	shalt  }
0x57: {  	_ =	shalt  }
0x58: {  	_ =	shalt  }
0x59: {  	_ =	shalt  }
0x5a: {  	_ =	shalt  }
0x5b: {  	_ =	shalt  }
0x5c: {  	_ =	shalt  }
0x5d: {  	_ =	shalt  }
0x5e: {  	_ =	shalt  }
0x5f: {  	_ =	shalt  }
0x60: {  	_ =	shalt  }
0x61: {  	_ =	shalt  }
0x62: {  	_ =	shalt  }
0x63: {  	_ =	shalt  }
0x64: {  	_ =	shalt  }
0x65: {  	_ =	shalt  }
0x66: {  	_ =	shalt  }
0x67: {  	_ =	shalt  }
0x68: {  	_ =	shalt  }
0x69: {  	_ =	shalt  }
0x6a: {  	_ =	shalt  }
0x6b: {  	_ =	shalt  }
0x6c: {  	_ =	shalt  }
0x6d: {  	_ =	shalt  }
0x6e: {  	_ =	shalt  }
0x6f: {  	_ =	shalt  }
0x70: {  	_ =	shalt  }
0x71: {  	_ =	shalt  }
0x72: {  	_ =	shalt  }
0x73: {  	_ =	shalt  }
0x74: {  	_ =	shalt  }
0x75: {  	_ =	shalt  }
0x76: {  	_ =	shalt  }
0x77: {  	_ =	shalt  }
0x78: {  	_ =	shalt  }
0x79: {  	_ =	shalt  }
0x7a: {  	_ =	shalt  }
0x7b: {  	_ =	shalt  }
0x7c: {  	_ =	shalt  }
0x7d: {  	_ =	shalt  }
0x7e: {  	_ =	shalt  }
0x7f: {  	_ =	shalt  }
0x80: {  	_ =	shalt  }
0x81: {  	_ =	shalt  }
0x82: {  	_ =	shalt  }
0x83: {  	_ =	shalt  }
0x84: {  	_ =	shalt  }
0x85: {  	_ =	shalt  }
0x86: {  	_ =	shalt  }
0x87: {  	_ =	shalt  }
.Lfunc_end0:
.L_simem_size_0:
called_computation.2_lowered:
.L_overlay_start_0:
0x88: {  	s2 =	sld [smem:$0x3FD9]  }
0x89: {  	s3 =	sld [smem:$0x3FFE];
	_ =	sdelay $0x1  }
0x8a: {  	s1 =	srdreg.scid  }
0x8b: {  	s0 =	sand.u32 $0x1, s1  }
0x8c: {  	s17 =	sshll.u32 s0, $0xA;
	s2 =	sadd.s32 s3, s2  }
0x8d: {  	s2 =	sadd.s32 s2, s17  }
0x8e: {  	[smem:$0x3FC2] =	sst s2  }
0x8f: {  	_ = 	snop  }
0x90: {  	s2 =	sld [smem:$0x3FD0];
	(tm) =	ssettm $0x1  }
0x91: {  	s18 =	sld [smem:$0x3FFB];
	_ =	sdelay $0x3  }
0x92: {  	_ =	strace s18  }
0x93: {  	s3 =	sld [smem:$0x3FFC];
	_ =	sdelay $0x3  }
0x94: {  	_ =	strace s3  }
0x95: {  	s3 =	sld [smem:$0x3FFD];
	_ =	sdelay $0x3  }
0x96: {  	_ =	strace s3  }
0x97: {  	_ =	strace $0x8FFFFFFF  }
0x98: {  	s19 =	sld [smem:$0x3FDB];
	_ =	sdelay $0x1  }
0x99: {  	s4 =	simm.s32 $_scs_section_size  }
0x9a: {  	s5 =	simm.s32 $_size__tile_overlayer_lowered;
	s6 =	simm.s32 $_tile_overlayer_lowered  }
0x9b: {  	s22 =	simm.s32 $0x1BFF;
	s21 =	sshll.u32 s6, $0x1;
	s3 =	sadd.s32 s4, s19  }
0x9c: {  	s7 =	simm.s32 $0x0;
	s20 =	sshll.u32 s5, $0x1;
	s5 =	sadd.s32 s21, s3  }
0x9d: {  	[timem:s7], [sflag:s22] =	dma.local [hbm:s5], s20  }
0x9e: {  	_ =	swait.ge [sflag:s22], s20  }
0x9f: {  	s4 =	ssub.s32 $0x0, s20;
	[sflag:s22] =	ssyncset.done $0x0  }
0xa0: {  	[sflag:s22] =	ssyncadd.s32 s4;
	_ =	sdelay $0x1  }
0xa1: {  	s23 =	simm.s32 $0x1B8B  }
0xa2: {  	_ =	swait.ge [sflag:s23], $0x1  }
0xa3: {  	[sflag:s23] =	ssyncset.done $0x0  }
0xa4: {  	s25 =	simm.s32 $0x1B8E;
	s24 =	sld [smem:$0x3FFE];
	[sflag:s23] =	ssyncadd.s32 $0xFFFFFFFF  }
0xa5: {  	s26 =	simm.s32 $execute0_lowered;
	[smem:$0x3FD2] =	sst s25  }
0xa6: {  	s5 =	sshll.u32 s26, $0x1;
	_ =	strace $0x8000004C;
	[dreg:$0x1] =	wrdreg $0xFFFFFFFF  }
0xa7: {  	s28 =	simm.s32 $_size_execute0_lowered;
	s3 =	sadd.s32 s3, s5;
	[dreg:$0x0] =	wrdreg $0x0  }
0xa8: {  	s5 =	sshll.u32 s28, $0x1;
	[dreg:$0x2] =	wrdreg s3  }
0xa9: {  	[dreg:$0x3] =	wrdreg s5  }
0xaa: {  	[dreg:$0x4] =	wrdreg $0xC0  }
0xab: {  	_ =	task [dreg:s7], $0x5FFFF  }
0xac: {  	[dreg:$0x1] =	wrdreg $0xFFFFFFFF  }
0xad: {  	[dreg:$0x0] =	wrdreg $0x60  }
0xae: {  	[dreg:$0x2] =	wrdreg s2  }
0xaf: {  	[dreg:$0x3] =	wrdreg s24  }
0xb0: {  	[dreg:$0x4] =	wrdreg $0xAF800  }
0xb1: {  	[dreg:$0x5] =	wrdreg $0x9  }
0xb2: {  	_ =	task.clear_ibuf [dreg:s7], $0x6FFFF;
	_ =	strace $0x9000004C  }
0xb3: {  	s29 =	simm.s32 $0x9;
	_ =	strace $0x8000004E  }
0xb4: {  	_ =	swait.ge [sflag:s29], $0x1  }
0xb5: {  	[sflag:s29] =	ssyncadd.s32 $0xFFFFFFFF  }
0xb6: {  	_ =	strace $0x9000004E  }
0xb7: {  	_ =	sfence  }
0xb8: {  	s30 =	sld [smem:$0x0];
	_ =	sdelay $0x2  }
0xb9: {  	s31 =	sshll.u32 s1, $0xD;
	s1 =	sshrl.u32 s1, $0x2  }
0xba: {  	s3 =	sand.u32 $0x4000, s31;
	s1 =	sadd.s32 s1, s30  }
0xbb: {  	s0 =	sor.u32 s3, s0;
	s1 =	sshll.u32 s1, $0x11  }
0xbc: {  	s0 =	sor.u32 s1, s0  }
0xbd: {  	s0 =	sadd.s32 $0x8F2B, s0  }
0xbe: {  	[sflag:s0] =	ssyncadd.remote.s32 $0x1  }
0xbf: {  	_ =	sfence.sel $0xFFFF  }
0xc0: {  	[dreg:$0x0] =	wrdreg $0xFFFFFFFF;
	(pc) =	sbr.abs _section_cstart, $3  }
0xc1: {  	[dreg:$0x1] =	wrdreg $0xFFFFFFFF  }
0xc2: {  	_ =	task.clear_ibuf [dreg:s7], $0x2FFFF;
	_ =	strace $0x9FFFFFFF  }
0xc3: {  	(tm) =	ssettm $0x7FFFFFFF  }
tec
execute0_lowered:
.L_overlay_start_1:
0x0: {  	(tag) =	ssettag $0x1  }
0x1: {  	s0 =	rddreg [dreg:$0x0]  }
0x2: {  	s2 =	rddreg [dreg:$0x1]  }
0x3: {  	s1 =	rddreg [dreg:$0x2]  }
0x4: {  	s3 =	srdreg.scid;
	s12 =	stileid.u32  }
0x5: {  	s14 =	simm.s32 $0x20;
	s23 =	simm.s32 $0x2980;
	s28 =	simm.s32 $0x2A80  }
0x6: {  	s29 =	simm.s32 $0x8F80;
	s30 =	simm.s32 $0x2B00;
	s31 =	simm.s32 $0x9F80  }
0x7: {  	s6 =	sand.u32 $0x1, s3;
	s3 =	simm.s32 $0x0;
	s7 =	smul.u32 $0x14000, s12  }
0x8: {  	s4 =	sadd.s32 $0x2400, s2;
	s9 =	sshll.u32 s12, $0x7;
	s11 =	smul.u32 $0x50000, s12  }
0x9: {  	s26 =	sshll.u32 s12, $0x6;
	s5 =	smul.u32 $0x140000, s6;
	[smem:$0x7FF] =	sst s3  }
0xa: {  	s8 =	sshll.u32 s6, $0x4;
	s6 =	ssub.s32 $0x2, s6;
	s9 =	sand.u32 $0x380, s9  }
0xb: {  	_ =	strace $0x8000004D;
	s8 =	sor.u32 s12, s8;
	s10 =	sshrl.u32 s6, $0x1  }
0xc: {  	s25 =	sshrl.u32 s11, $0x2;
	s7 =	sadd.s32 s7, s5;
	s8 =	sshrl.u32 s8, $0x3  }
0xd: {  	s5 =	sadd.s32 $0x2A400, s2;
	s10 =	ssub.s32 s6, s10;
	s8 =	smul.u32 $0x13C00, s8  }
0xe: {  	s11 =	sadd.s32 s25, s1;
	s6 =	sor.u32 $0x1C09, s26;
	s7 =	sshrl.u32 s7, $0x3  }
0xf: {  	s25 =	simm.s32 $0x2A00;
	s2 =	sadd.s32 s7, s2;
	s24 =	sor.u32 s9, s8  }
0x10: {  	s26 =	simm.s32 $0x7F80;
	s8 =	sadd.s32 $0x2CC00, s2;
	s9 =	sshrl.u32 s24, $0x3  }
0x11: {  	s24 =	simm.s32 $0x6F80;
	s7 =	sadd.s32 s0, s9;
	s9 =	smax.u32 s10, $0x1  }
0x12: {  	s10 =	sshrl.u32 s11, $0x3;
	s11 =	simm.s32 $0x9;
	s0 =	simm.s32 $0x0  }
.LBB2_1:
0x13: {  	[spmem:s10], [sflag:s6] =	dma.local [hbm:s5], $0x2800  }
0x14: {  	_ =	swait.ge [sflag:s11], $0x2800  }
0x15: {  	[sflag:s11] =	ssyncset.done $0x0  }
0x16: {  	s2 =	simm.s32 $0x80;
	s12 =	simm.s32 $0x400;
	[sflag:s11] =	ssyncadd.s32 $0xFFFFD800  }
0x17: {  	[tilespmem:s3], [sflag:$0x9] =	stream.strided.gather [hbm4b:s7+s2], $0x2780, s12, s2, $0x38;
	[tilespmem:$0x1EF80] =	vst v63  }
0x18: {  	_ =	swait.ge [sflag:s11], $0x2780  }
0x19: {  	[sflag:s11] =	ssyncset.done $0x0  }
0x1a: {  	[sflag:s11] =	ssyncadd.s32 $0xFFFFD880  }
0x1b: {  	[bflag:$0x0] =	sbarrier.arrive $0xFFFF  }
0x1c: {  	v0 =	vld [tilespmem:$0x0];
	_ =	sdelay $0x1  }
0x1d: {  	v1 =	vld [tilespmem:$0x10];
	_ =	sdelay $0x2  }
0x1e: {  	v2 =	vand.u32 $0x3FFF, v0  }
0x1f: {  	v0 =	vshra.s32 v0, $0xE;
	[tilespmem:$0x2780] =	vst v2  }
0x20: {  	[tilespmem:$0x2B80] =	vst v0;
	v0 =	vand.u32 $0x3FFF, v1  }
0x21: {  	[tilespmem:$0x2790] =	vst v0;
	v0 =	vshra.s32 v1, $0xE  }
0x22: {  	s13 =	simm.s32 $0x2780;
	s15 =	simm.s32 $0x2F80;
	[tilespmem:$0x2B90] =	vst v0  }
0x23: {  	[tilespmem:s15], [sflag:$0x1] =	stream.indirect.gather [hbm4b:s4+s14], $0x80, s13, s14, $0xb8;
	[tilespmem:$0x1EF80] =	vst v63  }
0x24: {  	v0 =	vld [tilespmem:$0x20];
	_ =	sdelay $0x1  }
0x25: {  	v1 =	vld [tilespmem:$0x30];
	_ =	sdelay $0x2  }
0x26: {  	v2 =	vand.u32 $0x3FFF, v0  }
0x27: {  	v0 =	vshra.s32 v0, $0xE;
	[tilespmem:$0x2800] =	vst v2  }
0x28: {  	[tilespmem:$0x2C00] =	vst v0;
	v0 =	vand.u32 $0x3FFF, v1  }
0x29: {  	[tilespmem:$0x2810] =	vst v0;
	v0 =	vshra.s32 v1, $0xE  }
0x2a: {  	s16 =	simm.s32 $0x2800;
	s17 =	simm.s32 $0x3F80;
	[tilespmem:$0x2C10] =	vst v0  }
0x2b: {  	[tilespmem:s17], [sflag:$0x2] =	stream.indirect.gather [hbm4b:s4+s14], $0x80, s16, s14, $0xb8;
	[tilespmem:$0x1EF80] =	vst v63  }
0x2c: {  	v0 =	vld [tilespmem:$0x40];
	_ =	sdelay $0x1  }
0x2d: {  	v1 =	vld [tilespmem:$0x50];
	_ =	sdelay $0x2  }
0x2e: {  	v2 =	vand.u32 $0x3FFF, v0  }
0x2f: {  	v0 =	vshra.s32 v0, $0xE;
	[tilespmem:$0x2880] =	vst v2  }
0x30: {  	[tilespmem:$0x2C80] =	vst v0;
	v0 =	vand.u32 $0x3FFF, v1  }
0x31: {  	[tilespmem:$0x2890] =	vst v0;
	v0 =	vshra.s32 v1, $0xE  }
0x32: {  	s18 =	simm.s32 $0x2880;
	s19 =	simm.s32 $0x4F80;
	[tilespmem:$0x2C90] =	vst v0  }
0x33: {  	[tilespmem:s19], [sflag:$0x3] =	stream.indirect.gather [hbm4b:s4+s14], $0x80, s18, s14, $0xb8;
	[tilespmem:$0x1EF80] =	vst v63  }
0x34: {  	v0 =	vld [tilespmem:$0x60];
	_ =	sdelay $0x1  }
0x35: {  	v1 =	vld [tilespmem:$0x70];
	_ =	sdelay $0x2  }
0x36: {  	v2 =	vand.u32 $0x3FFF, v0  }
0x37: {  	v0 =	vshra.s32 v0, $0xE;
	[tilespmem:$0x2900] =	vst v2  }
0x38: {  	[tilespmem:$0x2D00] =	vst v0;
	v0 =	vand.u32 $0x3FFF, v1  }
0x39: {  	[tilespmem:$0x2910] =	vst v0;
	v0 =	vshra.s32 v1, $0xE  }
0x3a: {  	s20 =	simm.s32 $0x2900;
	s21 =	simm.s32 $0x5F80;
	[tilespmem:$0x2D10] =	vst v0  }
0x3b: {  	[tilespmem:s21], [sflag:$0x4] =	stream.indirect.gather [hbm4b:s4+s14], $0x80, s20, s14, $0xb8;
	[tilespmem:$0x1EF80] =	vst v63  }
0x3c: {  	v0 =	vld [tilespmem:$0x80];
	_ =	sdelay $0x1  }
0x3d: {  	v1 =	vld [tilespmem:$0x90];
	_ =	sdelay $0x2  }
0x3e: {  	v2 =	vand.u32 $0x3FFF, v0  }
0x3f: {  	v0 =	vshra.s32 v0, $0xE;
	[tilespmem:$0x2980] =	vst v2  }
0x40: {  	[tilespmem:$0x2D80] =	vst v0;
	v0 =	vand.u32 $0x3FFF, v1  }
0x41: {  	[tilespmem:$0x2990] =	vst v0;
	v0 =	vshra.s32 v1, $0xE  }
0x42: {  	[tilespmem:$0x2D90] =	vst v0  }
0x43: {  	[tilespmem:s24], [sflag:$0x5] =	stream.indirect.gather [hbm4b:s4+s14], $0x80, s23, s14, $0xb8;
	[tilespmem:$0x1EF80] =	vst v63  }
0x44: {  	v0 =	vld [tilespmem:$0xA0];
	_ =	sdelay $0x1  }
0x45: {  	v1 =	vld [tilespmem:$0xB0];
	_ =	sdelay $0x2  }
0x46: {  	v2 =	vand.u32 $0x3FFF, v0  }
0x47: {  	v0 =	vshra.s32 v0, $0xE;
	[tilespmem:$0x2A00] =	vst v2  }
0x48: {  	[tilespmem:$0x2E00] =	vst v0;
	v0 =	vand.u32 $0x3FFF, v1  }
0x49: {  	[tilespmem:$0x2A10] =	vst v0;
	v0 =	vshra.s32 v1, $0xE  }
0x4a: {  	[tilespmem:$0x2E10] =	vst v0  }
0x4b: {  	[tilespmem:s26], [sflag:$0x6] =	stream.indirect.gather [hbm4b:s4+s14], $0x80, s25, s14, $0xb8;
	[tilespmem:$0x1EF80] =	vst v63  }
0x4c: {  	v0 =	vld [tilespmem:$0xC0];
	_ =	sdelay $0x1  }
0x4d: {  	v1 =	vld [tilespmem:$0xD0];
	_ =	sdelay $0x2  }
0x4e: {  	v2 =	vand.u32 $0x3FFF, v0  }
0x4f: {  	v0 =	vshra.s32 v0, $0xE;
	[tilespmem:$0x2A80] =	vst v2  }
0x50: {  	[tilespmem:$0x2E80] =	vst v0;
	v0 =	vand.u32 $0x3FFF, v1  }
0x51: {  	[tilespmem:$0x2A90] =	vst v0;
	v0 =	vshra.s32 v1, $0xE  }
0x52: {  	[tilespmem:$0x2E90] =	vst v0  }
0x53: {  	[tilespmem:s29], [sflag:$0x7] =	stream.indirect.gather [hbm4b:s4+s14], $0x80, s28, s14, $0xb8;
	[tilespmem:$0x1EF80] =	vst v63  }
0x54: {  	v0 =	vld [tilespmem:$0xE0];
	_ =	sdelay $0x1  }
0x55: {  	v1 =	vld [tilespmem:$0xF0];
	_ =	sdelay $0x2  }
0x56: {  	v2 =	vand.u32 $0x3FFF, v0  }
0x57: {  	v0 =	vshra.s32 v0, $0xE;
	[tilespmem:$0x2B00] =	vst v2  }
0x58: {  	[tilespmem:$0x2F00] =	vst v0;
	v0 =	vand.u32 $0x3FFF, v1  }
0x59: {  	s22 =	sand.u32 $0x7, s3;
	[tilespmem:$0x2B10] =	vst v0;
	v0 =	vshra.s32 v1, $0xE  }
0x5a: {  	s2 =	sadd.s32 $0x1, s22;
	[tilespmem:$0x2F10] =	vst v0  }
0x5b: {  	[tilespmem:s31], [sflag:$0x8] =	stream.indirect.gather [hbm4b:s4+s14], $0x80, s30, s14, $0xb8;
	[tilespmem:$0x1EF80] =	vst v63  }
0x5c: {  	_ =	swait.ge [sflag:s2], $0x1000  }
0x5d: {  	s12 =	sshll.u32 s22, $0x7;
	s13 =	sshll.u32 s22, $0xC;
	[sflag:s2] =	ssyncset.done $0x0  }
0x5e: {  	s15 =	sadd.s32 $0x2B80, s12;
	s13 =	sadd.s32 $0x2F80, s13;
	[sflag:s2] =	ssyncadd.s32 $0xFFFFF000  }
0x5f: {  	[spmem:s1] =	stream.indirect.scatter.add.f32 [tilespmem:s13], [sflag:$0x9], $0x80, s15, s14, $0xb8;
	[tilespmem:$0x1EF80] =	vst v63  }
0x60: {  	_ =	swait.ge [sflag:s11], $0x1000  }
0x61: {  	[sflag:s11] =	ssyncset.done $0x0  }
0x62: {  	p0 =	por $0x0, $0x0;
	s15 =	simm.s32 $0x110;
	[sflag:s11] =	ssyncadd.s32 $0xFFFFF000  }
0x63: {  	v0 =	vld @!p0 [tilespmem:s15+$0xFFFFFFF0];
	_ =	sdelay $0x4  }
0x64: {  	v1 =	vand.u32 @!p0 $0x3FFF, v0  }
0x65: {  	v0 =	vshra.s32 @!p0 v0, $0xE;
	[tilespmem:s12+$0x2780] =	vst @!p0 v1  }
0x66: {  	[tilespmem:s12+$0x2B80] =	vst @!p0 v0  }
0x67: {  	s16 =	simm.s32 $0x1;
	s17 =	sadd.s32 @!p0 $0x2780, s12;
	v0 =	vld @!p0 [tilespmem:s15+$0x0]  }
.LBB2_2:
0x68: {  	_ =	sdelay $0x2  }
0x69: {  	s15 =	sadd.s32 $0x20, s15;
	s18 =	smov.u32 s16;
	s16 =	sadd.s32 $0x1, s16  }
0x6a: {  	s19 =	sand.u32 $0x7, s18;
	p1 =	sne.s32 s16, $0x139;
	v1 =	vand.u32 @!p0 $0x3FFF, v0;
	v0 =	vshra.s32 @!p0 v0, $0xE  }
0x6b: {  	s22 =	simm.s32 @!p0 $0x20;
	s20 =	sshll.u32 s19, $0xC;
	s21 =	sadd.s32 $0x1, s19;
	[tilespmem:s12+$0x2790] =	vst @!p0 v1  }
0x6c: {  	[tilespmem:s12+$0x2B90] =	vst @!p0 v0  }
0x6d: {  	[tilespmem:s13], [sflag:s2] =	stream.indirect.gather @!p0 [hbm4b:s4+s22], $0x80, s17, s22, $0xb8;
	[tilespmem:$0x1EF80] =	vst v63  }
0x6e: {  	s2 =	smov.u32 s21;
	_ =	swait.ge [sflag:s21], $0x1000  }
0x6f: {  	s12 =	sshll.u32 s19, $0x7;
	[sflag:s2] =	ssyncset.done $0x0  }
0x70: {  	s13 =	sadd.s32 $0x2F80, s20;
	s17 =	sadd.s32 $0x2B80, s12;
	[sflag:s2] =	ssyncadd.s32 $0xFFFFF000  }
0x71: {  	[spmem:s1] =	stream.indirect.scatter.add.f32 [tilespmem:s13], [sflag:$0x9], $0x80, s17, s14, $0xb8;
	[tilespmem:$0x1EF80] =	vst v63  }
0x72: {  	_ =	swait.ge [sflag:s11], $0x1000  }
0x73: {  	[sflag:s11] =	ssyncset.done $0x0  }
0x74: {  	p0 =	sgt.u32 s18, $0x130;
	[sflag:s11] =	ssyncadd.s32 $0xFFFFF000  }
0x75: {  	s17 =	sadd.s32 @!p0 $0x2780, s12;
	v0 =	vld @!p0 [tilespmem:s15+$0xFFFFFFF0];
	_ =	sdelay $0x3  }
.Ltmp0:
0x76: {  	(pc) =	sbr.rel @p1 .LBB2_2-.Ltmp0, $4  }
0x77: {  	v1 =	vand.u32 @!p0 $0x3FFF, v0;
	v0 =	vshra.s32 @!p0 v0, $0xE  }
0x78: {  	[tilespmem:s12+$0x2780] =	vst @!p0 v1  }
0x79: {  	[tilespmem:s12+$0x2B80] =	vst @!p0 v0  }
0x7a: {  	v0 =	vld @!p0 [tilespmem:s15+$0x0]  }
0x7b: {  	_ =	sdelay $0x3  }
0x7c: {  	v1 =	vand.u32 @!p0 $0x3FFF, v0  }
0x7d: {  	v0 =	vshra.s32 @!p0 v0, $0xE;
	[tilespmem:s12+$0x2790] =	vst @!p0 v1  }
0x7e: {  	s15 =	simm.s32 @!p0 $0x20;
	s0 =	sadd.s32 $0x1, s0;
	[tilespmem:s12+$0x2B90] =	vst @!p0 v0  }
0x7f: {  	[tilespmem:s13], [sflag:s2] =	stream.indirect.gather @!p0 [hbm4b:s4+s15], $0x80, s17, s15, $0xb8;
	[tilespmem:$0x1EF80] =	vst v63  }
0x80: {  	p0 =	sne.s32 s0, s9  }
.Ltmp1:
0x81: {  	[bflag:$0x0] =	sbarrier.arrive $0xFFFF;
	(pc) =	sbr.rel @p0 .LBB2_1-.Ltmp1, $4  }
0x82: {  	[hbm:s8], [sflag:s6] =	dma.local [spmem:s10], $0x2800  }
0x83: {  	_ =	swait.ge [sflag:s11], $0x2800  }
0x84: {  	[sflag:s11] =	ssyncset.done $0x0  }
0x85: {  	[sflag:s11] =	ssyncadd.s32 $0xFFFFD800  }
0x86: {  	_ =	sfence.sel $0x180000  }
0x87: {  	[bflag:$0x0] =	sbarrier.arrive $0xFFFF  }
0x88: {  	_ =	strace $0x9000004D  }
0x89: {  	s0 =	stileid.u32;
	[bflag:$0x2] =	sbarrier.arrive $0xFFFF  }
0x8a: {  	p0 =	sne.s32 s0, $0x0;
	s0 =	rddreg [dreg:$0x3]  }
0x8b: {  	s0 =	sadd.s32 @!p0 $0x100000, s0  }
0x8c: {  	[sflag:s0] =	ssyncadd.tile.s32 @!p0 $0x1;
	_ =	shalt  }
.Lfunc_end2:
_tile_overlayer_lowered:
.L_overlay_start_2:
0x8d: {  	(tag) =	ssettag $0x2  }
0x8e: {  	s0 =	rddreg [dreg:$0x0];
	s2 =	stileid.u32  }
0x8f: {  	s1 =	rddreg [dreg:$0x1];
	p0 =	sne.s32 s2, $0x0  }
0x90: {  	s3 =	rddreg [dreg:$0x2];
	[bflag:$0x3] =	sbarrier.arrive $0xFFFF;
	s2 =	simm.s32 @!p0 $0x1C09  }
0x91: {  	[timem:s3], [sflag:s2] =	dma.local @!p0 [hbm:s0], s1  }
0x92: {  	s0 =	simm.s32 @!p0 $0x9  }
0x93: {  	_ =	swait.ge @!p0 [sflag:s0], s1  }
0x94: {  	s1 =	ssub.s32 @!p0 $0x0, s1;
	[sflag:s0] =	ssyncset.done @!p0 $0x0  }
0x95: {  	[sflag:s0] =	ssyncadd.s32 @!p0 s1  }
0x96: {  	[bflag:$0x3] =	sbarrier.arrive $0xFFFF  }
0x97: {  	_ =	shalt  }

// kernel: kernel.9.cloned.1.call-start
scs
__scs_entry_jumppad:
0x0: {  	(pc) =	sbr.rel $0x88, $3  }
0x1: {  	(tag) =	ssettag $0x0;
	lr =	simm.s32 $0x1  }
0x2: {  	[smem:$0x3F9B] =	sst lr;
	_ =	strace $0xD0000000  }
0x3: {  	_ = 	snop  }
0x4: {  	_ = 	snop  }
0x5: {  	_ = 	snop  }
0x6: {  	_ = 	snop  }
0x7: {  	_ = 	snop  }
__scs_overlays_trampoline_lowered:
0x8: {  	[smem:$0x3FAA] =	sst s0  }
0x9: {  	[smem:$0x3FAB] =	sst s1  }
0xa: {  	[smem:$0x3FAC] =	sst s2  }
0xb: {  	[smem:$0x3FAD] =	sst s3  }
0xc: {  	[smem:$0x3FAE] =	sst s4  }
0xd: {  	[smem:$0x3FAF] =	sst s5  }
0xe: {  	[smem:$0x3FB0] =	sst s6  }
0xf: {  	[smem:$0x3FB1] =	sst s7  }
0x10: {  	[smem:$0x3FB2] =	sst s8  }
0x11: {  	[smem:$0x3FB3] =	sst s9;
	s0 =	simm.s32 @!p0 $0x0  }
0x12: {  	s1 =	sld [smem:$0x3F99];
	s0 =	simm.s32 @p0 $0x1  }
0x13: {  	[smem:$0x3FB4] =	sst s0;
	s0 =	simm.s32 @!p1 $0x0  }
0x14: {  	s2 =	sld [smem:$0x3F98];
	s0 =	simm.s32 @p1 $0x1  }
0x15: {  	[smem:$0x3FB5] =	sst s0;
	s0 =	simm.s32 @!p2 $0x0  }
0x16: {  	s3 =	sld [smem:$0x3FDB];
	s0 =	simm.s32 @p2 $0x1  }
0x17: {  	s4 =	simm.s32 $0x1BF5;
	[smem:$0x3FB7] =	sst s0  }
0x18: {  	s0 =	sld [smem:$0x3F9A];
	_ =	swait.ge [sflag:s4], $0x0  }
0x19: {  	s7 =	sld [smem:$0x3F9B]  }
0x1a: {  	s8 =	sadd.s32 $0xFFFFE003, lr  }
0x1b: {  	s9 =	sadd.s32 $0xFFFFFEF7, lr;
	s5 =	simm.s32 $0xFFFFFFFF;
	p2 =	slt.u32 s8, $0xFFFFF086  }
0x1c: {  	p1 =	slt.u32 s9, $0xF7A;
	s5 =	simm.s32 @!p2 $0x0  }
0x1d: {  	s5 =	simm.s32 @p1 $0x1;
	p0 =	seq.s32 s7, s2  }
0x1e: {  	s7 =	smul.u32 @!p0 $0xF7A, s2;
	p2 =	seq.s32 @!p0 s5, $0x0  }
0x1f: {  	s9 =	smul.u32 $0xF7A, s1;
	s8 =	simm.s32 @!p0 $0x1BF5;
	p2 =	por !p2, p0  }
0x20: {  	[sflag:s8] =	ssyncset.s32 @!p0 $0xFFFFF086;
	s6 =	sadd.s32 @!p0 s3, s7;
	s7 =	simm.s32 @!p0 $0x108  }
0x21: {  	s3 =	sadd.s32 s3, s9;
	s6 =	sadd.s32 @!p0 $0x88, s6;
	s7 =	simm.s32 @p2 $0x1082  }
0x22: {  	[simem:s7], [sflag:s8] =	dma.local @!p0 [hbm:s6], $0xF7A  }
0x23: {  	s9 =	sor.u32 $0xD0000000, s2;
	s6 =	simm.s32 $0x108;
	_ =	swait.ge @!p0 [sflag:s8], $0x0  }
0x24: {  	s3 =	sadd.s32 $0x88, s3;
	s6 =	simm.s32 @!p1 $0x1082;
	[sflag:s4] =	ssyncset.s32 $0xFFFFF086  }
0x25: {  	[simem:s6], [sflag:s4] =	dma.local [hbm:s3], $0xF7A  }
0x26: {  	[smem:$0x3F9B] =	sst s1;
	(tag) =	ssettag s2;
	_ =	strace s9  }
0x27: {  	s1 =	sld [smem:$0x3FAB]  }
0x28: {  	s2 =	sld [smem:$0x3FAC]  }
0x29: {  	s4 =	sld [smem:$0x3FAE]  }
0x2a: {  	p0 =	seq.s32 s5, $0x0;
	s5 =	sld [smem:$0x3FAF]  }
0x2b: {  	s6 =	sld [smem:$0x3FB0]  }
0x2c: {  	s7 =	sld [smem:$0x3FB1]  }
0x2d: {  	s3 =	simm.s32 $0x108;
	s8 =	sld [smem:$0x3FB2]  }
0x2e: {  	s3 =	simm.s32 @!p0 $0x1082;
	s9 =	sld [smem:$0x3FB3]  }
0x2f: {  	lr =	sadd.s32 s0, s3;
	s0 =	sld [smem:$0x3FAA]  }
0x30: {  	s3 =	sld [smem:$0x3FAD]  }
0x31: {  	[smem:$0x3FB6] =	sst s10  }
0x32: {  	s10 =	sld [smem:$0x3FB4];
	_ =	sdelay $0x3  }
0x33: {  	p0 =	seq.s32 s10, $0x1;
	s10 =	sld [smem:$0x3FB6];
	_ =	sdelay $0x3  }
0x34: {  	[smem:$0x3FB6] =	sst s10  }
0x35: {  	s10 =	sld [smem:$0x3FB5];
	_ =	sdelay $0x3  }
0x36: {  	p1 =	seq.s32 s10, $0x1;
	s10 =	sld [smem:$0x3FB6];
	_ =	sdelay $0x3  }
0x37: {  	[smem:$0x3FB6] =	sst s10  }
0x38: {  	s10 =	sld [smem:$0x3FB7]  }
0x39: {  	_ = 	snop;
	(pc) =	sbr.ind lr, $3  }
0x3a: {  	_ = 	snop  }
0x3b: {  	_ = 	snop  }
0x3c: {  	p2 =	seq.s32 s10, $0x1;
	s10 =	sld [smem:$0x3FB6]  }
0x3d: {  	_ =	shalt  }
0x3e: {  	_ =	shalt  }
0x3f: {  	_ =	shalt  }
0x40: {  	_ =	shalt  }
0x41: {  	_ =	shalt  }
0x42: {  	_ =	shalt  }
0x43: {  	_ =	shalt  }
0x44: {  	_ =	shalt  }
0x45: {  	_ =	shalt  }
0x46: {  	_ =	shalt  }
0x47: {  	_ =	shalt  }
0x48: {  	_ =	shalt  }
0x49: {  	_ =	shalt  }
0x4a: {  	_ =	shalt  }
0x4b: {  	_ =	shalt  }
0x4c: {  	_ =	shalt  }
0x4d: {  	_ =	shalt  }
0x4e: {  	_ =	shalt  }
0x4f: {  	_ =	shalt  }
0x50: {  	_ =	shalt  }
0x51: {  	_ =	shalt  }
0x52: {  	_ =	shalt  }
0x53: {  	_ =	shalt  }
0x54: {  	_ =	shalt  }
0x55: {  	_ =	shalt  }
0x56: {  	_ =	shalt  }
0x57: {  	_ =	shalt  }
0x58: {  	_ =	shalt  }
0x59: {  	_ =	shalt  }
0x5a: {  	_ =	shalt  }
0x5b: {  	_ =	shalt  }
0x5c: {  	_ =	shalt  }
0x5d: {  	_ =	shalt  }
0x5e: {  	_ =	shalt  }
0x5f: {  	_ =	shalt  }
0x60: {  	_ =	shalt  }
0x61: {  	_ =	shalt  }
0x62: {  	_ =	shalt  }
0x63: {  	_ =	shalt  }
0x64: {  	_ =	shalt  }
0x65: {  	_ =	shalt  }
0x66: {  	_ =	shalt  }
0x67: {  	_ =	shalt  }
0x68: {  	_ =	shalt  }
0x69: {  	_ =	shalt  }
0x6a: {  	_ =	shalt  }
0x6b: {  	_ =	shalt  }
0x6c: {  	_ =	shalt  }
0x6d: {  	_ =	shalt  }
0x6e: {  	_ =	shalt  }
0x6f: {  	_ =	shalt  }
0x70: {  	_ =	shalt  }
0x71: {  	_ =	shalt  }
0x72: {  	_ =	shalt  }
0x73: {  	_ =	shalt  }
0x74: {  	_ =	shalt  }
0x75: {  	_ =	shalt  }
0x76: {  	_ =	shalt  }
0x77: {  	_ =	shalt  }
0x78: {  	_ =	shalt  }
0x79: {  	_ =	shalt  }
0x7a: {  	_ =	shalt  }
0x7b: {  	_ =	shalt  }
0x7c: {  	_ =	shalt  }
0x7d: {  	_ =	shalt  }
0x7e: {  	_ =	shalt  }
0x7f: {  	_ =	shalt  }
0x80: {  	_ =	shalt  }
0x81: {  	_ =	shalt  }
0x82: {  	_ =	shalt  }
0x83: {  	_ =	shalt  }
0x84: {  	_ =	shalt  }
0x85: {  	_ =	shalt  }
0x86: {  	_ =	shalt  }
0x87: {  	_ =	shalt  }
.Lfunc_end0:
.L_simem_size_0:
called_computation_lowered:
.L_overlay_start_0:
0x88: {  	s2 =	sld [smem:$0x3FD9]  }
0x89: {  	s3 =	sld [smem:$0x3FFE];
	_ =	sdelay $0x1  }
0x8a: {  	s1 =	srdreg.scid  }
0x8b: {  	s0 =	sand.u32 $0x1, s1  }
0x8c: {  	s17 =	sshll.u32 s0, $0xA;
	s2 =	sadd.s32 s3, s2  }
0x8d: {  	s2 =	sadd.s32 s2, s17  }
0x8e: {  	[smem:$0x3FC2] =	sst s2  }
0x8f: {  	_ = 	snop  }
0x90: {  	s2 =	sld [smem:$0x3FD0];
	(tm) =	ssettm $0x1  }
0x91: {  	s18 =	sld [smem:$0x3FFB];
	_ =	sdelay $0x3  }
0x92: {  	_ =	strace s18  }
0x93: {  	s3 =	sld [smem:$0x3FFC];
	_ =	sdelay $0x3  }
0x94: {  	_ =	strace s3  }
0x95: {  	s3 =	sld [smem:$0x3FFD];
	_ =	sdelay $0x3  }
0x96: {  	_ =	strace s3  }
0x97: {  	_ =	strace $0x8FFFFFFF  }
0x98: {  	s19 =	sld [smem:$0x3FDB];
	_ =	sdelay $0x1  }
0x99: {  	s4 =	simm.s32 $_scs_section_size  }
0x9a: {  	s5 =	simm.s32 $_size__tile_overlayer_lowered;
	s6 =	simm.s32 $_tile_overlayer_lowered  }
0x9b: {  	s22 =	simm.s32 $0x1BFF;
	s21 =	sshll.u32 s6, $0x1;
	s3 =	sadd.s32 s4, s19  }
0x9c: {  	s7 =	simm.s32 $0x0;
	s20 =	sshll.u32 s5, $0x1;
	s5 =	sadd.s32 s21, s3  }
0x9d: {  	[timem:s7], [sflag:s22] =	dma.local [hbm:s5], s20  }
0x9e: {  	_ =	swait.ge [sflag:s22], s20  }
0x9f: {  	s4 =	ssub.s32 $0x0, s20;
	[sflag:s22] =	ssyncset.done $0x0  }
0xa0: {  	[sflag:s22] =	ssyncadd.s32 s4;
	_ =	sdelay $0x1  }
0xa1: {  	s23 =	simm.s32 $0x1B8B  }
0xa2: {  	_ =	swait.ge [sflag:s23], $0x1  }
0xa3: {  	[sflag:s23] =	ssyncset.done $0x0  }
0xa4: {  	s25 =	simm.s32 $0x1B8E;
	s24 =	sld [smem:$0x3FFE];
	[sflag:s23] =	ssyncadd.s32 $0xFFFFFFFF  }
0xa5: {  	s26 =	simm.s32 $execute0_lowered;
	[smem:$0x3FD2] =	sst s25  }
0xa6: {  	s5 =	sshll.u32 s26, $0x1;
	_ =	strace $0x80000046;
	[dreg:$0x1] =	wrdreg $0xFFFFFFFF  }
0xa7: {  	s28 =	simm.s32 $_size_execute0_lowered;
	s3 =	sadd.s32 s3, s5;
	[dreg:$0x0] =	wrdreg $0x0  }
0xa8: {  	s5 =	sshll.u32 s28, $0x1;
	[dreg:$0x2] =	wrdreg s3  }
0xa9: {  	[dreg:$0x3] =	wrdreg s5  }
0xaa: {  	[dreg:$0x4] =	wrdreg $0xC0  }
0xab: {  	_ =	task [dreg:s7], $0x5FFFF  }
0xac: {  	[dreg:$0x1] =	wrdreg $0xFFFFFFFF  }
0xad: {  	[dreg:$0x0] =	wrdreg $0x60  }
0xae: {  	[dreg:$0x2] =	wrdreg s2  }
0xaf: {  	[dreg:$0x3] =	wrdreg s24  }
0xb0: {  	[dreg:$0x4] =	wrdreg $0x2C000  }
0xb1: {  	[dreg:$0x5] =	wrdreg $0x9  }
0xb2: {  	_ =	task.clear_ibuf [dreg:s7], $0x6FFFF;
	_ =	strace $0x90000046  }
0xb3: {  	s29 =	simm.s32 $0x9;
	_ =	strace $0x80000048  }
0xb4: {  	_ =	swait.ge [sflag:s29], $0x1  }
0xb5: {  	[sflag:s29] =	ssyncadd.s32 $0xFFFFFFFF  }
0xb6: {  	_ =	strace $0x90000048  }
0xb7: {  	_ =	sfence  }
0xb8: {  	s30 =	sld [smem:$0x0];
	_ =	sdelay $0x2  }
0xb9: {  	s31 =	sshll.u32 s1, $0xD;
	s1 =	sshrl.u32 s1, $0x2  }
0xba: {  	s3 =	sand.u32 $0x4000, s31;
	s1 =	sadd.s32 s1, s30  }
0xbb: {  	s0 =	sor.u32 s3, s0;
	s1 =	sshll.u32 s1, $0x11  }
0xbc: {  	s0 =	sor.u32 s1, s0  }
0xbd: {  	s0 =	sadd.s32 $0x8F2B, s0  }
0xbe: {  	[sflag:s0] =	ssyncadd.remote.s32 $0x1  }
0xbf: {  	_ =	sfence.sel $0xFFFF  }
0xc0: {  	[dreg:$0x0] =	wrdreg $0xFFFFFFFF;
	(pc) =	sbr.abs _section_cstart, $3  }
0xc1: {  	[dreg:$0x1] =	wrdreg $0xFFFFFFFF  }
0xc2: {  	_ =	task.clear_ibuf [dreg:s7], $0x2FFFF;
	_ =	strace $0x9FFFFFFF  }
0xc3: {  	(tm) =	ssettm $0x7FFFFFFF  }
tec
execute0_lowered:
.L_overlay_start_1:
0x0: {  	(tag) =	ssettag $0x1  }
0x1: {  	s0 =	rddreg [dreg:$0x0]  }
0x2: {  	s6 =	rddreg [dreg:$0x1]  }
0x3: {  	s2 =	rddreg [dreg:$0x2];
	s3 =	simm.s32 $0x0;
	s4 =	srdreg.scid  }
0x4: {  	s1 =	stileid.u32;
	s13 =	simm.s32 $0x400;
	s14 =	simm.s32 $0x2B80  }
0x5: {  	s15 =	simm.s32 $0x20;
	s16 =	simm.s32 $0x1;
	s17 =	simm.s32 $0x2  }
0x6: {  	s18 =	simm.s32 $0x3;
	s19 =	simm.s32 $0x4;
	s20 =	simm.s32 $0x5  }
0x7: {  	s21 =	simm.s32 $0x6;
	s22 =	simm.s32 $0x7;
	s23 =	simm.s32 $0x8  }
0x8: {  	s24 =	simm.s32 $0x10;
	s25 =	simm.s32 $0x0;
	[smem:$0x7FF] =	sst s3  }
0x9: {  	s7 =	sand.u32 $0x1, s4;
	s5 =	smul.u32 $0x500, s1;
	s4 =	sadd.s32 $0x2600, s6  }
0xa: {  	s10 =	sshll.u32 s1, $0x7;
	s12 =	smul.u32 $0xA00, s1;
	s31 =	sshll.u32 s1, $0x6  }
0xb: {  	_ =	strace $0x80000047;
	s8 =	sshll.u32 s7, $0x7;
	s9 =	sshll.u32 s7, $0x4  }
0xc: {  	s7 =	ssub.s32 $0x2, s7;
	s10 =	sand.u32 $0x380, s10;
	s9 =	sor.u32 s1, s9  }
0xd: {  	s8 =	sor.u32 s8, s5;
	s5 =	sadd.s32 $0x2400, s6;
	s9 =	sshrl.u32 s9, $0x3  }
0xe: {  	s11 =	sshrl.u32 s7, $0x1;
	s30 =	sshrl.u32 s12, $0x2;
	s9 =	smul.u32 $0x13C00, s9  }
0xf: {  	s8 =	sshrl.u32 s8, $0x3;
	s11 =	ssub.s32 s7, s11;
	s12 =	sadd.s32 s30, s2  }
0x10: {  	s8 =	sadd.s32 s8, s6;
	s6 =	sor.u32 $0x1C09, s31;
	s29 =	sor.u32 s10, s9  }
0x11: {  	s8 =	sadd.s32 $0x2800, s8;
	s9 =	smax.u32 s11, $0x1;
	s10 =	sshrl.u32 s29, $0x3  }
0x12: {  	s11 =	simm.s32 $0x9;
	s7 =	sadd.s32 s0, s10;
	s10 =	sshrl.u32 s12, $0x3  }
.LBB2_1:
0x13: {  	[spmem:s10], [sflag:s6] =	dma.local [hbm:s4], $0x50  }
0x14: {  	_ =	swait.ge [sflag:s11], $0x50  }
0x15: {  	[sflag:s11] =	ssyncset.done $0x0  }
0x16: {  	s0 =	simm.s32 $0x80;
	[sflag:s11] =	ssyncadd.s32 $0xFFFFFFB0  }
0x17: {  	[tilespmem:s3], [sflag:$0x9] =	stream.strided.gather [hbm4b:s7+s0], $0x2780, s13, s0, $0x38;
	[tilespmem:$0x2E80] =	vst v63  }
0x18: {  	_ =	swait.ge [sflag:s11], $0x2780  }
0x19: {  	[sflag:s11] =	ssyncset.done $0x0  }
0x1a: {  	[sflag:s11] =	ssyncadd.s32 $0xFFFFD880  }
0x1b: {  	[tilespmem:s14], [sflag:$0x9] =	stream.linear.gather [hbm4b:s5+s3], $0x80, $0x38;
	[tilespmem:$0x2E80] =	vst v63  }
0x1c: {  	_ =	swait.ge [sflag:s11], $0x80  }
0x1d: {  	[sflag:s11] =	ssyncset.done $0x0  }
0x1e: {  	p0 =	por $0x1, $0x1;
	s0 =	sand.u32 $0x7, s3;
	[sflag:s11] =	ssyncadd.s32 $0xFFFFFF80  }
0x1f: {  	s26 =	sadd.s32 @!p0 $0x1, s0;
	[bflag:$0x0] =	sbarrier.arrive $0xFFFF  }
0x20: {  	_ =	swait.ge @!p0 [sflag:s26], $0x20  }
0x21: {  	[sflag:s26] =	ssyncset.done @!p0 $0x0  }
0x22: {  	[sflag:s26] =	ssyncadd.s32 @!p0 $0xFFFFFFE0  }
0x23: {  	v0 =	vld [tilespmem:s24+$0xFFFFFFF0];
	_ =	sdelay $0x4  }
0x24: {  	s30 =	sshll.u32 s0, $0x7;
	v0 =	vshra.s32 v0, $0xE  }
0x25: {  	[tilespmem:s30+$0x2780] =	vst v0  }
0x26: {  	v0 =	vld [tilespmem:s24+$0x0];
	_ =	sdelay $0x2  }
0x27: {  	s12 =	simm.s32 $0x1  }
0x28: {  	s29 =	simm.s32 $0x2;
	s28 =	simm.s32 $0x10;
	s31 =	sadd.s32 $0x1, s0  }
0x29: {  	s0 =	sadd.s32 $0x2780, s30;
	s26 =	sand.u32 $0x7, s12;
	p0 =	por $0x1, $0x1;
	v0 =	vshra.s32 v0, $0xE  }
.LBB2_2:
0x2a: {  	s1 =	sadd.s32 @!p0 $0x1, s26  }
0x2b: {  	[tilespmem:s30+$0x2790] =	vst v0;
	s28 =	sadd.s32 $0x20, s28;
	s12 =	smov.u32 s29;
	s29 =	sadd.s32 $0x1, s29  }
0x2c: {  	[spmem:s2] =	stream.indirect.scatter.add.f32 [tilespmem:s14], [sflag:s31], $0x1, s0, s15, $0xb8;
	[tilespmem:$0x2E80] =	vst v63  }
0x2d: {  	p1 =	sne.s32 s29, $0x139;
	_ =	swait.ge @!p0 [sflag:s1], $0x20  }
0x2e: {  	[sflag:s1] =	ssyncset.done @!p0 $0x0  }
0x2f: {  	[sflag:s1] =	ssyncadd.s32 @!p0 $0xFFFFFFE0  }
0x30: {  	v0 =	vld [tilespmem:s28+$0xFFFFFFF0];
	_ =	sdelay $0x4  }
0x31: {  	s30 =	sshll.u32 s26, $0x7;
	v0 =	vshra.s32 v0, $0xE  }
0x32: {  	[tilespmem:s30+$0x2780] =	vst v0  }
0x33: {  	v0 =	vld [tilespmem:s28+$0x0]  }
.Ltmp0:
0x34: {  	(pc) =	sbr.rel @p1 .LBB2_2-.Ltmp0, $3  }
0x35: {  	_ =	sdelay $0x1  }
0x36: {  	s31 =	sadd.s32 $0x1, s26  }
0x37: {  	s26 =	sand.u32 $0x7, s12;
	s0 =	sadd.s32 $0x2780, s30;
	p0 =	slt.u32 s12, $0x8;
	v0 =	vshra.s32 v0, $0xE  }
0x38: {  	s1 =	sadd.s32 @!p0 $0x1, s26;
	[tilespmem:s30+$0x2790] =	vst v0  }
0x39: {  	[spmem:s2] =	stream.indirect.scatter.add.f32 [tilespmem:s14], [sflag:s31], $0x1, s0, s15, $0xb8;
	[tilespmem:$0x2E80] =	vst v63  }
0x3a: {  	_ =	swait.ge @!p0 [sflag:s1], $0x20  }
0x3b: {  	[sflag:s1] =	ssyncset.done @!p0 $0x0  }
0x3c: {  	s29 =	sadd.s32 $0x20, s28;
	[sflag:s1] =	ssyncadd.s32 @!p0 $0xFFFFFFE0  }
0x3d: {  	v63 =	vld [tilespmem:s29+$0xFFFFFFF0];
	_ =	sdelay $0x4  }
0x3e: {  	s30 =	sshll.u32 s26, $0x7;
	v0 =	vshra.s32 v63, $0xE  }
0x3f: {  	[tilespmem:s30+$0x2780] =	vst v0  }
0x40: {  	v0 =	vld [tilespmem:s29+$0x0];
	_ =	sdelay $0x4  }
0x41: {  	v0 =	vshra.s32 v0, $0xE  }
0x42: {  	s31 =	sadd.s32 $0x1, s26;
	s12 =	sadd.s32 $0x2780, s30;
	[tilespmem:s30+$0x2790] =	vst v0  }
0x43: {  	[spmem:s2] =	stream.indirect.scatter.add.f32 [tilespmem:s14], [sflag:s31], $0x1, s12, s15, $0xb8;
	[tilespmem:$0x2E80] =	vst v63  }
0x44: {  	_ =	swait.ge [sflag:s16], $0x20  }
0x45: {  	[sflag:s16] =	ssyncset.done $0x0  }
0x46: {  	[sflag:s16] =	ssyncadd.s32 $0xFFFFFFE0  }
0x47: {  	_ =	swait.ge [sflag:s17], $0x20  }
0x48: {  	[sflag:s17] =	ssyncset.done $0x0  }
0x49: {  	[sflag:s17] =	ssyncadd.s32 $0xFFFFFFE0  }
0x4a: {  	_ =	swait.ge [sflag:s18], $0x20  }
0x4b: {  	[sflag:s18] =	ssyncset.done $0x0  }
0x4c: {  	[sflag:s18] =	ssyncadd.s32 $0xFFFFFFE0  }
0x4d: {  	_ =	swait.ge [sflag:s19], $0x20  }
0x4e: {  	[sflag:s19] =	ssyncset.done $0x0  }
0x4f: {  	[sflag:s19] =	ssyncadd.s32 $0xFFFFFFE0  }
0x50: {  	_ =	swait.ge [sflag:s20], $0x20  }
0x51: {  	[sflag:s20] =	ssyncset.done $0x0  }
0x52: {  	[sflag:s20] =	ssyncadd.s32 $0xFFFFFFE0  }
0x53: {  	_ =	swait.ge [sflag:s21], $0x20  }
0x54: {  	[sflag:s21] =	ssyncset.done $0x0  }
0x55: {  	[sflag:s21] =	ssyncadd.s32 $0xFFFFFFE0  }
0x56: {  	_ =	swait.ge [sflag:s22], $0x20  }
0x57: {  	[sflag:s22] =	ssyncset.done $0x0  }
0x58: {  	[sflag:s22] =	ssyncadd.s32 $0xFFFFFFE0  }
0x59: {  	_ =	swait.ge [sflag:s23], $0x20  }
0x5a: {  	s25 =	sadd.s32 $0x1, s25;
	[sflag:s23] =	ssyncset.done $0x0  }
0x5b: {  	p0 =	sne.s32 s25, s9;
	[sflag:s23] =	ssyncadd.s32 $0xFFFFFFE0  }
.Ltmp1:
0x5c: {  	[bflag:$0x0] =	sbarrier.arrive $0xFFFF;
	(pc) =	sbr.rel @p0 .LBB2_1-.Ltmp1, $4  }
0x5d: {  	[hbm:s8@s15], [sflag:s6] =	dma.strided [spmem:s10@s24], $0x50, s16, $0x10   }
0x5e: {  	_ =	swait.ge [sflag:s11], $0x50  }
0x5f: {  	[sflag:s11] =	ssyncset.done $0x0  }
0x60: {  	[sflag:s11] =	ssyncadd.s32 $0xFFFFFFB0  }
0x61: {  	_ =	sfence.sel $0x180000  }
0x62: {  	[bflag:$0x0] =	sbarrier.arrive $0xFFFF  }
0x63: {  	_ =	strace $0x90000047  }
0x64: {  	s0 =	stileid.u32;
	[bflag:$0x2] =	sbarrier.arrive $0xFFFF  }
0x65: {  	p0 =	sne.s32 s0, $0x0;
	s0 =	rddreg [dreg:$0x3]  }
0x66: {  	s0 =	sadd.s32 @!p0 $0x100000, s0  }
0x67: {  	[sflag:s0] =	ssyncadd.tile.s32 @!p0 $0x1;
	_ =	shalt  }
.Lfunc_end2:
_tile_overlayer_lowered:
.L_overlay_start_2:
0x68: {  	(tag) =	ssettag $0x2  }
0x69: {  	s0 =	rddreg [dreg:$0x0];
	s2 =	stileid.u32  }
0x6a: {  	s1 =	rddreg [dreg:$0x1];
	p0 =	sne.s32 s2, $0x0  }
0x6b: {  	s3 =	rddreg [dreg:$0x2];
	[bflag:$0x3] =	sbarrier.arrive $0xFFFF;
	s2 =	simm.s32 @!p0 $0x1C09  }
0x6c: {  	[timem:s3], [sflag:s2] =	dma.local @!p0 [hbm:s0], s1  }
0x6d: {  	s0 =	simm.s32 @!p0 $0x9  }
0x6e: {  	_ =	swait.ge @!p0 [sflag:s0], s1  }
0x6f: {  	s1 =	ssub.s32 @!p0 $0x0, s1;
	[sflag:s0] =	ssyncset.done @!p0 $0x0  }
0x70: {  	[sflag:s0] =	ssyncadd.s32 @!p0 s1  }
0x71: {  	[bflag:$0x3] =	sbarrier.arrive $0xFFFF  }
0x72: {  	_ =	shalt  }

</sc_bundles>
